<compile_context>
chip_gen: v7x
topology: tpu7x:2x2x1
jax: 0.10.2.dev20260603
libtpu: 0.0.44.dev20260713+nightly
codegen_flags: <defaults>
</compile_context>

<pallas_src>
import functools

import jax
import jax.numpy as jnp
from jax import lax
from jax.experimental import pallas as pl
from jax.experimental.pallas import tpu as pltpu
from jax.experimental.pallas import tpu_sc as plsc

N = 100000
E = 1600000
C = 16

N_PAD = 102400
NW = 32
ROWS_PER_W = 392
CH = 56
CHUNKS = 7
CH_C = 8
CHUNKS_C = 49
E_PAD = NW * ROWS_PER_W * 128
SLICE = N_PAD // 16
SROW = C * N_PAD // 16

@functools.lru_cache(maxsize=None)
def _mesh():
  return plsc.VectorSubcoreMesh(
      core_axis_name="c", subcore_axis_name="s", num_cores=2, num_subcores=16)


def _sc_degree_body(row_hbm, deg_out, deg_sh, rbuf, ones_v, zb,
                    sem_q, sem_s):
  cc = lax.axis_index("c")
  ss = lax.axis_index("s")
  w = cc * 16 + ss

  def zfill(i, _):
    zb[pl.ds(i * 16, 16)] = jnp.zeros((16,), jnp.float32)
    return 0
  lax.fori_loop(0, SLICE // 16, zfill, 0)

  def ofill(i, _):
    ones_v[pl.ds(i * 16, 16)] = jnp.ones((16,), jnp.float32)
    return 0
  lax.fori_loop(0, 8, ofill, 0)

  pltpu.sync_copy(zb, deg_sh.at[pl.ds(ss * SLICE, SLICE)])
  plsc.subcore_barrier()

  row0 = w * ROWS_PER_W

  def seq_start(ci, par):
    pltpu.async_copy(
        row_hbm.at[pl.ds(row0 + ci * CH, CH)], rbuf.at[par], sem_q)

  def seq_wait(ci, par):
    pltpu.make_async_copy(
        row_hbm.at[pl.ds(row0 + ci * CH, CH)], rbuf.at[par], sem_q).wait()

  seq_start(0, 0)

  def chunk(ci, _):
    p = lax.rem(ci, 2)
    pn = 1 - p

    @pl.when(ci + 1 < CHUNKS)
    def _():
      seq_start(ci + 1, pn)

    seq_wait(ci, p)
    for b0, bn in ((0, 32), (32, 24)):
      for j in range(b0, b0 + bn):
        pltpu.async_copy(ones_v, deg_sh.at[rbuf.at[p, j]], sem_s, add=True)
      pltpu.make_async_copy(
          row_hbm.at[pl.ds(row0, bn)], rbuf.at[p, pl.ds(b0, bn)],
          sem_s).wait()
    return 0
  lax.fori_loop(0, CHUNKS, chunk, 0)

  plsc.subcore_barrier()
  pltpu.sync_copy(deg_sh.at[pl.ds(ss * SLICE, SLICE)],
                  deg_out.at[pl.ds(cc * N_PAD + ss * SLICE, SLICE)])


@functools.lru_cache(maxsize=None)
def _sc_degree():
  return pl.kernel(
      _sc_degree_body,
      out_type=jax.ShapeDtypeStruct((2 * N_PAD,), jnp.float32),
      mesh=_mesh(),
      scratch_types=[
          pltpu.VMEM_SHARED((N_PAD,), jnp.float32),
          pltpu.VMEM((2, CH, 128), jnp.int32),
          pltpu.VMEM((128,), jnp.float32),
          pltpu.VMEM((SLICE,), jnp.float32),
          pltpu.SemaphoreType.DMA,
          pltpu.SemaphoreType.DMA,
      ],
  )


def _sc_scatter_body(row_hbm, col_hbm, packed_hbm, s_out,
                     s_sh, pk_sh, rbuf, cbuf, gbuf, sixb, vbuf, zbuf,
                     sem_q, sem_g, sem_s):
  cc = lax.axis_index("c")
  ss = lax.axis_index("s")
  w = cc * 16 + ss
  zlen = 2 * CH_C * 128

  def zfill(k, _):
    zbuf[pl.ds(k * 16, 16)] = jnp.zeros((16,), jnp.float32)
    return 0
  lax.fori_loop(0, zlen // 16, zfill, 0)

  nz = SROW // zlen

  def zs(t, _):
    pltpu.async_copy(zbuf, s_sh.at[pl.ds(ss * SROW + t * zlen, zlen)], sem_q)
    return 0
  lax.fori_loop(0, nz, zs, 0)

  pltpu.sync_copy(packed_hbm.at[pl.ds(ss * SLICE, SLICE)],
                  pk_sh.at[pl.ds(ss * SLICE, SLICE)])

  def zw(t, _):
    pltpu.make_async_copy(
        zbuf, s_sh.at[pl.ds(ss * SROW + t * zlen, zlen)], sem_q).wait()
    return 0
  lax.fori_loop(0, nz, zw, 0)
  plsc.subcore_barrier()

  row0 = w * ROWS_PER_W

  def seq_start(ci, par):
    base = row0 + ci * CH_C
    pltpu.async_copy(row_hbm.at[pl.ds(base, CH_C)], rbuf.at[par], sem_q)
    pltpu.async_copy(col_hbm.at[pl.ds(base, CH_C)], cbuf.at[par], sem_q)

  def seq_wait(ci, par):
    base = row0 + ci * CH_C
    pltpu.make_async_copy(
        row_hbm.at[pl.ds(base, CH_C)], rbuf.at[par], sem_q).wait()
    pltpu.make_async_copy(
        col_hbm.at[pl.ds(base, CH_C)], cbuf.at[par], sem_q).wait()

  def gather_start(par):
    for j in range(CH_C):
      pltpu.async_copy(pk_sh.at[rbuf.at[par, j]], gbuf.at[par, j], sem_g)

  def gather_wait(par):
    pltpu.make_async_copy(
        row_hbm.at[pl.ds(row0, CH_C)], gbuf.at[par], sem_g).wait()

  def scatter_drain(par):
    pltpu.make_async_copy(
        col_hbm.at[pl.ds(row0, CH_C)], sixb.at[par], sem_s).wait()

  seq_start(0, 0)
  seq_wait(0, 0)
  gather_start(0)

  def chunk(ci, _):
    p = lax.rem(ci, 2)
    pn = 1 - p
    nxt = ci + 1 < CHUNKS_C

    @pl.when(nxt)
    def _():
      seq_start(ci + 1, pn)

    gather_wait(p)

    @pl.when(ci >= 2)
    def _():
      scatter_drain(p)

    for j in range(CH_C):
      def inner(k, _):
        g = gbuf[p, j, pl.ds(k * 16, 16)]
        cv = cbuf[p, j, pl.ds(k * 16, 16)]
        lab = jnp.bitwise_and(g, 15)
        sixb[p, j, pl.ds(k * 16, 16)] = lab * N_PAD + cv
        vbits = jnp.bitwise_and(g, -16)
        vbuf[p, j, pl.ds(k * 16, 16)] = lax.bitcast_convert_type(
            vbits, jnp.float32)
        return 0
      lax.fori_loop(0, 8, inner, 0)
      pltpu.async_copy(vbuf.at[p, j], s_sh.at[sixb.at[p, j]], sem_s, add=True)

    @pl.when(nxt)
    def _():
      seq_wait(ci + 1, pn)
      gather_start(pn)
    return 0

  lax.fori_loop(0, CHUNKS_C, chunk, 0)
  scatter_drain(0)
  scatter_drain(1)

  plsc.subcore_barrier()
  pltpu.sync_copy(s_sh.at[pl.ds(ss * SROW, SROW)],
                  s_out.at[pl.ds((cc * 16 + ss) * SROW, SROW)])


@functools.lru_cache(maxsize=None)
def _sc_scatter():
  return pl.kernel(
      _sc_scatter_body,
      out_type=jax.ShapeDtypeStruct((2 * C * N_PAD,), jnp.float32),
      mesh=_mesh(),
      scratch_types=[
          pltpu.VMEM_SHARED((C * N_PAD,), jnp.float32),
          pltpu.VMEM_SHARED((N_PAD,), jnp.int32),
          pltpu.VMEM((2, CH_C, 128), jnp.int32),
          pltpu.VMEM((2, CH_C, 128), jnp.int32),
          pltpu.VMEM((2, CH_C, 128), jnp.int32),
          pltpu.VMEM((2, CH_C, 128), jnp.int32),
          pltpu.VMEM((2, CH_C, 128), jnp.float32),
          pltpu.VMEM((2 * CH_C * 128,), jnp.float32),
          pltpu.SemaphoreType.DMA,
          pltpu.SemaphoreType.DMA,
          pltpu.SemaphoreType.DMA,
      ],
  )


_BC = 2048


def _tc_prep_body(yt_ref, xt_ref, m_ref, dp_ref, qt_ref, pk_ref, cnt_ref):
  i = pl.program_id(0)
  y = yt_ref[...]
  x = xt_ref[...]
  m = m_ref[...]
  deg = dp_ref[0:1, :] + dp_ref[1:2, :]
  dis = jnp.where(deg > 0.0, lax.rsqrt(deg), 0.0)
  xm = jnp.max(x, axis=0, keepdims=True)
  ex = jnp.exp(x - xm)
  sm = ex / jnp.sum(ex, axis=0, keepdims=True)
  blend = sm * (1.0 - m) + y * m
  qt_ref[...] = blend * dis
  iot = lax.broadcasted_iota(jnp.int32, (C, _BC), 0).astype(jnp.float32)
  lab = jnp.sum(y * iot, axis=0, keepdims=True)
  labi = lab.astype(jnp.int32)
  rv = m * dis
  pb = lax.bitcast_convert_type(rv, jnp.int32)
  pk_ref[...] = jnp.bitwise_or(jnp.bitwise_and(pb, jnp.int32(-16)), labi)
  cs = jnp.sum(y * m, axis=1, keepdims=True)

  @pl.when(i == 0)
  def _():
    cnt_ref[...] = jnp.zeros_like(cnt_ref)
  cnt_ref[...] += jnp.broadcast_to(cs, (C, 128))


def _tc_prep(yt, xt, m2, degp):
  return pl.pallas_call(
      _tc_prep_body,
      grid=(N_PAD // _BC,),
      in_specs=[
          pl.BlockSpec((C, _BC), lambda i: (0, i)),
          pl.BlockSpec((C, _BC), lambda i: (0, i)),
          pl.BlockSpec((1, _BC), lambda i: (0, i)),
          pl.BlockSpec((2, _BC), lambda i: (0, i)),
      ],
      out_specs=[
          pl.BlockSpec((C, _BC), lambda i: (0, i)),
          pl.BlockSpec((1, _BC), lambda i: (0, i)),
          pl.BlockSpec((C, 128), lambda i: (0, 0)),
      ],
      out_shape=[
          jax.ShapeDtypeStruct((C, N_PAD), jnp.float32),
          jax.ShapeDtypeStruct((1, N_PAD), jnp.int32),
          jax.ShapeDtypeStruct((C, 128), jnp.float32),
      ],
  )(yt, xt, m2, degp)


_BK = 512
_KSTEPS = N_PAD // _BK


def _tc_finish_body(s_ref, q_ref, c_ref, h_ref, acc_a, acc_b):
  k = pl.program_id(0)

  @pl.when(k == 0)
  def _():
    acc_a[...] = jnp.zeros_like(acc_a)
    acc_b[...] = jnp.zeros_like(acc_b)

  s = s_ref[0] + s_ref[1]
  q = q_ref[...]
  dn = (((1,), (1,)), ((), ()))
  acc_a[...] += lax.dot_general(s, q, dn, preferred_element_type=jnp.float32)
  acc_b[...] += lax.dot_general(q, s, dn, preferred_element_type=jnp.float32)

  @pl.when(k == _KSTEPS - 1)
  def _():
    h_raw = acc_a[...]
    h_raw_t = acc_b[...]
    ccol = c_ref[:, 0:1]
    eye = (lax.broadcasted_iota(jnp.int32, (C, C), 0)
           == lax.broadcasted_iota(jnp.int32, (C, C), 1))
    crow = jnp.sum(jnp.where(eye, c_ref[:, 0:C], 0.0),
                   axis=0, keepdims=True)
    rnc = ccol == 0.0
    rnr = crow == 0.0
    h0 = h_raw / jnp.where(rnc, 1.0, ccol)
    h0t = h_raw_t / jnp.where(rnr, 1.0, crow)
    h2 = jnp.where(rnc, h0t, h0)
    nan2 = jnp.logical_and(rnc, rnr)
    hzf = jnp.where(nan2, 0.0, h2)
    rowsum = jnp.sum(hzf, axis=1, keepdims=True)
    rtot = jnp.sum(rnc.astype(jnp.float32))
    denom = jnp.where(rnc, jnp.maximum(rtot, 1.0), 1.0)
    miss = (1.0 - rowsum) / denom
    h3 = jnp.where(nan2, miss, hzf)

    def sink(t, hx):
      hx = hx / jnp.sum(hx, axis=0, keepdims=True)
      hx = hx / jnp.sum(hx, axis=1, keepdims=True)
      return hx
    h_ref[...] = lax.fori_loop(0, 100, sink, h3)


def _tc_finish(sp, qt, counts2):
  return pl.pallas_call(
      _tc_finish_body,
      grid=(_KSTEPS,),
      in_specs=[
          pl.BlockSpec((2, C, _BK), lambda k: (0, 0, k)),
          pl.BlockSpec((C, _BK), lambda k: (0, k)),
          pl.BlockSpec((C, 128), lambda k: (0, 0)),
      ],
      out_specs=pl.BlockSpec((C, C), lambda k: (0, 0)),
      out_shape=jax.ShapeDtypeStruct((C, C), jnp.float32),
      scratch_shapes=[
          pltpu.VMEM((C, C), jnp.float32),
          pltpu.VMEM((C, C), jnp.float32),
      ],
  )(sp, qt, counts2)


def kernel(y, init_inputs, edge_index, sample_mask):
  row = edge_index[0]
  col = edge_index[1]
  pad_e = E_PAD - E
  rowp = jnp.concatenate(
      [row, jnp.full((pad_e,), N, jnp.int32)]).reshape(-1, 128)
  colp = jnp.concatenate(
      [col, jnp.full((pad_e,), N, jnp.int32)]).reshape(-1, 128)
  m = sample_mask.astype(jnp.float32)
  yt = jnp.pad(y.T, ((0, 0), (0, N_PAD - N)))
  xt = jnp.pad(init_inputs.T, ((0, 0), (0, N_PAD - N)))
  m2 = jnp.pad(m[None, :], ((0, 0), (0, N_PAD - N)))

  degp = _sc_degree()(rowp).reshape(2, N_PAD)
  qt, packed2, counts2 = _tc_prep(yt, xt, m2, degp)
  packed = packed2.reshape(-1)
  sp = _sc_scatter()(rowp, colp, packed).reshape(2, C, N_PAD)
  return _tc_finish(sp, qt, counts2)

# --- scband reference (transcript-rebuilt; emitter-appended) ---
"""Pipeline reference for scband-compatibility-layer-1219770712805 (READ-ONLY COPY).

The authoritative reference and input builder live on the scoring server;
editing this copy changes nothing except your own understanding.
"""

import jax, jax.numpy as jnp
import numpy as np

N = 100000
E = 1600000
C = 16

def setup_inputs(seed: int = 0):
    key = jax.random.key(seed)
    k1, k2, k3, k4 = jax.random.split(key, 4)
    edge_index = jax.random.randint(k1, (2, E), 0, N, dtype=jnp.int32)
    labels = jax.random.randint(k2, (N,), 0, C, dtype=jnp.int32)
    y = jax.nn.one_hot(labels, C, dtype=jnp.float32)
    init_inputs = jax.random.normal(k3, (N, C), dtype=jnp.float32)
    sample_mask = jax.random.randint(k4, (N,), 0, 2, dtype=jnp.int32) > 0
    return {"y": y, "init_inputs": init_inputs, "edge_index": edge_index, "sample_mask": sample_mask}

def _normalize_sparse(edge_index):
    # normalize_sparse_tensor: symmetric D^{-1/2} A D^{-1/2} on COO adjacency
    row, col = edge_index[0], edge_index[1]
    vals = jnp.ones(row.shape[0], dtype=jnp.float32)
    deg = jax.ops.segment_sum(vals, row, num_segments=N)
    d_inv_sqrt = jnp.where(deg > 0, 1.0 / jnp.sqrt(deg), 0.0)
    norm_vals = d_inv_sqrt[row] * vals * d_inv_sqrt[col]
    return row, col, norm_vals

def _sinkhorn(H, n_iter=100):
    # makeDoubleStochasticH: Sinkhorn iterations (fixed trip count; converges well before 100 iters for 16x16)
    for _ in range(n_iter):
        H = H / H.sum(axis=0, keepdims=True)
        H = H / H.sum(axis=1, keepdims=True)
    return H

def reference(y, init_inputs, edge_index, sample_mask):
    row, col, norm_vals = _normalize_sparse(edge_index)
    m = sample_mask.astype(jnp.float32)
    inputs = jax.nn.softmax(init_inputs, axis=1)
    inputs = inputs * (1.0 - m[:, None]) + y * m[:, None]
    y2 = y * m[:, None]
    # sparse matmul: raw_normed_adj @ inputs  (gather + scatter-add)
    msg = norm_vals[:, None] * jnp.take(inputs, col, axis=0)
    nodeH = jax.ops.segment_sum(msg, row, num_segments=N)
    # per-class mean of nodeH over rows where y[:, i] != 0
    ynz = (y2 != 0).astype(jnp.float32)
    counts = ynz.sum(axis=0)
    H = (ynz.T @ nodeH) / counts[:, None]  # 0/0 -> nan matches torch mean of empty selection
    H_nan = jnp.isnan(H)
    H = jnp.where(H_nan, H.T, H)
    H_nan = jnp.isnan(H)
    H_zerofill = jnp.where(H_nan, 0.0, H)
    H_miss = 1.0 - jnp.sum(H_zerofill, axis=1, keepdims=True)
    denom = jnp.maximum(jnp.sum(H_nan, axis=1, keepdims=True).astype(jnp.float32), 1.0)
    H_miss = H_miss / denom
    H = jnp.where(H_nan, H_miss, H_zerofill)
    H = _sinkhorn(H, 100)
    return H

if __name__ == "__main__":
    import jax
    _d = setup_inputs()
    print(jax.jit(kernel)(*tuple(_d.values())))

</pallas_src>

<mosaic_0001>
#map = affine_map<(d0, d1) -> (0, 0)>
#map1 = affine_map<(d0, d1) -> (0)>
module attributes {stable_mosaic.version = 14 : i64} {
  func.func @_sc_degree_body(%arg0: i32, %arg1: i32, %arg2: memref<12544x128xi32, #tpu.memory_space<hbm>>, %arg3: memref<204800xf32, #tpu.memory_space<hbm>>, %arg4: memref<102400xf32, #tpu.memory_space<vmem_shared>>, %arg5: memref<2x56x128xi32, #tpu.memory_space<vmem>>, %arg6: memref<128xf32, #tpu.memory_space<vmem>>, %arg7: memref<6400xf32, #tpu.memory_space<vmem>>, %arg8: memref<!tpu.dma_semaphore, #tpu.memory_space<semaphore_mem>>, %arg9: memref<!tpu.dma_semaphore, #tpu.memory_space<semaphore_mem>>) attributes {dimension_semantics = [#tpu.dimension_semantics<core_parallel>, #tpu.dimension_semantics<subcore_parallel>], iteration_bounds = array<i64: 2, 16>, scalar_prefetch = 0 : i64, scratch_operands = 6 : i64, tpu.core_type = #tpu.core_type<sc_vector_subcore>, window_params = [{transform_indices = #map}, {transform_indices = #map1}]} {
    %mul3A = arith.constant 16 : i32
    %mul3A_0 = arith.muli %arg0, %mul3A : i32
    %add3A = arith.addi %mul3A_0, %arg1 : i32
    %scan3A = arith.constant 0 : i32
    %scan3A_1 = arith.constant 0 : i32
    %scan3A_2 = arith.constant 400 : i32
    %scan3A_3 = arith.addi %scan3A_1, %scan3A_2 : i32
    %scan3A_4 = arith.constant 1 : i32
    %scan3A_5 = scf.for %scan3A_47 = %scan3A_1 to %scan3A_3 step %scan3A_4 iter_args(%scan3A_48 = %scan3A) -> (i32)  : i32 {
      %broadcast_in_dim3A = arith.constant 0.000000e+00 : f32
      %broadcast_in_dim3A_49 = vector.broadcast %broadcast_in_dim3A : f32 to vector<16xf32>
      %mul3A_50 = arith.constant 16 : i32
      %mul3A_51 = arith.muli %scan3A_47, %mul3A_50 : i32
      %swap3A = arith.index_cast %mul3A_51 : i32 to index
      %swap3A_52 = tpu.vector_load %arg7[%swap3A] {strides = array<i32>} : memref<6400xf32, #tpu.memory_space<vmem>>, vector<16xf32>,
      %swap3A_53 = vector.shape_cast %swap3A_52 : vector<16xf32> to vector<16xf32>
      %swap3A_54 = vector.shape_cast %broadcast_in_dim3A_49 : vector<16xf32> to vector<16xf32>
      tpu.vector_store %arg7[%swap3A], %swap3A_54 {strides = array<i32>} : memref<6400xf32, #tpu.memory_space<vmem>>, vector<16xf32>,
      %scan3A_55 = arith.constant 0 : i32
      scf.yield %scan3A_55 : i32
    }
    %scan3A_6 = arith.constant 400 : i32
    %scan3A_7 = arith.constant 0 : i32
    %scan3A_8 = arith.constant 0 : i32
    %scan3A_9 = arith.constant 8 : i32
    %scan3A_10 = arith.addi %scan3A_8, %scan3A_9 : i32
    %scan3A_11 = arith.constant 1 : i32
    %scan3A_12 = scf.for %scan3A_47 = %scan3A_8 to %scan3A_10 step %scan3A_11 iter_args(%scan3A_48 = %scan3A_7) -> (i32)  : i32 {
      %broadcast_in_dim3A = arith.constant 1.000000e+00 : f32
      %broadcast_in_dim3A_49 = vector.broadcast %broadcast_in_dim3A : f32 to vector<16xf32>
      %mul3A_50 = arith.constant 16 : i32
      %mul3A_51 = arith.muli %scan3A_47, %mul3A_50 : i32
      %swap3A = arith.index_cast %mul3A_51 : i32 to index
      %swap3A_52 = tpu.vector_load %arg6[%swap3A] {strides = array<i32>} : memref<128xf32, #tpu.memory_space<vmem>>, vector<16xf32>,
      %swap3A_53 = vector.shape_cast %swap3A_52 : vector<16xf32> to vector<16xf32>
      %swap3A_54 = vector.shape_cast %broadcast_in_dim3A_49 : vector<16xf32> to vector<16xf32>
      tpu.vector_store %arg6[%swap3A], %swap3A_54 {strides = array<i32>} : memref<128xf32, #tpu.memory_space<vmem>>, vector<16xf32>,
      %scan3A_55 = arith.constant 0 : i32
      scf.yield %scan3A_55 : i32
    }
    %scan3A_13 = arith.constant 8 : i32
    %mul3A_14 = arith.constant 6400 : i32
    %mul3A_15 = arith.muli %arg1, %mul3A_14 : i32
    "tpu.region"() ({
      %run_scoped3A = tpu.sem_alloc : memref<!tpu.dma_semaphore, #tpu.memory_space<semaphore_mem>>
      %dma_start3A_47 = tpu.memref_slice %arg4[%mul3A_15] : memref<102400xf32, #tpu.memory_space<vmem_shared>> -> memref<6400xf32, #tpu.memory_space<vmem_shared>>
      %dma_start3A_48 = tpu.memref_slice %arg4[%mul3A_15] : memref<102400xf32, #tpu.memory_space<vmem_shared>> -> memref<6400xf32, #tpu.memory_space<vmem_shared>>
      tpu.enqueue_dma source(%arg7 : memref<6400xf32, #tpu.memory_space<vmem>>) target(%dma_start3A_48 : memref<6400xf32, #tpu.memory_space<vmem_shared>>) target_semaphore(%run_scoped3A : memref<!tpu.dma_semaphore, #tpu.memory_space<semaphore_mem>>)
      %dma_wait3A = tpu.memref_slice %arg4[%mul3A_15] : memref<102400xf32, #tpu.memory_space<vmem_shared>> -> memref<6400xf32, #tpu.memory_space<vmem_shared>>
      %dma_wait3A_49 = tpu.memref_slice %arg4[%mul3A_15] : memref<102400xf32, #tpu.memory_space<vmem_shared>> -> memref<6400xf32, #tpu.memory_space<vmem_shared>>
      tpu.wait_dma2 semaphore(%run_scoped3A : memref<!tpu.dma_semaphore, #tpu.memory_space<semaphore_mem>>) src(%arg7 : memref<6400xf32, #tpu.memory_space<vmem>>) dst(%dma_wait3A_49 : memref<6400xf32, #tpu.memory_space<vmem_shared>>)
      tpu.yield
    }) : () -> ()
    %barrier3A = arith.constant 0 : index
    tpu.barrier barrier_id(%barrier3A)
    %mul3A_16 = arith.constant 392 : i32
    %mul3A_17 = arith.muli %add3A, %mul3A_16 : i32
    %add3A_18 = arith.constant 0 : i32
    %add3A_19 = arith.addi %mul3A_17, %add3A_18 : i32
    %dma_start3A = arith.constant 0 : i32
    %dma_start3A_20 = arith.constant 0 : i32
    %dma_start3A_21 = arith.constant 0 : i32
    %dma_start3A_22 = tpu.memref_slice %arg5[%dma_start3A, %dma_start3A_20, %dma_start3A_21] : memref<2x56x128xi32, #tpu.memory_space<vmem>> -> memref<1x56x128xi32, #tpu.memory_space<vmem>>
    %dma_start3A_23 = tpu.memref_squeeze %dma_start3A_22 : memref<1x56x128xi32, #tpu.memory_space<vmem>> -> memref<56x128xi32, #tpu.memory_space<vmem>>
    %dma_start3A_24 = arith.constant 0 : i32
    %dma_start3A_25 = tpu.memref_slice %arg2[%add3A_19, %dma_start3A_24] : memref<12544x128xi32, #tpu.memory_space<hbm>> -> memref<56x128xi32, #tpu.memory_space<hbm>>
    %dma_start3A_26 = arith.constant 0 : i32
    %dma_start3A_27 = arith.constant 0 : i32
    %dma_start3A_28 = tpu.memref_slice %arg5[%dma_start3A, %dma_start3A_26, %dma_start3A_27] : memref<2x56x128xi32, #tpu.memory_space<vmem>> -> memref<1x56x128xi32, #tpu.memory_space<vmem>>
    %dma_start3A_29 = tpu.memref_squeeze %dma_start3A_28 : memref<1x56x128xi32, #tpu.memory_space<vmem>> -> memref<56x128xi32, #tpu.memory_space<vmem>>
    %dma_start3A_30 = arith.constant 0 : i32
    %dma_start3A_31 = tpu.memref_slice %arg2[%add3A_19, %dma_start3A_30] : memref<12544x128xi32, #tpu.memory_space<hbm>> -> memref<56x128xi32, #tpu.memory_space<hbm>>
    tpu.enqueue_dma source(%dma_start3A_31 : memref<56x128xi32, #tpu.memory_space<hbm>>) target(%dma_start3A_29 : memref<56x128xi32, #tpu.memory_space<vmem>>) target_semaphore(%arg8 : memref<!tpu.dma_semaphore, #tpu.memory_space<semaphore_mem>>)
    %scan3A_32 = arith.constant 0 : i32
    %scan3A_33 = arith.constant 0 : i32
    %scan3A_34 = arith.constant 7 : i32
    %scan3A_35 = arith.addi %scan3A_33, %scan3A_34 : i32
    %scan3A_36 = arith.constant 1 : i32
    %scan3A_37 = scf.for %scan3A_47 = %scan3A_33 to %scan3A_35 step %scan3A_36 iter_args(%scan3A_48 = %scan3A_32) -> (i32)  : i32 {
      %rem3A = arith.constant 2 : i32
      %rem3A_49 = arith.remsi %scan3A_47, %rem3A : i32
      %sub3A = arith.constant 1 : i32
      %sub3A_50 = arith.subi %sub3A, %rem3A_49 : i32
      %add3A_51 = arith.constant 1 : i32
      %add3A_52 = arith.addi %scan3A_47, %add3A_51 : i32
      %lt3A = arith.constant 7 : i32
      %lt3A_53 = arith.cmpi slt, %add3A_52, %lt3A : i32
      %convert_element_type3A = arith.extui %lt3A_53 : i1 to i32
      %cond3A = arith.constant 0 : i32
      %cond3A_54 = arith.cmpi ne, %convert_element_type3A, %cond3A : i32
      scf.if %cond3A_54 {
        %add3A_430 = arith.constant 1 : i32
        %add3A_431 = arith.addi %scan3A_47, %add3A_430 : i32
        %mul3A_432 = arith.constant 56 : i32
        %mul3A_433 = arith.muli %add3A_431, %mul3A_432 : i32
        %add3A_434 = arith.addi %mul3A_17, %mul3A_433 : i32
        %dma_start3A_435 = arith.constant 0 : i32
        %dma_start3A_436 = arith.constant 0 : i32
        %dma_start3A_437 = tpu.memref_slice %arg5[%sub3A_50, %dma_start3A_435, %dma_start3A_436] : memref<2x56x128xi32, #tpu.memory_space<vmem>> -> memref<1x56x128xi32, #tpu.memory_space<vmem>>
        %dma_start3A_438 = tpu.memref_squeeze %dma_start3A_437 : memref<1x56x128xi32, #tpu.memory_space<vmem>> -> memref<56x128xi32, #tpu.memory_space<vmem>>
        %dma_start3A_439 = arith.constant 0 : i32
        %dma_start3A_440 = tpu.memref_slice %arg2[%add3A_434, %dma_start3A_439] : memref<12544x128xi32, #tpu.memory_space<hbm>> -> memref<56x128xi32, #tpu.memory_space<hbm>>
        %dma_start3A_441 = arith.constant 0 : i32
        %dma_start3A_442 = arith.constant 0 : i32
        %dma_start3A_443 = tpu.memref_slice %arg5[%sub3A_50, %dma_start3A_441, %dma_start3A_442] : memref<2x56x128xi32, #tpu.memory_space<vmem>> -> memref<1x56x128xi32, #tpu.memory_space<vmem>>
        %dma_start3A_444 = tpu.memref_squeeze %dma_start3A_443 : memref<1x56x128xi32, #tpu.memory_space<vmem>> -> memref<56x128xi32, #tpu.memory_space<vmem>>
        %dma_start3A_445 = arith.constant 0 : i32
        %dma_start3A_446 = tpu.memref_slice %arg2[%add3A_434, %dma_start3A_445] : memref<12544x128xi32, #tpu.memory_space<hbm>> -> memref<56x128xi32, #tpu.memory_space<hbm>>
        tpu.enqueue_dma source(%dma_start3A_446 : memref<56x128xi32, #tpu.memory_space<hbm>>) target(%dma_start3A_444 : memref<56x128xi32, #tpu.memory_space<vmem>>) target_semaphore(%arg8 : memref<!tpu.dma_semaphore, #tpu.memory_space<semaphore_mem>>)
      } else {
      }
      %mul3A_55 = arith.constant 56 : i32
      %mul3A_56 = arith.muli %scan3A_47, %mul3A_55 : i32
      %add3A_57 = arith.addi %mul3A_17, %mul3A_56 : i32
      %dma_wait3A = arith.constant 0 : i32
      %dma_wait3A_58 = arith.constant 0 : i32
      %dma_wait3A_59 = tpu.memref_slice %arg5[%rem3A_49, %dma_wait3A, %dma_wait3A_58] : memref<2x56x128xi32, #tpu.memory_space<vmem>> -> memref<1x56x128xi32, #tpu.memory_space<vmem>>
      %dma_wait3A_60 = tpu.memref_squeeze %dma_wait3A_59 : memref<1x56x128xi32, #tpu.memory_space<vmem>> -> memref<56x128xi32, #tpu.memory_space<vmem>>
      %dma_wait3A_61 = arith.constant 0 : i32
      %dma_wait3A_62 = tpu.memref_slice %arg2[%add3A_57, %dma_wait3A_61] : memref<12544x128xi32, #tpu.memory_space<hbm>> -> memref<56x128xi32, #tpu.memory_space<hbm>>
      %dma_wait3A_63 = arith.constant 0 : i32
      %dma_wait3A_64 = arith.constant 0 : i32
      %dma_wait3A_65 = tpu.memref_slice %arg5[%rem3A_49, %dma_wait3A_63, %dma_wait3A_64] : memref<2x56x128xi32, #tpu.memory_space<vmem>> -> memref<1x56x128xi32, #tpu.memory_space<vmem>>
      %dma_wait3A_66 = tpu.memref_squeeze %dma_wait3A_65 : memref<1x56x128xi32, #tpu.memory_space<vmem>> -> memref<56x128xi32, #tpu.memory_space<vmem>>
      %dma_wait3A_67 = arith.constant 0 : i32
      %dma_wait3A_68 = tpu.memref_slice %arg2[%add3A_57, %dma_wait3A_67] : memref<12544x128xi32, #tpu.memory_space<hbm>> -> memref<56x128xi32, #tpu.memory_space<hbm>>
      tpu.wait_dma2 semaphore(%arg8 : memref<!tpu.dma_semaphore, #tpu.memory_space<semaphore_mem>>) src(%dma_wait3A_68 : memref<56x128xi32, #tpu.memory_space<hbm>>) dst(%dma_wait3A_66 : memref<56x128xi32, #tpu.memory_space<vmem>>)
      %dma_start3A_69 = arith.constant 0 : i32
      %dma_start3A_70 = arith.constant 0 : i32
      %dma_start3A_71 = tpu.memref_slice %arg5[%rem3A_49, %dma_start3A_69, %dma_start3A_70] : memref<2x56x128xi32, #tpu.memory_space<vmem>> -> memref<1x1x128xi32, #tpu.memory_space<vmem>>
      %dma_start3A_72 = tpu.memref_squeeze %dma_start3A_71 : memref<1x1x128xi32, #tpu.memory_space<vmem>> -> memref<128xi32, #tpu.memory_space<vmem>>
      %dma_start3A_73 = arith.constant 0 : i32
      %dma_start3A_74 = tpu.memref_slice %arg4[%dma_start3A_73] : memref<102400xf32, #tpu.memory_space<vmem_shared>> -> memref<102400xf32, #tpu.memory_space<vmem_shared>>
      tpu.enqueue_indirect_dma source(%arg6 : memref<128xf32, #tpu.memory_space<vmem>>) target(%dma_start3A_74 : memref<102400xf32, #tpu.memory_space<vmem_shared>>) offsets(%dma_start3A_72 : memref<128xi32, #tpu.memory_space<vmem>>) semaphore(%arg9 : memref<!tpu.dma_semaphore, #tpu.memory_space<semaphore_mem>>) {add = true}
      %dma_start3A_75 = arith.constant 1 : i32
      %dma_start3A_76 = arith.constant 0 : i32
      %dma_start3A_77 = tpu.memref_slice %arg5[%rem3A_49, %dma_start3A_75, %dma_start3A_76] : memref<2x56x128xi32, #tpu.memory_space<vmem>> -> memref<1x1x128xi32, #tpu.memory_space<vmem>>
      %dma_start3A_78 = tpu.memref_squeeze %dma_start3A_77 : memref<1x1x128xi32, #tpu.memory_space<vmem>> -> memref<128xi32, #tpu.memory_space<vmem>>
      %dma_start3A_79 = arith.constant 0 : i32
      %dma_start3A_80 = tpu.memref_slice %arg4[%dma_start3A_79] : memref<102400xf32, #tpu.memory_space<vmem_shared>> -> memref<102400xf32, #tpu.memory_space<vmem_shared>>
      tpu.enqueue_indirect_dma source(%arg6 : memref<128xf32, #tpu.memory_space<vmem>>) target(%dma_start3A_80 : memref<102400xf32, #tpu.memory_space<vmem_shared>>) offsets(%dma_start3A_78 : memref<128xi32, #tpu.memory_space<vmem>>) semaphore(%arg9 : memref<!tpu.dma_semaphore, #tpu.memory_space<semaphore_mem>>) {add = true}
      %dma_start3A_81 = arith.constant 2 : i32
      %dma_start3A_82 = arith.constant 0 : i32
      %dma_start3A_83 = tpu.memref_slice %arg5[%rem3A_49, %dma_start3A_81, %dma_start3A_82] : memref<2x56x128xi32, #tpu.memory_space<vmem>> -> memref<1x1x128xi32, #tpu.memory_space<vmem>>
      %dma_start3A_84 = tpu.memref_squeeze %dma_start3A_83 : memref<1x1x128xi32, #tpu.memory_space<vmem>> -> memref<128xi32, #tpu.memory_space<vmem>>
      %dma_start3A_85 = arith.constant 0 : i32
      %dma_start3A_86 = tpu.memref_slice %arg4[%dma_start3A_85] : memref<102400xf32, #tpu.memory_space<vmem_shared>> -> memref<102400xf32, #tpu.memory_space<vmem_shared>>
      tpu.enqueue_indirect_dma source(%arg6 : memref<128xf32, #tpu.memory_space<vmem>>) target(%dma_start3A_86 : memref<102400xf32, #tpu.memory_space<vmem_shared>>) offsets(%dma_start3A_84 : memref<128xi32, #tpu.memory_space<vmem>>) semaphore(%arg9 : memref<!tpu.dma_semaphore, #tpu.memory_space<semaphore_mem>>) {add = true}
      %dma_start3A_87 = arith.constant 3 : i32
      %dma_start3A_88 = arith.constant 0 : i32
      %dma_start3A_89 = tpu.memref_slice %arg5[%rem3A_49, %dma_start3A_87, %dma_start3A_88] : memref<2x56x128xi32, #tpu.memory_space<vmem>> -> memref<1x1x128xi32, #tpu.memory_space<vmem>>
      %dma_start3A_90 = tpu.memref_squeeze %dma_start3A_89 : memref<1x1x128xi32, #tpu.memory_space<vmem>> -> memref<128xi32, #tpu.memory_space<vmem>>
      %dma_start3A_91 = arith.constant 0 : i32
      %dma_start3A_92 = tpu.memref_slice %arg4[%dma_start3A_91] : memref<102400xf32, #tpu.memory_space<vmem_shared>> -> memref<102400xf32, #tpu.memory_space<vmem_shared>>
      tpu.enqueue_indirect_dma source(%arg6 : memref<128xf32, #tpu.memory_space<vmem>>) target(%dma_start3A_92 : memref<102400xf32, #tpu.memory_space<vmem_shared>>) offsets(%dma_start3A_90 : memref<128xi32, #tpu.memory_space<vmem>>) semaphore(%arg9 : memref<!tpu.dma_semaphore, #tpu.memory_space<semaphore_mem>>) {add = true}
      %dma_start3A_93 = arith.constant 4 : i32
      %dma_start3A_94 = arith.constant 0 : i32
      %dma_start3A_95 = tpu.memref_slice %arg5[%rem3A_49, %dma_start3A_93, %dma_start3A_94] : memref<2x56x128xi32, #tpu.memory_space<vmem>> -> memref<1x1x128xi32, #tpu.memory_space<vmem>>
      %dma_start3A_96 = tpu.memref_squeeze %dma_start3A_95 : memref<1x1x128xi32, #tpu.memory_space<vmem>> -> memref<128xi32, #tpu.memory_space<vmem>>
      %dma_start3A_97 = arith.constant 0 : i32
      %dma_start3A_98 = tpu.memref_slice %arg4[%dma_start3A_97] : memref<102400xf32, #tpu.memory_space<vmem_shared>> -> memref<102400xf32, #tpu.memory_space<vmem_shared>>
      tpu.enqueue_indirect_dma source(%arg6 : memref<128xf32, #tpu.memory_space<vmem>>) target(%dma_start3A_98 : memref<102400xf32, #tpu.memory_space<vmem_shared>>) offsets(%dma_start3A_96 : memref<128xi32, #tpu.memory_space<vmem>>) semaphore(%arg9 : memref<!tpu.dma_semaphore, #tpu.memory_space<semaphore_mem>>) {add = true}
      %dma_start3A_99 = arith.constant 5 : i32
      %dma_start3A_100 = arith.constant 0 : i32
      %dma_start3A_101 = tpu.memref_slice %arg5[%rem3A_49, %dma_start3A_99, %dma_start3A_100] : memref<2x56x128xi32, #tpu.memory_space<vmem>> -> memref<1x1x128xi32, #tpu.memory_space<vmem>>
      %dma_start3A_102 = tpu.memref_squeeze %dma_start3A_101 : memref<1x1x128xi32, #tpu.memory_space<vmem>> -> memref<128xi32, #tpu.memory_space<vmem>>
      %dma_start3A_103 = arith.constant 0 : i32
      %dma_start3A_104 = tpu.memref_slice %arg4[%dma_start3A_103] : memref<102400xf32, #tpu.memory_space<vmem_shared>> -> memref<102400xf32, #tpu.memory_space<vmem_shared>>
      tpu.enqueue_indirect_dma source(%arg6 : memref<128xf32, #tpu.memory_space<vmem>>) target(%dma_start3A_104 : memref<102400xf32, #tpu.memory_space<vmem_shared>>) offsets(%dma_start3A_102 : memref<128xi32, #tpu.memory_space<vmem>>) semaphore(%arg9 : memref<!tpu.dma_semaphore, #tpu.memory_space<semaphore_mem>>) {add = true}
      %dma_start3A_105 = arith.constant 6 : i32
      %dma_start3A_106 = arith.constant 0 : i32
      %dma_start3A_107 = tpu.memref_slice %arg5[%rem3A_49, %dma_start3A_105, %dma_start3A_106] : memref<2x56x128xi32, #tpu.memory_space<vmem>> -> memref<1x1x128xi32, #tpu.memory_space<vmem>>
      %dma_start3A_108 = tpu.memref_squeeze %dma_start3A_107 : memref<1x1x128xi32, #tpu.memory_space<vmem>> -> memref<128xi32, #tpu.memory_space<vmem>>
      %dma_start3A_109 = arith.constant 0 : i32
      %dma_start3A_110 = tpu.memref_slice %arg4[%dma_start3A_109] : memref<102400xf32, #tpu.memory_space<vmem_shared>> -> memref<102400xf32, #tpu.memory_space<vmem_shared>>
      tpu.enqueue_indirect_dma source(%arg6 : memref<128xf32, #tpu.memory_space<vmem>>) target(%dma_start3A_110 : memref<102400xf32, #tpu.memory_space<vmem_shared>>) offsets(%dma_start3A_108 : memref<128xi32, #tpu.memory_space<vmem>>) semaphore(%arg9 : memref<!tpu.dma_semaphore, #tpu.memory_space<semaphore_mem>>) {add = true}
      %dma_start3A_111 = arith.constant 7 : i32
      %dma_start3A_112 = arith.constant 0 : i32
      %dma_start3A_113 = tpu.memref_slice %arg5[%rem3A_49, %dma_start3A_111, %dma_start3A_112] : memref<2x56x128xi32, #tpu.memory_space<vmem>> -> memref<1x1x128xi32, #tpu.memory_space<vmem>>
      %dma_start3A_114 = tpu.memref_squeeze %dma_start3A_113 : memref<1x1x128xi32, #tpu.memory_space<vmem>> -> memref<128xi32, #tpu.memory_space<vmem>>
      %dma_start3A_115 = arith.constant 0 : i32
      %dma_start3A_116 = tpu.memref_slice %arg4[%dma_start3A_115] : memref<102400xf32, #tpu.memory_space<vmem_shared>> -> memref<102400xf32, #tpu.memory_space<vmem_shared>>
      tpu.enqueue_indirect_dma source(%arg6 : memref<128xf32, #tpu.memory_space<vmem>>) target(%dma_start3A_116 : memref<102400xf32, #tpu.memory_space<vmem_shared>>) offsets(%dma_start3A_114 : memref<128xi32, #tpu.memory_space<vmem>>) semaphore(%arg9 : memref<!tpu.dma_semaphore, #tpu.memory_space<semaphore_mem>>) {add = true}
      %dma_start3A_117 = arith.constant 8 : i32
      %dma_start3A_118 = arith.constant 0 : i32
      %dma_start3A_119 = tpu.memref_slice %arg5[%rem3A_49, %dma_start3A_117, %dma_start3A_118] : memref<2x56x128xi32, #tpu.memory_space<vmem>> -> memref<1x1x128xi32, #tpu.memory_space<vmem>>
      %dma_start3A_120 = tpu.memref_squeeze %dma_start3A_119 : memref<1x1x128xi32, #tpu.memory_space<vmem>> -> memref<128xi32, #tpu.memory_space<vmem>>
      %dma_start3A_121 = arith.constant 0 : i32
      %dma_start3A_122 = tpu.memref_slice %arg4[%dma_start3A_121] : memref<102400xf32, #tpu.memory_space<vmem_shared>> -> memref<102400xf32, #tpu.memory_space<vmem_shared>>
      tpu.enqueue_indirect_dma source(%arg6 : memref<128xf32, #tpu.memory_space<vmem>>) target(%dma_start3A_122 : memref<102400xf32, #tpu.memory_space<vmem_shared>>) offsets(%dma_start3A_120 : memref<128xi32, #tpu.memory_space<vmem>>) semaphore(%arg9 : memref<!tpu.dma_semaphore, #tpu.memory_space<semaphore_mem>>) {add = true}
      %dma_start3A_123 = arith.constant 9 : i32
      %dma_start3A_124 = arith.constant 0 : i32
      %dma_start3A_125 = tpu.memref_slice %arg5[%rem3A_49, %dma_start3A_123, %dma_start3A_124] : memref<2x56x128xi32, #tpu.memory_space<vmem>> -> memref<1x1x128xi32, #tpu.memory_space<vmem>>
      %dma_start3A_126 = tpu.memref_squeeze %dma_start3A_125 : memref<1x1x128xi32, #tpu.memory_space<vmem>> -> memref<128xi32, #tpu.memory_space<vmem>>
      %dma_start3A_127 = arith.constant 0 : i32
      %dma_start3A_128 = tpu.memref_slice %arg4[%dma_start3A_127] : memref<102400xf32, #tpu.memory_space<vmem_shared>> -> memref<102400xf32, #tpu.memory_space<vmem_shared>>
      tpu.enqueue_indirect_dma source(%arg6 : memref<128xf32, #tpu.memory_space<vmem>>) target(%dma_start3A_128 : memref<102400xf32, #tpu.memory_space<vmem_shared>>) offsets(%dma_start3A_126 : memref<128xi32, #tpu.memory_space<vmem>>) semaphore(%arg9 : memref<!tpu.dma_semaphore, #tpu.memory_space<semaphore_mem>>) {add = true}
      %dma_start3A_129 = arith.constant 10 : i32
      %dma_start3A_130 = arith.constant 0 : i32
      %dma_start3A_131 = tpu.memref_slice %arg5[%rem3A_49, %dma_start3A_129, %dma_start3A_130] : memref<2x56x128xi32, #tpu.memory_space<vmem>> -> memref<1x1x128xi32, #tpu.memory_space<vmem>>
      %dma_start3A_132 = tpu.memref_squeeze %dma_start3A_131 : memref<1x1x128xi32, #tpu.memory_space<vmem>> -> memref<128xi32, #tpu.memory_space<vmem>>
      %dma_start3A_133 = arith.constant 0 : i32
      %dma_start3A_134 = tpu.memref_slice %arg4[%dma_start3A_133] : memref<102400xf32, #tpu.memory_space<vmem_shared>> -> memref<102400xf32, #tpu.memory_space<vmem_shared>>
      tpu.enqueue_indirect_dma source(%arg6 : memref<128xf32, #tpu.memory_space<vmem>>) target(%dma_start3A_134 : memref<102400xf32, #tpu.memory_space<vmem_shared>>) offsets(%dma_start3A_132 : memref<128xi32, #tpu.memory_space<vmem>>) semaphore(%arg9 : memref<!tpu.dma_semaphore, #tpu.memory_space<semaphore_mem>>) {add = true}
      %dma_start3A_135 = arith.constant 11 : i32
      %dma_start3A_136 = arith.constant 0 : i32
      %dma_start3A_137 = tpu.memref_slice %arg5[%rem3A_49, %dma_start3A_135, %dma_start3A_136] : memref<2x56x128xi32, #tpu.memory_space<vmem>> -> memref<1x1x128xi32, #tpu.memory_space<vmem>>
      %dma_start3A_138 = tpu.memref_squeeze %dma_start3A_137 : memref<1x1x128xi32, #tpu.memory_space<vmem>> -> memref<128xi32, #tpu.memory_space<vmem>>
      %dma_start3A_139 = arith.constant 0 : i32
      %dma_start3A_140 = tpu.memref_slice %arg4[%dma_start3A_139] : memref<102400xf32, #tpu.memory_space<vmem_shared>> -> memref<102400xf32, #tpu.memory_space<vmem_shared>>
      tpu.enqueue_indirect_dma source(%arg6 : memref<128xf32, #tpu.memory_space<vmem>>) target(%dma_start3A_140 : memref<102400xf32, #tpu.memory_space<vmem_shared>>) offsets(%dma_start3A_138 : memref<128xi32, #tpu.memory_space<vmem>>) semaphore(%arg9 : memref<!tpu.dma_semaphore, #tpu.memory_space<semaphore_mem>>) {add = true}
      %dma_start3A_141 = arith.constant 12 : i32
      %dma_start3A_142 = arith.constant 0 : i32
      %dma_start3A_143 = tpu.memref_slice %arg5[%rem3A_49, %dma_start3A_141, %dma_start3A_142] : memref<2x56x128xi32, #tpu.memory_space<vmem>> -> memref<1x1x128xi32, #tpu.memory_space<vmem>>
      %dma_start3A_144 = tpu.memref_squeeze %dma_start3A_143 : memref<1x1x128xi32, #tpu.memory_space<vmem>> -> memref<128xi32, #tpu.memory_space<vmem>>
      %dma_start3A_145 = arith.constant 0 : i32
      %dma_start3A_146 = tpu.memref_slice %arg4[%dma_start3A_145] : memref<102400xf32, #tpu.memory_space<vmem_shared>> -> memref<102400xf32, #tpu.memory_space<vmem_shared>>
      tpu.enqueue_indirect_dma source(%arg6 : memref<128xf32, #tpu.memory_space<vmem>>) target(%dma_start3A_146 : memref<102400xf32, #tpu.memory_space<vmem_shared>>) offsets(%dma_start3A_144 : memref<128xi32, #tpu.memory_space<vmem>>) semaphore(%arg9 : memref<!tpu.dma_semaphore, #tpu.memory_space<semaphore_mem>>) {add = true}
      %dma_start3A_147 = arith.constant 13 : i32
      %dma_start3A_148 = arith.constant 0 : i32
      %dma_start3A_149 = tpu.memref_slice %arg5[%rem3A_49, %dma_start3A_147, %dma_start3A_148] : memref<2x56x128xi32, #tpu.memory_space<vmem>> -> memref<1x1x128xi32, #tpu.memory_space<vmem>>
      %dma_start3A_150 = tpu.memref_squeeze %dma_start3A_149 : memref<1x1x128xi32, #tpu.memory_space<vmem>> -> memref<128xi32, #tpu.memory_space<vmem>>
      %dma_start3A_151 = arith.constant 0 : i32
      %dma_start3A_152 = tpu.memref_slice %arg4[%dma_start3A_151] : memref<102400xf32, #tpu.memory_space<vmem_shared>> -> memref<102400xf32, #tpu.memory_space<vmem_shared>>
      tpu.enqueue_indirect_dma source(%arg6 : memref<128xf32, #tpu.memory_space<vmem>>) target(%dma_start3A_152 : memref<102400xf32, #tpu.memory_space<vmem_shared>>) offsets(%dma_start3A_150 : memref<128xi32, #tpu.memory_space<vmem>>) semaphore(%arg9 : memref<!tpu.dma_semaphore, #tpu.memory_space<semaphore_mem>>) {add = true}
      %dma_start3A_153 = arith.constant 14 : i32
      %dma_start3A_154 = arith.constant 0 : i32
      %dma_start3A_155 = tpu.memref_slice %arg5[%rem3A_49, %dma_start3A_153, %dma_start3A_154] : memref<2x56x128xi32, #tpu.memory_space<vmem>> -> memref<1x1x128xi32, #tpu.memory_space<vmem>>
      %dma_start3A_156 = tpu.memref_squeeze %dma_start3A_155 : memref<1x1x128xi32, #tpu.memory_space<vmem>> -> memref<128xi32, #tpu.memory_space<vmem>>
      %dma_start3A_157 = arith.constant 0 : i32
      %dma_start3A_158 = tpu.memref_slice %arg4[%dma_start3A_157] : memref<102400xf32, #tpu.memory_space<vmem_shared>> -> memref<102400xf32, #tpu.memory_space<vmem_shared>>
      tpu.enqueue_indirect_dma source(%arg6 : memref<128xf32, #tpu.memory_space<vmem>>) target(%dma_start3A_158 : memref<102400xf32, #tpu.memory_space<vmem_shared>>) offsets(%dma_start3A_156 : memref<128xi32, #tpu.memory_space<vmem>>) semaphore(%arg9 : memref<!tpu.dma_semaphore, #tpu.memory_space<semaphore_mem>>) {add = true}
      %dma_start3A_159 = arith.constant 15 : i32
      %dma_start3A_160 = arith.constant 0 : i32
      %dma_start3A_161 = tpu.memref_slice %arg5[%rem3A_49, %dma_start3A_159, %dma_start3A_160] : memref<2x56x128xi32, #tpu.memory_space<vmem>> -> memref<1x1x128xi32, #tpu.memory_space<vmem>>
      %dma_start3A_162 = tpu.memref_squeeze %dma_start3A_161 : memref<1x1x128xi32, #tpu.memory_space<vmem>> -> memref<128xi32, #tpu.memory_space<vmem>>
      %dma_start3A_163 = arith.constant 0 : i32
      %dma_start3A_164 = tpu.memref_slice %arg4[%dma_start3A_163] : memref<102400xf32, #tpu.memory_space<vmem_shared>> -> memref<102400xf32, #tpu.memory_space<vmem_shared>>
      tpu.enqueue_indirect_dma source(%arg6 : memref<128xf32, #tpu.memory_space<vmem>>) target(%dma_start3A_164 : memref<102400xf32, #tpu.memory_space<vmem_shared>>) offsets(%dma_start3A_162 : memref<128xi32, #tpu.memory_space<vmem>>) semaphore(%arg9 : memref<!tpu.dma_semaphore, #tpu.memory_space<semaphore_mem>>) {add = true}
      %dma_start3A_165 = arith.constant 16 : i32
      %dma_start3A_166 = arith.constant 0 : i32
      %dma_start3A_167 = tpu.memref_slice %arg5[%rem3A_49, %dma_start3A_165, %dma_start3A_166] : memref<2x56x128xi32, #tpu.memory_space<vmem>> -> memref<1x1x128xi32, #tpu.memory_space<vmem>>
      %dma_start3A_168 = tpu.memref_squeeze %dma_start3A_167 : memref<1x1x128xi32, #tpu.memory_space<vmem>> -> memref<128xi32, #tpu.memory_space<vmem>>
      %dma_start3A_169 = arith.constant 0 : i32
      %dma_start3A_170 = tpu.memref_slice %arg4[%dma_start3A_169] : memref<102400xf32, #tpu.memory_space<vmem_shared>> -> memref<102400xf32, #tpu.memory_space<vmem_shared>>
      tpu.enqueue_indirect_dma source(%arg6 : memref<128xf32, #tpu.memory_space<vmem>>) target(%dma_start3A_170 : memref<102400xf32, #tpu.memory_space<vmem_shared>>) offsets(%dma_start3A_168 : memref<128xi32, #tpu.memory_space<vmem>>) semaphore(%arg9 : memref<!tpu.dma_semaphore, #tpu.memory_space<semaphore_mem>>) {add = true}
      %dma_start3A_171 = arith.constant 17 : i32
      %dma_start3A_172 = arith.constant 0 : i32
      %dma_start3A_173 = tpu.memref_slice %arg5[%rem3A_49, %dma_start3A_171, %dma_start3A_172] : memref<2x56x128xi32, #tpu.memory_space<vmem>> -> memref<1x1x128xi32, #tpu.memory_space<vmem>>
      %dma_start3A_174 = tpu.memref_squeeze %dma_start3A_173 : memref<1x1x128xi32, #tpu.memory_space<vmem>> -> memref<128xi32, #tpu.memory_space<vmem>>
      %dma_start3A_175 = arith.constant 0 : i32
      %dma_start3A_176 = tpu.memref_slice %arg4[%dma_start3A_175] : memref<102400xf32, #tpu.memory_space<vmem_shared>> -> memref<102400xf32, #tpu.memory_space<vmem_shared>>
      tpu.enqueue_indirect_dma source(%arg6 : memref<128xf32, #tpu.memory_space<vmem>>) target(%dma_start3A_176 : memref<102400xf32, #tpu.memory_space<vmem_shared>>) offsets(%dma_start3A_174 : memref<128xi32, #tpu.memory_space<vmem>>) semaphore(%arg9 : memref<!tpu.dma_semaphore, #tpu.memory_space<semaphore_mem>>) {add = true}
      %dma_start3A_177 = arith.constant 18 : i32
      %dma_start3A_178 = arith.constant 0 : i32
      %dma_start3A_179 = tpu.memref_slice %arg5[%rem3A_49, %dma_start3A_177, %dma_start3A_178] : memref<2x56x128xi32, #tpu.memory_space<vmem>> -> memref<1x1x128xi32, #tpu.memory_space<vmem>>
      %dma_start3A_180 = tpu.memref_squeeze %dma_start3A_179 : memref<1x1x128xi32, #tpu.memory_space<vmem>> -> memref<128xi32, #tpu.memory_space<vmem>>
      %dma_start3A_181 = arith.constant 0 : i32
      %dma_start3A_182 = tpu.memref_slice %arg4[%dma_start3A_181] : memref<102400xf32, #tpu.memory_space<vmem_shared>> -> memref<102400xf32, #tpu.memory_space<vmem_shared>>
      tpu.enqueue_indirect_dma source(%arg6 : memref<128xf32, #tpu.memory_space<vmem>>) target(%dma_start3A_182 : memref<102400xf32, #tpu.memory_space<vmem_shared>>) offsets(%dma_start3A_180 : memref<128xi32, #tpu.memory_space<vmem>>) semaphore(%arg9 : memref<!tpu.dma_semaphore, #tpu.memory_space<semaphore_mem>>) {add = true}
      %dma_start3A_183 = arith.constant 19 : i32
      %dma_start3A_184 = arith.constant 0 : i32
      %dma_start3A_185 = tpu.memref_slice %arg5[%rem3A_49, %dma_start3A_183, %dma_start3A_184] : memref<2x56x128xi32, #tpu.memory_space<vmem>> -> memref<1x1x128xi32, #tpu.memory_space<vmem>>
      %dma_start3A_186 = tpu.memref_squeeze %dma_start3A_185 : memref<1x1x128xi32, #tpu.memory_space<vmem>> -> memref<128xi32, #tpu.memory_space<vmem>>
      %dma_start3A_187 = arith.constant 0 : i32
      %dma_start3A_188 = tpu.memref_slice %arg4[%dma_start3A_187] : memref<102400xf32, #tpu.memory_space<vmem_shared>> -> memref<102400xf32, #tpu.memory_space<vmem_shared>>
      tpu.enqueue_indirect_dma source(%arg6 : memref<128xf32, #tpu.memory_space<vmem>>) target(%dma_start3A_188 : memref<102400xf32, #tpu.memory_space<vmem_shared>>) offsets(%dma_start3A_186 : memref<128xi32, #tpu.memory_space<vmem>>) semaphore(%arg9 : memref<!tpu.dma_semaphore, #tpu.memory_space<semaphore_mem>>) {add = true}
      %dma_start3A_189 = arith.constant 20 : i32
      %dma_start3A_190 = arith.constant 0 : i32
      %dma_start3A_191 = tpu.memref_slice %arg5[%rem3A_49, %dma_start3A_189, %dma_start3A_190] : memref<2x56x128xi32, #tpu.memory_space<vmem>> -> memref<1x1x128xi32, #tpu.memory_space<vmem>>
      %dma_start3A_192 = tpu.memref_squeeze %dma_start3A_191 : memref<1x1x128xi32, #tpu.memory_space<vmem>> -> memref<128xi32, #tpu.memory_space<vmem>>
      %dma_start3A_193 = arith.constant 0 : i32
      %dma_start3A_194 = tpu.memref_slice %arg4[%dma_start3A_193] : memref<102400xf32, #tpu.memory_space<vmem_shared>> -> memref<102400xf32, #tpu.memory_space<vmem_shared>>
      tpu.enqueue_indirect_dma source(%arg6 : memref<128xf32, #tpu.memory_space<vmem>>) target(%dma_start3A_194 : memref<102400xf32, #tpu.memory_space<vmem_shared>>) offsets(%dma_start3A_192 : memref<128xi32, #tpu.memory_space<vmem>>) semaphore(%arg9 : memref<!tpu.dma_semaphore, #tpu.memory_space<semaphore_mem>>) {add = true}
      %dma_start3A_195 = arith.constant 21 : i32
      %dma_start3A_196 = arith.constant 0 : i32
      %dma_start3A_197 = tpu.memref_slice %arg5[%rem3A_49, %dma_start3A_195, %dma_start3A_196] : memref<2x56x128xi32, #tpu.memory_space<vmem>> -> memref<1x1x128xi32, #tpu.memory_space<vmem>>
      %dma_start3A_198 = tpu.memref_squeeze %dma_start3A_197 : memref<1x1x128xi32, #tpu.memory_space<vmem>> -> memref<128xi32, #tpu.memory_space<vmem>>
      %dma_start3A_199 = arith.constant 0 : i32
      %dma_start3A_200 = tpu.memref_slice %arg4[%dma_start3A_199] : memref<102400xf32, #tpu.memory_space<vmem_shared>> -> memref<102400xf32, #tpu.memory_space<vmem_shared>>
      tpu.enqueue_indirect_dma source(%arg6 : memref<128xf32, #tpu.memory_space<vmem>>) target(%dma_start3A_200 : memref<102400xf32, #tpu.memory_space<vmem_shared>>) offsets(%dma_start3A_198 : memref<128xi32, #tpu.memory_space<vmem>>) semaphore(%arg9 : memref<!tpu.dma_semaphore, #tpu.memory_space<semaphore_mem>>) {add = true}
      %dma_start3A_201 = arith.constant 22 : i32
      %dma_start3A_202 = arith.constant 0 : i32
      %dma_start3A_203 = tpu.memref_slice %arg5[%rem3A_49, %dma_start3A_201, %dma_start3A_202] : memref<2x56x128xi32, #tpu.memory_space<vmem>> -> memref<1x1x128xi32, #tpu.memory_space<vmem>>
      %dma_start3A_204 = tpu.memref_squeeze %dma_start3A_203 : memref<1x1x128xi32, #tpu.memory_space<vmem>> -> memref<128xi32, #tpu.memory_space<vmem>>
      %dma_start3A_205 = arith.constant 0 : i32
      %dma_start3A_206 = tpu.memref_slice %arg4[%dma_start3A_205] : memref<102400xf32, #tpu.memory_space<vmem_shared>> -> memref<102400xf32, #tpu.memory_space<vmem_shared>>
      tpu.enqueue_indirect_dma source(%arg6 : memref<128xf32, #tpu.memory_space<vmem>>) target(%dma_start3A_206 : memref<102400xf32, #tpu.memory_space<vmem_shared>>) offsets(%dma_start3A_204 : memref<128xi32, #tpu.memory_space<vmem>>) semaphore(%arg9 : memref<!tpu.dma_semaphore, #tpu.memory_space<semaphore_mem>>) {add = true}
      %dma_start3A_207 = arith.constant 23 : i32
      %dma_start3A_208 = arith.constant 0 : i32
      %dma_start3A_209 = tpu.memref_slice %arg5[%rem3A_49, %dma_start3A_207, %dma_start3A_208] : memref<2x56x128xi32, #tpu.memory_space<vmem>> -> memref<1x1x128xi32, #tpu.memory_space<vmem>>
      %dma_start3A_210 = tpu.memref_squeeze %dma_start3A_209 : memref<1x1x128xi32, #tpu.memory_space<vmem>> -> memref<128xi32, #tpu.memory_space<vmem>>
      %dma_start3A_211 = arith.constant 0 : i32
      %dma_start3A_212 = tpu.memref_slice %arg4[%dma_start3A_211] : memref<102400xf32, #tpu.memory_space<vmem_shared>> -> memref<102400xf32, #tpu.memory_space<vmem_shared>>
      tpu.enqueue_indirect_dma source(%arg6 : memref<128xf32, #tpu.memory_space<vmem>>) target(%dma_start3A_212 : memref<102400xf32, #tpu.memory_space<vmem_shared>>) offsets(%dma_start3A_210 : memref<128xi32, #tpu.memory_space<vmem>>) semaphore(%arg9 : memref<!tpu.dma_semaphore, #tpu.memory_space<semaphore_mem>>) {add = true}
      %dma_start3A_213 = arith.constant 24 : i32
      %dma_start3A_214 = arith.constant 0 : i32
      %dma_start3A_215 = tpu.memref_slice %arg5[%rem3A_49, %dma_start3A_213, %dma_start3A_214] : memref<2x56x128xi32, #tpu.memory_space<vmem>> -> memref<1x1x128xi32, #tpu.memory_space<vmem>>
      %dma_start3A_216 = tpu.memref_squeeze %dma_start3A_215 : memref<1x1x128xi32, #tpu.memory_space<vmem>> -> memref<128xi32, #tpu.memory_space<vmem>>
      %dma_start3A_217 = arith.constant 0 : i32
      %dma_start3A_218 = tpu.memref_slice %arg4[%dma_start3A_217] : memref<102400xf32, #tpu.memory_space<vmem_shared>> -> memref<102400xf32, #tpu.memory_space<vmem_shared>>
      tpu.enqueue_indirect_dma source(%arg6 : memref<128xf32, #tpu.memory_space<vmem>>) target(%dma_start3A_218 : memref<102400xf32, #tpu.memory_space<vmem_shared>>) offsets(%dma_start3A_216 : memref<128xi32, #tpu.memory_space<vmem>>) semaphore(%arg9 : memref<!tpu.dma_semaphore, #tpu.memory_space<semaphore_mem>>) {add = true}
      %dma_start3A_219 = arith.constant 25 : i32
      %dma_start3A_220 = arith.constant 0 : i32
      %dma_start3A_221 = tpu.memref_slice %arg5[%rem3A_49, %dma_start3A_219, %dma_start3A_220] : memref<2x56x128xi32, #tpu.memory_space<vmem>> -> memref<1x1x128xi32, #tpu.memory_space<vmem>>
      %dma_start3A_222 = tpu.memref_squeeze %dma_start3A_221 : memref<1x1x128xi32, #tpu.memory_space<vmem>> -> memref<128xi32, #tpu.memory_space<vmem>>
      %dma_start3A_223 = arith.constant 0 : i32
      %dma_start3A_224 = tpu.memref_slice %arg4[%dma_start3A_223] : memref<102400xf32, #tpu.memory_space<vmem_shared>> -> memref<102400xf32, #tpu.memory_space<vmem_shared>>
      tpu.enqueue_indirect_dma source(%arg6 : memref<128xf32, #tpu.memory_space<vmem>>) target(%dma_start3A_224 : memref<102400xf32, #tpu.memory_space<vmem_shared>>) offsets(%dma_start3A_222 : memref<128xi32, #tpu.memory_space<vmem>>) semaphore(%arg9 : memref<!tpu.dma_semaphore, #tpu.memory_space<semaphore_mem>>) {add = true}
      %dma_start3A_225 = arith.constant 26 : i32
      %dma_start3A_226 = arith.constant 0 : i32
      %dma_start3A_227 = tpu.memref_slice %arg5[%rem3A_49, %dma_start3A_225, %dma_start3A_226] : memref<2x56x128xi32, #tpu.memory_space<vmem>> -> memref<1x1x128xi32, #tpu.memory_space<vmem>>
      %dma_start3A_228 = tpu.memref_squeeze %dma_start3A_227 : memref<1x1x128xi32, #tpu.memory_space<vmem>> -> memref<128xi32, #tpu.memory_space<vmem>>
      %dma_start3A_229 = arith.constant 0 : i32
      %dma_start3A_230 = tpu.memref_slice %arg4[%dma_start3A_229] : memref<102400xf32, #tpu.memory_space<vmem_shared>> -> memref<102400xf32, #tpu.memory_space<vmem_shared>>
      tpu.enqueue_indirect_dma source(%arg6 : memref<128xf32, #tpu.memory_space<vmem>>) target(%dma_start3A_230 : memref<102400xf32, #tpu.memory_space<vmem_shared>>) offsets(%dma_start3A_228 : memref<128xi32, #tpu.memory_space<vmem>>) semaphore(%arg9 : memref<!tpu.dma_semaphore, #tpu.memory_space<semaphore_mem>>) {add = true}
      %dma_start3A_231 = arith.constant 27 : i32
      %dma_start3A_232 = arith.constant 0 : i32
      %dma_start3A_233 = tpu.memref_slice %arg5[%rem3A_49, %dma_start3A_231, %dma_start3A_232] : memref<2x56x128xi32, #tpu.memory_space<vmem>> -> memref<1x1x128xi32, #tpu.memory_space<vmem>>
      %dma_start3A_234 = tpu.memref_squeeze %dma_start3A_233 : memref<1x1x128xi32, #tpu.memory_space<vmem>> -> memref<128xi32, #tpu.memory_space<vmem>>
      %dma_start3A_235 = arith.constant 0 : i32
      %dma_start3A_236 = tpu.memref_slice %arg4[%dma_start3A_235] : memref<102400xf32, #tpu.memory_space<vmem_shared>> -> memref<102400xf32, #tpu.memory_space<vmem_shared>>
      tpu.enqueue_indirect_dma source(%arg6 : memref<128xf32, #tpu.memory_space<vmem>>) target(%dma_start3A_236 : memref<102400xf32, #tpu.memory_space<vmem_shared>>) offsets(%dma_start3A_234 : memref<128xi32, #tpu.memory_space<vmem>>) semaphore(%arg9 : memref<!tpu.dma_semaphore, #tpu.memory_space<semaphore_mem>>) {add = true}
      %dma_start3A_237 = arith.constant 28 : i32
      %dma_start3A_238 = arith.constant 0 : i32
      %dma_start3A_239 = tpu.memref_slice %arg5[%rem3A_49, %dma_start3A_237, %dma_start3A_238] : memref<2x56x128xi32, #tpu.memory_space<vmem>> -> memref<1x1x128xi32, #tpu.memory_space<vmem>>
      %dma_start3A_240 = tpu.memref_squeeze %dma_start3A_239 : memref<1x1x128xi32, #tpu.memory_space<vmem>> -> memref<128xi32, #tpu.memory_space<vmem>>
      %dma_start3A_241 = arith.constant 0 : i32
      %dma_start3A_242 = tpu.memref_slice %arg4[%dma_start3A_241] : memref<102400xf32, #tpu.memory_space<vmem_shared>> -> memref<102400xf32, #tpu.memory_space<vmem_shared>>
      tpu.enqueue_indirect_dma source(%arg6 : memref<128xf32, #tpu.memory_space<vmem>>) target(%dma_start3A_242 : memref<102400xf32, #tpu.memory_space<vmem_shared>>) offsets(%dma_start3A_240 : memref<128xi32, #tpu.memory_space<vmem>>) semaphore(%arg9 : memref<!tpu.dma_semaphore, #tpu.memory_space<semaphore_mem>>) {add = true}
      %dma_start3A_243 = arith.constant 29 : i32
      %dma_start3A_244 = arith.constant 0 : i32
      %dma_start3A_245 = tpu.memref_slice %arg5[%rem3A_49, %dma_start3A_243, %dma_start3A_244] : memref<2x56x128xi32, #tpu.memory_space<vmem>> -> memref<1x1x128xi32, #tpu.memory_space<vmem>>
      %dma_start3A_246 = tpu.memref_squeeze %dma_start3A_245 : memref<1x1x128xi32, #tpu.memory_space<vmem>> -> memref<128xi32, #tpu.memory_space<vmem>>
      %dma_start3A_247 = arith.constant 0 : i32
      %dma_start3A_248 = tpu.memref_slice %arg4[%dma_start3A_247] : memref<102400xf32, #tpu.memory_space<vmem_shared>> -> memref<102400xf32, #tpu.memory_space<vmem_shared>>
      tpu.enqueue_indirect_dma source(%arg6 : memref<128xf32, #tpu.memory_space<vmem>>) target(%dma_start3A_248 : memref<102400xf32, #tpu.memory_space<vmem_shared>>) offsets(%dma_start3A_246 : memref<128xi32, #tpu.memory_space<vmem>>) semaphore(%arg9 : memref<!tpu.dma_semaphore, #tpu.memory_space<semaphore_mem>>) {add = true}
      %dma_start3A_249 = arith.constant 30 : i32
      %dma_start3A_250 = arith.constant 0 : i32
      %dma_start3A_251 = tpu.memref_slice %arg5[%rem3A_49, %dma_start3A_249, %dma_start3A_250] : memref<2x56x128xi32, #tpu.memory_space<vmem>> -> memref<1x1x128xi32, #tpu.memory_space<vmem>>
      %dma_start3A_252 = tpu.memref_squeeze %dma_start3A_251 : memref<1x1x128xi32, #tpu.memory_space<vmem>> -> memref<128xi32, #tpu.memory_space<vmem>>
      %dma_start3A_253 = arith.constant 0 : i32
      %dma_start3A_254 = tpu.memref_slice %arg4[%dma_start3A_253] : memref<102400xf32, #tpu.memory_space<vmem_shared>> -> memref<102400xf32, #tpu.memory_space<vmem_shared>>
      tpu.enqueue_indirect_dma source(%arg6 : memref<128xf32, #tpu.memory_space<vmem>>) target(%dma_start3A_254 : memref<102400xf32, #tpu.memory_space<vmem_shared>>) offsets(%dma_start3A_252 : memref<128xi32, #tpu.memory_space<vmem>>) semaphore(%arg9 : memref<!tpu.dma_semaphore, #tpu.memory_space<semaphore_mem>>) {add = true}
      %dma_start3A_255 = arith.constant 31 : i32
      %dma_start3A_256 = arith.constant 0 : i32
      %dma_start3A_257 = tpu.memref_slice %arg5[%rem3A_49, %dma_start3A_255, %dma_start3A_256] : memref<2x56x128xi32, #tpu.memory_space<vmem>> -> memref<1x1x128xi32, #tpu.memory_space<vmem>>
      %dma_start3A_258 = tpu.memref_squeeze %dma_start3A_257 : memref<1x1x128xi32, #tpu.memory_space<vmem>> -> memref<128xi32, #tpu.memory_space<vmem>>
      %dma_start3A_259 = arith.constant 0 : i32
      %dma_start3A_260 = tpu.memref_slice %arg4[%dma_start3A_259] : memref<102400xf32, #tpu.memory_space<vmem_shared>> -> memref<102400xf32, #tpu.memory_space<vmem_shared>>
      tpu.enqueue_indirect_dma source(%arg6 : memref<128xf32, #tpu.memory_space<vmem>>) target(%dma_start3A_260 : memref<102400xf32, #tpu.memory_space<vmem_shared>>) offsets(%dma_start3A_258 : memref<128xi32, #tpu.memory_space<vmem>>) semaphore(%arg9 : memref<!tpu.dma_semaphore, #tpu.memory_space<semaphore_mem>>) {add = true}
      %dma_wait3A_261 = arith.constant 0 : i32
      %dma_wait3A_262 = arith.constant 0 : i32
      %dma_wait3A_263 = tpu.memref_slice %arg5[%rem3A_49, %dma_wait3A_261, %dma_wait3A_262] : memref<2x56x128xi32, #tpu.memory_space<vmem>> -> memref<1x32x128xi32, #tpu.memory_space<vmem>>
      %dma_wait3A_264 = tpu.memref_squeeze %dma_wait3A_263 : memref<1x32x128xi32, #tpu.memory_space<vmem>> -> memref<32x128xi32, #tpu.memory_space<vmem>>
      %dma_wait3A_265 = arith.constant 0 : i32
      %dma_wait3A_266 = tpu.memref_slice %arg2[%mul3A_17, %dma_wait3A_265] : memref<12544x128xi32, #tpu.memory_space<hbm>> -> memref<32x128xi32, #tpu.memory_space<hbm>>
      %dma_wait3A_267 = arith.constant 0 : i32
      %dma_wait3A_268 = arith.constant 0 : i32
      %dma_wait3A_269 = tpu.memref_slice %arg5[%rem3A_49, %dma_wait3A_267, %dma_wait3A_268] : memref<2x56x128xi32, #tpu.memory_space<vmem>> -> memref<1x32x128xi32, #tpu.memory_space<vmem>>
      %dma_wait3A_270 = tpu.memref_squeeze %dma_wait3A_269 : memref<1x32x128xi32, #tpu.memory_space<vmem>> -> memref<32x128xi32, #tpu.memory_space<vmem>>
      %dma_wait3A_271 = arith.constant 0 : i32
      %dma_wait3A_272 = tpu.memref_slice %arg2[%mul3A_17, %dma_wait3A_271] : memref<12544x128xi32, #tpu.memory_space<hbm>> -> memref<32x128xi32, #tpu.memory_space<hbm>>
      tpu.wait_dma2 semaphore(%arg9 : memref<!tpu.dma_semaphore, #tpu.memory_space<semaphore_mem>>) src(%dma_wait3A_272 : memref<32x128xi32, #tpu.memory_space<hbm>>) dst(%dma_wait3A_270 : memref<32x128xi32, #tpu.memory_space<vmem>>)
      %dma_start3A_273 = arith.constant 32 : i32
      %dma_start3A_274 = arith.constant 0 : i32
      %dma_start3A_275 = tpu.memref_slice %arg5[%rem3A_49, %dma_start3A_273, %dma_start3A_274] : memref<2x56x128xi32, #tpu.memory_space<vmem>> -> memref<1x1x128xi32, #tpu.memory_space<vmem>>
      %dma_start3A_276 = tpu.memref_squeeze %dma_start3A_275 : memref<1x1x128xi32, #tpu.memory_space<vmem>> -> memref<128xi32, #tpu.memory_space<vmem>>
      %dma_start3A_277 = arith.constant 0 : i32
      %dma_start3A_278 = tpu.memref_slice %arg4[%dma_start3A_277] : memref<102400xf32, #tpu.memory_space<vmem_shared>> -> memref<102400xf32, #tpu.memory_space<vmem_shared>>
      tpu.enqueue_indirect_dma source(%arg6 : memref<128xf32, #tpu.memory_space<vmem>>) target(%dma_start3A_278 : memref<102400xf32, #tpu.memory_space<vmem_shared>>) offsets(%dma_start3A_276 : memref<128xi32, #tpu.memory_space<vmem>>) semaphore(%arg9 : memref<!tpu.dma_semaphore, #tpu.memory_space<semaphore_mem>>) {add = true}
      %dma_start3A_279 = arith.constant 33 : i32
      %dma_start3A_280 = arith.constant 0 : i32
      %dma_start3A_281 = tpu.memref_slice %arg5[%rem3A_49, %dma_start3A_279, %dma_start3A_280] : memref<2x56x128xi32, #tpu.memory_space<vmem>> -> memref<1x1x128xi32, #tpu.memory_space<vmem>>
      %dma_start3A_282 = tpu.memref_squeeze %dma_start3A_281 : memref<1x1x128xi32, #tpu.memory_space<vmem>> -> memref<128xi32, #tpu.memory_space<vmem>>
      %dma_start3A_283 = arith.constant 0 : i32
      %dma_start3A_284 = tpu.memref_slice %arg4[%dma_start3A_283] : memref<102400xf32, #tpu.memory_space<vmem_shared>> -> memref<102400xf32, #tpu.memory_space<vmem_shared>>
      tpu.enqueue_indirect_dma source(%arg6 : memref<128xf32, #tpu.memory_space<vmem>>) target(%dma_start3A_284 : memref<102400xf32, #tpu.memory_space<vmem_shared>>) offsets(%dma_start3A_282 : memref<128xi32, #tpu.memory_space<vmem>>) semaphore(%arg9 : memref<!tpu.dma_semaphore, #tpu.memory_space<semaphore_mem>>) {add = true}
      %dma_start3A_285 = arith.constant 34 : i32
      %dma_start3A_286 = arith.constant 0 : i32
      %dma_start3A_287 = tpu.memref_slice %arg5[%rem3A_49, %dma_start3A_285, %dma_start3A_286] : memref<2x56x128xi32, #tpu.memory_space<vmem>> -> memref<1x1x128xi32, #tpu.memory_space<vmem>>
      %dma_start3A_288 = tpu.memref_squeeze %dma_start3A_287 : memref<1x1x128xi32, #tpu.memory_space<vmem>> -> memref<128xi32, #tpu.memory_space<vmem>>
      %dma_start3A_289 = arith.constant 0 : i32
      %dma_start3A_290 = tpu.memref_slice %arg4[%dma_start3A_289] : memref<102400xf32, #tpu.memory_space<vmem_shared>> -> memref<102400xf32, #tpu.memory_space<vmem_shared>>
      tpu.enqueue_indirect_dma source(%arg6 : memref<128xf32, #tpu.memory_space<vmem>>) target(%dma_start3A_290 : memref<102400xf32, #tpu.memory_space<vmem_shared>>) offsets(%dma_start3A_288 : memref<128xi32, #tpu.memory_space<vmem>>) semaphore(%arg9 : memref<!tpu.dma_semaphore, #tpu.memory_space<semaphore_mem>>) {add = true}
      %dma_start3A_291 = arith.constant 35 : i32
      %dma_start3A_292 = arith.constant 0 : i32
      %dma_start3A_293 = tpu.memref_slice %arg5[%rem3A_49, %dma_start3A_291, %dma_start3A_292] : memref<2x56x128xi32, #tpu.memory_space<vmem>> -> memref<1x1x128xi32, #tpu.memory_space<vmem>>
      %dma_start3A_294 = tpu.memref_squeeze %dma_start3A_293 : memref<1x1x128xi32, #tpu.memory_space<vmem>> -> memref<128xi32, #tpu.memory_space<vmem>>
      %dma_start3A_295 = arith.constant 0 : i32
      %dma_start3A_296 = tpu.memref_slice %arg4[%dma_start3A_295] : memref<102400xf32, #tpu.memory_space<vmem_shared>> -> memref<102400xf32, #tpu.memory_space<vmem_shared>>
      tpu.enqueue_indirect_dma source(%arg6 : memref<128xf32, #tpu.memory_space<vmem>>) target(%dma_start3A_296 : memref<102400xf32, #tpu.memory_space<vmem_shared>>) offsets(%dma_start3A_294 : memref<128xi32, #tpu.memory_space<vmem>>) semaphore(%arg9 : memref<!tpu.dma_semaphore, #tpu.memory_space<semaphore_mem>>) {add = true}
      %dma_start3A_297 = arith.constant 36 : i32
      %dma_start3A_298 = arith.constant 0 : i32
      %dma_start3A_299 = tpu.memref_slice %arg5[%rem3A_49, %dma_start3A_297, %dma_start3A_298] : memref<2x56x128xi32, #tpu.memory_space<vmem>> -> memref<1x1x128xi32, #tpu.memory_space<vmem>>
      %dma_start3A_300 = tpu.memref_squeeze %dma_start3A_299 : memref<1x1x128xi32, #tpu.memory_space<vmem>> -> memref<128xi32, #tpu.memory_space<vmem>>
      %dma_start3A_301 = arith.constant 0 : i32
      %dma_start3A_302 = tpu.memref_slice %arg4[%dma_start3A_301] : memref<102400xf32, #tpu.memory_space<vmem_shared>> -> memref<102400xf32, #tpu.memory_space<vmem_shared>>
      tpu.enqueue_indirect_dma source(%arg6 : memref<128xf32, #tpu.memory_space<vmem>>) target(%dma_start3A_302 : memref<102400xf32, #tpu.memory_space<vmem_shared>>) offsets(%dma_start3A_300 : memref<128xi32, #tpu.memory_space<vmem>>) semaphore(%arg9 : memref<!tpu.dma_semaphore, #tpu.memory_space<semaphore_mem>>) {add = true}
      %dma_start3A_303 = arith.constant 37 : i32
      %dma_start3A_304 = arith.constant 0 : i32
      %dma_start3A_305 = tpu.memref_slice %arg5[%rem3A_49, %dma_start3A_303, %dma_start3A_304] : memref<2x56x128xi32, #tpu.memory_space<vmem>> -> memref<1x1x128xi32, #tpu.memory_space<vmem>>
      %dma_start3A_306 = tpu.memref_squeeze %dma_start3A_305 : memref<1x1x128xi32, #tpu.memory_space<vmem>> -> memref<128xi32, #tpu.memory_space<vmem>>
      %dma_start3A_307 = arith.constant 0 : i32
      %dma_start3A_308 = tpu.memref_slice %arg4[%dma_start3A_307] : memref<102400xf32, #tpu.memory_space<vmem_shared>> -> memref<102400xf32, #tpu.memory_space<vmem_shared>>
      tpu.enqueue_indirect_dma source(%arg6 : memref<128xf32, #tpu.memory_space<vmem>>) target(%dma_start3A_308 : memref<102400xf32, #tpu.memory_space<vmem_shared>>) offsets(%dma_start3A_306 : memref<128xi32, #tpu.memory_space<vmem>>) semaphore(%arg9 : memref<!tpu.dma_semaphore, #tpu.memory_space<semaphore_mem>>) {add = true}
      %dma_start3A_309 = arith.constant 38 : i32
      %dma_start3A_310 = arith.constant 0 : i32
      %dma_start3A_311 = tpu.memref_slice %arg5[%rem3A_49, %dma_start3A_309, %dma_start3A_310] : memref<2x56x128xi32, #tpu.memory_space<vmem>> -> memref<1x1x128xi32, #tpu.memory_space<vmem>>
      %dma_start3A_312 = tpu.memref_squeeze %dma_start3A_311 : memref<1x1x128xi32, #tpu.memory_space<vmem>> -> memref<128xi32, #tpu.memory_space<vmem>>
      %dma_start3A_313 = arith.constant 0 : i32
      %dma_start3A_314 = tpu.memref_slice %arg4[%dma_start3A_313] : memref<102400xf32, #tpu.memory_space<vmem_shared>> -> memref<102400xf32, #tpu.memory_space<vmem_shared>>
      tpu.enqueue_indirect_dma source(%arg6 : memref<128xf32, #tpu.memory_space<vmem>>) target(%dma_start3A_314 : memref<102400xf32, #tpu.memory_space<vmem_shared>>) offsets(%dma_start3A_312 : memref<128xi32, #tpu.memory_space<vmem>>) semaphore(%arg9 : memref<!tpu.dma_semaphore, #tpu.memory_space<semaphore_mem>>) {add = true}
      %dma_start3A_315 = arith.constant 39 : i32
      %dma_start3A_316 = arith.constant 0 : i32
      %dma_start3A_317 = tpu.memref_slice %arg5[%rem3A_49, %dma_start3A_315, %dma_start3A_316] : memref<2x56x128xi32, #tpu.memory_space<vmem>> -> memref<1x1x128xi32, #tpu.memory_space<vmem>>
      %dma_start3A_318 = tpu.memref_squeeze %dma_start3A_317 : memref<1x1x128xi32, #tpu.memory_space<vmem>> -> memref<128xi32, #tpu.memory_space<vmem>>
      %dma_start3A_319 = arith.constant 0 : i32
      %dma_start3A_320 = tpu.memref_slice %arg4[%dma_start3A_319] : memref<102400xf32, #tpu.memory_space<vmem_shared>> -> memref<102400xf32, #tpu.memory_space<vmem_shared>>
      tpu.enqueue_indirect_dma source(%arg6 : memref<128xf32, #tpu.memory_space<vmem>>) target(%dma_start3A_320 : memref<102400xf32, #tpu.memory_space<vmem_shared>>) offsets(%dma_start3A_318 : memref<128xi32, #tpu.memory_space<vmem>>) semaphore(%arg9 : memref<!tpu.dma_semaphore, #tpu.memory_space<semaphore_mem>>) {add = true}
      %dma_start3A_321 = arith.constant 40 : i32
      %dma_start3A_322 = arith.constant 0 : i32
      %dma_start3A_323 = tpu.memref_slice %arg5[%rem3A_49, %dma_start3A_321, %dma_start3A_322] : memref<2x56x128xi32, #tpu.memory_space<vmem>> -> memref<1x1x128xi32, #tpu.memory_space<vmem>>
      %dma_start3A_324 = tpu.memref_squeeze %dma_start3A_323 : memref<1x1x128xi32, #tpu.memory_space<vmem>> -> memref<128xi32, #tpu.memory_space<vmem>>
      %dma_start3A_325 = arith.constant 0 : i32
      %dma_start3A_326 = tpu.memref_slice %arg4[%dma_start3A_325] : memref<102400xf32, #tpu.memory_space<vmem_shared>> -> memref<102400xf32, #tpu.memory_space<vmem_shared>>
      tpu.enqueue_indirect_dma source(%arg6 : memref<128xf32, #tpu.memory_space<vmem>>) target(%dma_start3A_326 : memref<102400xf32, #tpu.memory_space<vmem_shared>>) offsets(%dma_start3A_324 : memref<128xi32, #tpu.memory_space<vmem>>) semaphore(%arg9 : memref<!tpu.dma_semaphore, #tpu.memory_space<semaphore_mem>>) {add = true}
      %dma_start3A_327 = arith.constant 41 : i32
      %dma_start3A_328 = arith.constant 0 : i32
      %dma_start3A_329 = tpu.memref_slice %arg5[%rem3A_49, %dma_start3A_327, %dma_start3A_328] : memref<2x56x128xi32, #tpu.memory_space<vmem>> -> memref<1x1x128xi32, #tpu.memory_space<vmem>>
      %dma_start3A_330 = tpu.memref_squeeze %dma_start3A_329 : memref<1x1x128xi32, #tpu.memory_space<vmem>> -> memref<128xi32, #tpu.memory_space<vmem>>
      %dma_start3A_331 = arith.constant 0 : i32
      %dma_start3A_332 = tpu.memref_slice %arg4[%dma_start3A_331] : memref<102400xf32, #tpu.memory_space<vmem_shared>> -> memref<102400xf32, #tpu.memory_space<vmem_shared>>
      tpu.enqueue_indirect_dma source(%arg6 : memref<128xf32, #tpu.memory_space<vmem>>) target(%dma_start3A_332 : memref<102400xf32, #tpu.memory_space<vmem_shared>>) offsets(%dma_start3A_330 : memref<128xi32, #tpu.memory_space<vmem>>) semaphore(%arg9 : memref<!tpu.dma_semaphore, #tpu.memory_space<semaphore_mem>>) {add = true}
      %dma_start3A_333 = arith.constant 42 : i32
      %dma_start3A_334 = arith.constant 0 : i32
      %dma_start3A_335 = tpu.memref_slice %arg5[%rem3A_49, %dma_start3A_333, %dma_start3A_334] : memref<2x56x128xi32, #tpu.memory_space<vmem>> -> memref<1x1x128xi32, #tpu.memory_space<vmem>>
      %dma_start3A_336 = tpu.memref_squeeze %dma_start3A_335 : memref<1x1x128xi32, #tpu.memory_space<vmem>> -> memref<128xi32, #tpu.memory_space<vmem>>
      %dma_start3A_337 = arith.constant 0 : i32
      %dma_start3A_338 = tpu.memref_slice %arg4[%dma_start3A_337] : memref<102400xf32, #tpu.memory_space<vmem_shared>> -> memref<102400xf32, #tpu.memory_space<vmem_shared>>
      tpu.enqueue_indirect_dma source(%arg6 : memref<128xf32, #tpu.memory_space<vmem>>) target(%dma_start3A_338 : memref<102400xf32, #tpu.memory_space<vmem_shared>>) offsets(%dma_start3A_336 : memref<128xi32, #tpu.memory_space<vmem>>) semaphore(%arg9 : memref<!tpu.dma_semaphore, #tpu.memory_space<semaphore_mem>>) {add = true}
      %dma_start3A_339 = arith.constant 43 : i32
      %dma_start3A_340 = arith.constant 0 : i32
      %dma_start3A_341 = tpu.memref_slice %arg5[%rem3A_49, %dma_start3A_339, %dma_start3A_340] : memref<2x56x128xi32, #tpu.memory_space<vmem>> -> memref<1x1x128xi32, #tpu.memory_space<vmem>>
      %dma_start3A_342 = tpu.memref_squeeze %dma_start3A_341 : memref<1x1x128xi32, #tpu.memory_space<vmem>> -> memref<128xi32, #tpu.memory_space<vmem>>
      %dma_start3A_343 = arith.constant 0 : i32
      %dma_start3A_344 = tpu.memref_slice %arg4[%dma_start3A_343] : memref<102400xf32, #tpu.memory_space<vmem_shared>> -> memref<102400xf32, #tpu.memory_space<vmem_shared>>
      tpu.enqueue_indirect_dma source(%arg6 : memref<128xf32, #tpu.memory_space<vmem>>) target(%dma_start3A_344 : memref<102400xf32, #tpu.memory_space<vmem_shared>>) offsets(%dma_start3A_342 : memref<128xi32, #tpu.memory_space<vmem>>) semaphore(%arg9 : memref<!tpu.dma_semaphore, #tpu.memory_space<semaphore_mem>>) {add = true}
      %dma_start3A_345 = arith.constant 44 : i32
      %dma_start3A_346 = arith.constant 0 : i32
      %dma_start3A_347 = tpu.memref_slice %arg5[%rem3A_49, %dma_start3A_345, %dma_start3A_346] : memref<2x56x128xi32, #tpu.memory_space<vmem>> -> memref<1x1x128xi32, #tpu.memory_space<vmem>>
      %dma_start3A_348 = tpu.memref_squeeze %dma_start3A_347 : memref<1x1x128xi32, #tpu.memory_space<vmem>> -> memref<128xi32, #tpu.memory_space<vmem>>
      %dma_start3A_349 = arith.constant 0 : i32
      %dma_start3A_350 = tpu.memref_slice %arg4[%dma_start3A_349] : memref<102400xf32, #tpu.memory_space<vmem_shared>> -> memref<102400xf32, #tpu.memory_space<vmem_shared>>
      tpu.enqueue_indirect_dma source(%arg6 : memref<128xf32, #tpu.memory_space<vmem>>) target(%dma_start3A_350 : memref<102400xf32, #tpu.memory_space<vmem_shared>>) offsets(%dma_start3A_348 : memref<128xi32, #tpu.memory_space<vmem>>) semaphore(%arg9 : memref<!tpu.dma_semaphore, #tpu.memory_space<semaphore_mem>>) {add = true}
      %dma_start3A_351 = arith.constant 45 : i32
      %dma_start3A_352 = arith.constant 0 : i32
      %dma_start3A_353 = tpu.memref_slice %arg5[%rem3A_49, %dma_start3A_351, %dma_start3A_352] : memref<2x56x128xi32, #tpu.memory_space<vmem>> -> memref<1x1x128xi32, #tpu.memory_space<vmem>>
      %dma_start3A_354 = tpu.memref_squeeze %dma_start3A_353 : memref<1x1x128xi32, #tpu.memory_space<vmem>> -> memref<128xi32, #tpu.memory_space<vmem>>
      %dma_start3A_355 = arith.constant 0 : i32
      %dma_start3A_356 = tpu.memref_slice %arg4[%dma_start3A_355] : memref<102400xf32, #tpu.memory_space<vmem_shared>> -> memref<102400xf32, #tpu.memory_space<vmem_shared>>
      tpu.enqueue_indirect_dma source(%arg6 : memref<128xf32, #tpu.memory_space<vmem>>) target(%dma_start3A_356 : memref<102400xf32, #tpu.memory_space<vmem_shared>>) offsets(%dma_start3A_354 : memref<128xi32, #tpu.memory_space<vmem>>) semaphore(%arg9 : memref<!tpu.dma_semaphore, #tpu.memory_space<semaphore_mem>>) {add = true}
      %dma_start3A_357 = arith.constant 46 : i32
      %dma_start3A_358 = arith.constant 0 : i32
      %dma_start3A_359 = tpu.memref_slice %arg5[%rem3A_49, %dma_start3A_357, %dma_start3A_358] : memref<2x56x128xi32, #tpu.memory_space<vmem>> -> memref<1x1x128xi32, #tpu.memory_space<vmem>>
      %dma_start3A_360 = tpu.memref_squeeze %dma_start3A_359 : memref<1x1x128xi32, #tpu.memory_space<vmem>> -> memref<128xi32, #tpu.memory_space<vmem>>
      %dma_start3A_361 = arith.constant 0 : i32
      %dma_start3A_362 = tpu.memref_slice %arg4[%dma_start3A_361] : memref<102400xf32, #tpu.memory_space<vmem_shared>> -> memref<102400xf32, #tpu.memory_space<vmem_shared>>
      tpu.enqueue_indirect_dma source(%arg6 : memref<128xf32, #tpu.memory_space<vmem>>) target(%dma_start3A_362 : memref<102400xf32, #tpu.memory_space<vmem_shared>>) offsets(%dma_start3A_360 : memref<128xi32, #tpu.memory_space<vmem>>) semaphore(%arg9 : memref<!tpu.dma_semaphore, #tpu.memory_space<semaphore_mem>>) {add = true}
      %dma_start3A_363 = arith.constant 47 : i32
      %dma_start3A_364 = arith.constant 0 : i32
      %dma_start3A_365 = tpu.memref_slice %arg5[%rem3A_49, %dma_start3A_363, %dma_start3A_364] : memref<2x56x128xi32, #tpu.memory_space<vmem>> -> memref<1x1x128xi32, #tpu.memory_space<vmem>>
      %dma_start3A_366 = tpu.memref_squeeze %dma_start3A_365 : memref<1x1x128xi32, #tpu.memory_space<vmem>> -> memref<128xi32, #tpu.memory_space<vmem>>
      %dma_start3A_367 = arith.constant 0 : i32
      %dma_start3A_368 = tpu.memref_slice %arg4[%dma_start3A_367] : memref<102400xf32, #tpu.memory_space<vmem_shared>> -> memref<102400xf32, #tpu.memory_space<vmem_shared>>
      tpu.enqueue_indirect_dma source(%arg6 : memref<128xf32, #tpu.memory_space<vmem>>) target(%dma_start3A_368 : memref<102400xf32, #tpu.memory_space<vmem_shared>>) offsets(%dma_start3A_366 : memref<128xi32, #tpu.memory_space<vmem>>) semaphore(%arg9 : memref<!tpu.dma_semaphore, #tpu.memory_space<semaphore_mem>>) {add = true}
      %dma_start3A_369 = arith.constant 48 : i32
      %dma_start3A_370 = arith.constant 0 : i32
      %dma_start3A_371 = tpu.memref_slice %arg5[%rem3A_49, %dma_start3A_369, %dma_start3A_370] : memref<2x56x128xi32, #tpu.memory_space<vmem>> -> memref<1x1x128xi32, #tpu.memory_space<vmem>>
      %dma_start3A_372 = tpu.memref_squeeze %dma_start3A_371 : memref<1x1x128xi32, #tpu.memory_space<vmem>> -> memref<128xi32, #tpu.memory_space<vmem>>
      %dma_start3A_373 = arith.constant 0 : i32
      %dma_start3A_374 = tpu.memref_slice %arg4[%dma_start3A_373] : memref<102400xf32, #tpu.memory_space<vmem_shared>> -> memref<102400xf32, #tpu.memory_space<vmem_shared>>
      tpu.enqueue_indirect_dma source(%arg6 : memref<128xf32, #tpu.memory_space<vmem>>) target(%dma_start3A_374 : memref<102400xf32, #tpu.memory_space<vmem_shared>>) offsets(%dma_start3A_372 : memref<128xi32, #tpu.memory_space<vmem>>) semaphore(%arg9 : memref<!tpu.dma_semaphore, #tpu.memory_space<semaphore_mem>>) {add = true}
      %dma_start3A_375 = arith.constant 49 : i32
      %dma_start3A_376 = arith.constant 0 : i32
      %dma_start3A_377 = tpu.memref_slice %arg5[%rem3A_49, %dma_start3A_375, %dma_start3A_376] : memref<2x56x128xi32, #tpu.memory_space<vmem>> -> memref<1x1x128xi32, #tpu.memory_space<vmem>>
      %dma_start3A_378 = tpu.memref_squeeze %dma_start3A_377 : memref<1x1x128xi32, #tpu.memory_space<vmem>> -> memref<128xi32, #tpu.memory_space<vmem>>
      %dma_start3A_379 = arith.constant 0 : i32
      %dma_start3A_380 = tpu.memref_slice %arg4[%dma_start3A_379] : memref<102400xf32, #tpu.memory_space<vmem_shared>> -> memref<102400xf32, #tpu.memory_space<vmem_shared>>
      tpu.enqueue_indirect_dma source(%arg6 : memref<128xf32, #tpu.memory_space<vmem>>) target(%dma_start3A_380 : memref<102400xf32, #tpu.memory_space<vmem_shared>>) offsets(%dma_start3A_378 : memref<128xi32, #tpu.memory_space<vmem>>) semaphore(%arg9 : memref<!tpu.dma_semaphore, #tpu.memory_space<semaphore_mem>>) {add = true}
      %dma_start3A_381 = arith.constant 50 : i32
      %dma_start3A_382 = arith.constant 0 : i32
      %dma_start3A_383 = tpu.memref_slice %arg5[%rem3A_49, %dma_start3A_381, %dma_start3A_382] : memref<2x56x128xi32, #tpu.memory_space<vmem>> -> memref<1x1x128xi32, #tpu.memory_space<vmem>>
      %dma_start3A_384 = tpu.memref_squeeze %dma_start3A_383 : memref<1x1x128xi32, #tpu.memory_space<vmem>> -> memref<128xi32, #tpu.memory_space<vmem>>
      %dma_start3A_385 = arith.constant 0 : i32
      %dma_start3A_386 = tpu.memref_slice %arg4[%dma_start3A_385] : memref<102400xf32, #tpu.memory_space<vmem_shared>> -> memref<102400xf32, #tpu.memory_space<vmem_shared>>
      tpu.enqueue_indirect_dma source(%arg6 : memref<128xf32, #tpu.memory_space<vmem>>) target(%dma_start3A_386 : memref<102400xf32, #tpu.memory_space<vmem_shared>>) offsets(%dma_start3A_384 : memref<128xi32, #tpu.memory_space<vmem>>) semaphore(%arg9 : memref<!tpu.dma_semaphore, #tpu.memory_space<semaphore_mem>>) {add = true}
      %dma_start3A_387 = arith.constant 51 : i32
      %dma_start3A_388 = arith.constant 0 : i32
      %dma_start3A_389 = tpu.memref_slice %arg5[%rem3A_49, %dma_start3A_387, %dma_start3A_388] : memref<2x56x128xi32, #tpu.memory_space<vmem>> -> memref<1x1x128xi32, #tpu.memory_space<vmem>>
      %dma_start3A_390 = tpu.memref_squeeze %dma_start3A_389 : memref<1x1x128xi32, #tpu.memory_space<vmem>> -> memref<128xi32, #tpu.memory_space<vmem>>
      %dma_start3A_391 = arith.constant 0 : i32
      %dma_start3A_392 = tpu.memref_slice %arg4[%dma_start3A_391] : memref<102400xf32, #tpu.memory_space<vmem_shared>> -> memref<102400xf32, #tpu.memory_space<vmem_shared>>
      tpu.enqueue_indirect_dma source(%arg6 : memref<128xf32, #tpu.memory_space<vmem>>) target(%dma_start3A_392 : memref<102400xf32, #tpu.memory_space<vmem_shared>>) offsets(%dma_start3A_390 : memref<128xi32, #tpu.memory_space<vmem>>) semaphore(%arg9 : memref<!tpu.dma_semaphore, #tpu.memory_space<semaphore_mem>>) {add = true}
      %dma_start3A_393 = arith.constant 52 : i32
      %dma_start3A_394 = arith.constant 0 : i32
      %dma_start3A_395 = tpu.memref_slice %arg5[%rem3A_49, %dma_start3A_393, %dma_start3A_394] : memref<2x56x128xi32, #tpu.memory_space<vmem>> -> memref<1x1x128xi32, #tpu.memory_space<vmem>>
      %dma_start3A_396 = tpu.memref_squeeze %dma_start3A_395 : memref<1x1x128xi32, #tpu.memory_space<vmem>> -> memref<128xi32, #tpu.memory_space<vmem>>
      %dma_start3A_397 = arith.constant 0 : i32
      %dma_start3A_398 = tpu.memref_slice %arg4[%dma_start3A_397] : memref<102400xf32, #tpu.memory_space<vmem_shared>> -> memref<102400xf32, #tpu.memory_space<vmem_shared>>
      tpu.enqueue_indirect_dma source(%arg6 : memref<128xf32, #tpu.memory_space<vmem>>) target(%dma_start3A_398 : memref<102400xf32, #tpu.memory_space<vmem_shared>>) offsets(%dma_start3A_396 : memref<128xi32, #tpu.memory_space<vmem>>) semaphore(%arg9 : memref<!tpu.dma_semaphore, #tpu.memory_space<semaphore_mem>>) {add = true}
      %dma_start3A_399 = arith.constant 53 : i32
      %dma_start3A_400 = arith.constant 0 : i32
      %dma_start3A_401 = tpu.memref_slice %arg5[%rem3A_49, %dma_start3A_399, %dma_start3A_400] : memref<2x56x128xi32, #tpu.memory_space<vmem>> -> memref<1x1x128xi32, #tpu.memory_space<vmem>>
      %dma_start3A_402 = tpu.memref_squeeze %dma_start3A_401 : memref<1x1x128xi32, #tpu.memory_space<vmem>> -> memref<128xi32, #tpu.memory_space<vmem>>
      %dma_start3A_403 = arith.constant 0 : i32
      %dma_start3A_404 = tpu.memref_slice %arg4[%dma_start3A_403] : memref<102400xf32, #tpu.memory_space<vmem_shared>> -> memref<102400xf32, #tpu.memory_space<vmem_shared>>
      tpu.enqueue_indirect_dma source(%arg6 : memref<128xf32, #tpu.memory_space<vmem>>) target(%dma_start3A_404 : memref<102400xf32, #tpu.memory_space<vmem_shared>>) offsets(%dma_start3A_402 : memref<128xi32, #tpu.memory_space<vmem>>) semaphore(%arg9 : memref<!tpu.dma_semaphore, #tpu.memory_space<semaphore_mem>>) {add = true}
      %dma_start3A_405 = arith.constant 54 : i32
      %dma_start3A_406 = arith.constant 0 : i32
      %dma_start3A_407 = tpu.memref_slice %arg5[%rem3A_49, %dma_start3A_405, %dma_start3A_406] : memref<2x56x128xi32, #tpu.memory_space<vmem>> -> memref<1x1x128xi32, #tpu.memory_space<vmem>>
      %dma_start3A_408 = tpu.memref_squeeze %dma_start3A_407 : memref<1x1x128xi32, #tpu.memory_space<vmem>> -> memref<128xi32, #tpu.memory_space<vmem>>
      %dma_start3A_409 = arith.constant 0 : i32
      %dma_start3A_410 = tpu.memref_slice %arg4[%dma_start3A_409] : memref<102400xf32, #tpu.memory_space<vmem_shared>> -> memref<102400xf32, #tpu.memory_space<vmem_shared>>
      tpu.enqueue_indirect_dma source(%arg6 : memref<128xf32, #tpu.memory_space<vmem>>) target(%dma_start3A_410 : memref<102400xf32, #tpu.memory_space<vmem_shared>>) offsets(%dma_start3A_408 : memref<128xi32, #tpu.memory_space<vmem>>) semaphore(%arg9 : memref<!tpu.dma_semaphore, #tpu.memory_space<semaphore_mem>>) {add = true}
      %dma_start3A_411 = arith.constant 55 : i32
      %dma_start3A_412 = arith.constant 0 : i32
      %dma_start3A_413 = tpu.memref_slice %arg5[%rem3A_49, %dma_start3A_411, %dma_start3A_412] : memref<2x56x128xi32, #tpu.memory_space<vmem>> -> memref<1x1x128xi32, #tpu.memory_space<vmem>>
      %dma_start3A_414 = tpu.memref_squeeze %dma_start3A_413 : memref<1x1x128xi32, #tpu.memory_space<vmem>> -> memref<128xi32, #tpu.memory_space<vmem>>
      %dma_start3A_415 = arith.constant 0 : i32
      %dma_start3A_416 = tpu.memref_slice %arg4[%dma_start3A_415] : memref<102400xf32, #tpu.memory_space<vmem_shared>> -> memref<102400xf32, #tpu.memory_space<vmem_shared>>
      tpu.enqueue_indirect_dma source(%arg6 : memref<128xf32, #tpu.memory_space<vmem>>) target(%dma_start3A_416 : memref<102400xf32, #tpu.memory_space<vmem_shared>>) offsets(%dma_start3A_414 : memref<128xi32, #tpu.memory_space<vmem>>) semaphore(%arg9 : memref<!tpu.dma_semaphore, #tpu.memory_space<semaphore_mem>>) {add = true}
      %dma_wait3A_417 = arith.constant 32 : i32
      %dma_wait3A_418 = arith.constant 0 : i32
      %dma_wait3A_419 = tpu.memref_slice %arg5[%rem3A_49, %dma_wait3A_417, %dma_wait3A_418] : memref<2x56x128xi32, #tpu.memory_space<vmem>> -> memref<1x24x128xi32, #tpu.memory_space<vmem>>
      %dma_wait3A_420 = tpu.memref_squeeze %dma_wait3A_419 : memref<1x24x128xi32, #tpu.memory_space<vmem>> -> memref<24x128xi32, #tpu.memory_space<vmem>>
      %dma_wait3A_421 = arith.constant 0 : i32
      %dma_wait3A_422 = tpu.memref_slice %arg2[%mul3A_17, %dma_wait3A_421] : memref<12544x128xi32, #tpu.memory_space<hbm>> -> memref<24x128xi32, #tpu.memory_space<hbm>>
      %dma_wait3A_423 = arith.constant 32 : i32
      %dma_wait3A_424 = arith.constant 0 : i32
      %dma_wait3A_425 = tpu.memref_slice %arg5[%rem3A_49, %dma_wait3A_423, %dma_wait3A_424] : memref<2x56x128xi32, #tpu.memory_space<vmem>> -> memref<1x24x128xi32, #tpu.memory_space<vmem>>
      %dma_wait3A_426 = tpu.memref_squeeze %dma_wait3A_425 : memref<1x24x128xi32, #tpu.memory_space<vmem>> -> memref<24x128xi32, #tpu.memory_space<vmem>>
      %dma_wait3A_427 = arith.constant 0 : i32
      %dma_wait3A_428 = tpu.memref_slice %arg2[%mul3A_17, %dma_wait3A_427] : memref<12544x128xi32, #tpu.memory_space<hbm>> -> memref<24x128xi32, #tpu.memory_space<hbm>>
      tpu.wait_dma2 semaphore(%arg9 : memref<!tpu.dma_semaphore, #tpu.memory_space<semaphore_mem>>) src(%dma_wait3A_428 : memref<24x128xi32, #tpu.memory_space<hbm>>) dst(%dma_wait3A_426 : memref<24x128xi32, #tpu.memory_space<vmem>>)
      %scan3A_429 = arith.constant 0 : i32
      scf.yield %scan3A_429 : i32
    }
    %scan3A_38 = arith.constant 7 : i32
    %barrier3A_39 = arith.constant 0 : index
    tpu.barrier barrier_id(%barrier3A_39)
    %mul3A_40 = arith.constant 6400 : i32
    %mul3A_41 = arith.muli %arg1, %mul3A_40 : i32
    %mul3A_42 = arith.constant 102400 : i32
    %mul3A_43 = arith.muli %arg0, %mul3A_42 : i32
    %mul3A_44 = arith.constant 6400 : i32
    %mul3A_45 = arith.muli %arg1, %mul3A_44 : i32
    %add3A_46 = arith.addi %mul3A_43, %mul3A_45 : i32
    "tpu.region"() ({
      %run_scoped3A = tpu.sem_alloc : memref<!tpu.dma_semaphore, #tpu.memory_space<semaphore_mem>>
      %dma_start3A_47 = tpu.memref_slice %arg3[%add3A_46] : memref<204800xf32, #tpu.memory_space<hbm>> -> memref<6400xf32, #tpu.memory_space<hbm>>
      %dma_start3A_48 = tpu.memref_slice %arg4[%mul3A_41] : memref<102400xf32, #tpu.memory_space<vmem_shared>> -> memref<6400xf32, #tpu.memory_space<vmem_shared>>
      tpu.enqueue_dma source(%dma_start3A_48 : memref<6400xf32, #tpu.memory_space<vmem_shared>>) target(%dma_start3A_47 : memref<6400xf32, #tpu.memory_space<hbm>>) target_semaphore(%run_scoped3A : memref<!tpu.dma_semaphore, #tpu.memory_space<semaphore_mem>>)
      %dma_wait3A = tpu.memref_slice %arg3[%add3A_46] : memref<204800xf32, #tpu.memory_space<hbm>> -> memref<6400xf32, #tpu.memory_space<hbm>>
      %dma_wait3A_49 = tpu.memref_slice %arg4[%mul3A_41] : memref<102400xf32, #tpu.memory_space<vmem_shared>> -> memref<6400xf32, #tpu.memory_space<vmem_shared>>
      tpu.wait_dma2 semaphore(%run_scoped3A : memref<!tpu.dma_semaphore, #tpu.memory_space<semaphore_mem>>) src(%dma_wait3A_49 : memref<6400xf32, #tpu.memory_space<vmem_shared>>) dst(%dma_wait3A : memref<6400xf32, #tpu.memory_space<hbm>>)
      tpu.yield
    }) : () -> ()
    return
  }
}

#map = affine_map<(d0, d1) -> (0, 0)>
#map1 = affine_map<(d0, d1) -> (0)>
module attributes {stable_mosaic.version = 14 : i64} {
  func.func @_sc_scatter_body(%arg0: i32, %arg1: i32, %arg2: memref<12544x128xi32, #tpu.memory_space<hbm>>, %arg3: memref<12544x128xi32, #tpu.memory_space<hbm>>, %arg4: memref<102400xi32, #tpu.memory_space<hbm>>, %arg5: memref<3276800xf32, #tpu.memory_space<hbm>>, %arg6: memref<1638400xf32, #tpu.memory_space<vmem_shared>>, %arg7: memref<102400xi32, #tpu.memory_space<vmem_shared>>, %arg8: memref<2x8x128xi32, #tpu.memory_space<vmem>>, %arg9: memref<2x8x128xi32, #tpu.memory_space<vmem>>, %arg10: memref<2x8x128xi32, #tpu.memory_space<vmem>>, %arg11: memref<2x8x128xi32, #tpu.memory_space<vmem>>, %arg12: memref<2x8x128xf32, #tpu.memory_space<vmem>>, %arg13: memref<2048xf32, #tpu.memory_space<vmem>>, %arg14: memref<!tpu.dma_semaphore, #tpu.memory_space<semaphore_mem>>, %arg15: memref<!tpu.dma_semaphore, #tpu.memory_space<semaphore_mem>>, %arg16: memref<!tpu.dma_semaphore, #tpu.memory_space<semaphore_mem>>) attributes {dimension_semantics = [#tpu.dimension_semantics<core_parallel>, #tpu.dimension_semantics<subcore_parallel>], iteration_bounds = array<i64: 2, 16>, scalar_prefetch = 0 : i64, scratch_operands = 11 : i64, tpu.core_type = #tpu.core_type<sc_vector_subcore>, window_params = [{transform_indices = #map}, {transform_indices = #map}, {transform_indices = #map1}, {transform_indices = #map1}]} {
    %mul3A = arith.constant 16 : i32
    %mul3A_0 = arith.muli %arg0, %mul3A : i32
    %add3A = arith.addi %mul3A_0, %arg1 : i32
    %scan3A = arith.constant 0 : i32
    %scan3A_1 = arith.constant 0 : i32
    %scan3A_2 = arith.constant 128 : i32
    %scan3A_3 = arith.addi %scan3A_1, %scan3A_2 : i32
    %scan3A_4 = arith.constant 1 : i32
    %scan3A_5 = scf.for %scan3A_218 = %scan3A_1 to %scan3A_3 step %scan3A_4 iter_args(%scan3A_219 = %scan3A) -> (i32)  : i32 {
      %broadcast_in_dim3A = arith.constant 0.000000e+00 : f32
      %broadcast_in_dim3A_220 = vector.broadcast %broadcast_in_dim3A : f32 to vector<16xf32>
      %mul3A_221 = arith.constant 16 : i32
      %mul3A_222 = arith.muli %scan3A_218, %mul3A_221 : i32
      %swap3A = arith.index_cast %mul3A_222 : i32 to index
      %swap3A_223 = tpu.vector_load %arg13[%swap3A] {strides = array<i32>} : memref<2048xf32, #tpu.memory_space<vmem>>, vector<16xf32>,
      %swap3A_224 = vector.shape_cast %swap3A_223 : vector<16xf32> to vector<16xf32>
      %swap3A_225 = vector.shape_cast %broadcast_in_dim3A_220 : vector<16xf32> to vector<16xf32>
      tpu.vector_store %arg13[%swap3A], %swap3A_225 {strides = array<i32>} : memref<2048xf32, #tpu.memory_space<vmem>>, vector<16xf32>,
      %scan3A_226 = arith.constant 0 : i32
      scf.yield %scan3A_226 : i32
    }
    %scan3A_6 = arith.constant 128 : i32
    %scan3A_7 = arith.constant 0 : i32
    %scan3A_8 = arith.constant 0 : i32
    %scan3A_9 = arith.constant 50 : i32
    %scan3A_10 = arith.addi %scan3A_8, %scan3A_9 : i32
    %scan3A_11 = arith.constant 1 : i32
    %scan3A_12 = scf.for %scan3A_218 = %scan3A_8 to %scan3A_10 step %scan3A_11 iter_args(%scan3A_219 = %scan3A_7) -> (i32)  : i32 {
      %mul3A_220 = arith.constant 102400 : i32
      %mul3A_221 = arith.muli %arg1, %mul3A_220 : i32
      %mul3A_222 = arith.constant 2048 : i32
      %mul3A_223 = arith.muli %scan3A_218, %mul3A_222 : i32
      %add3A_224 = arith.addi %mul3A_221, %mul3A_223 : i32
      %dma_start3A_225 = tpu.memref_slice %arg6[%add3A_224] : memref<1638400xf32, #tpu.memory_space<vmem_shared>> -> memref<2048xf32, #tpu.memory_space<vmem_shared>>
      %dma_start3A_226 = tpu.memref_slice %arg6[%add3A_224] : memref<1638400xf32, #tpu.memory_space<vmem_shared>> -> memref<2048xf32, #tpu.memory_space<vmem_shared>>
      tpu.enqueue_dma source(%arg13 : memref<2048xf32, #tpu.memory_space<vmem>>) target(%dma_start3A_226 : memref<2048xf32, #tpu.memory_space<vmem_shared>>) target_semaphore(%arg14 : memref<!tpu.dma_semaphore, #tpu.memory_space<semaphore_mem>>)
      %scan3A_227 = arith.constant 0 : i32
      scf.yield %scan3A_227 : i32
    }
    %scan3A_13 = arith.constant 50 : i32
    %mul3A_14 = arith.constant 6400 : i32
    %mul3A_15 = arith.muli %arg1, %mul3A_14 : i32
    %mul3A_16 = arith.constant 6400 : i32
    %mul3A_17 = arith.muli %arg1, %mul3A_16 : i32
    "tpu.region"() ({
      %run_scoped3A = tpu.sem_alloc : memref<!tpu.dma_semaphore, #tpu.memory_space<semaphore_mem>>
      %dma_start3A_218 = tpu.memref_slice %arg7[%mul3A_17] : memref<102400xi32, #tpu.memory_space<vmem_shared>> -> memref<6400xi32, #tpu.memory_space<vmem_shared>>
      %dma_start3A_219 = tpu.memref_slice %arg4[%mul3A_15] : memref<102400xi32, #tpu.memory_space<hbm>> -> memref<6400xi32, #tpu.memory_space<hbm>>
      tpu.enqueue_dma source(%dma_start3A_219 : memref<6400xi32, #tpu.memory_space<hbm>>) target(%dma_start3A_218 : memref<6400xi32, #tpu.memory_space<vmem_shared>>) target_semaphore(%run_scoped3A : memref<!tpu.dma_semaphore, #tpu.memory_space<semaphore_mem>>)
      %dma_wait3A_220 = tpu.memref_slice %arg7[%mul3A_17] : memref<102400xi32, #tpu.memory_space<vmem_shared>> -> memref<6400xi32, #tpu.memory_space<vmem_shared>>
      %dma_wait3A_221 = tpu.memref_slice %arg4[%mul3A_15] : memref<102400xi32, #tpu.memory_space<hbm>> -> memref<6400xi32, #tpu.memory_space<hbm>>
      tpu.wait_dma2 semaphore(%run_scoped3A : memref<!tpu.dma_semaphore, #tpu.memory_space<semaphore_mem>>) src(%dma_wait3A_221 : memref<6400xi32, #tpu.memory_space<hbm>>) dst(%dma_wait3A_220 : memref<6400xi32, #tpu.memory_space<vmem_shared>>)
      tpu.yield
    }) : () -> ()
    %scan3A_18 = arith.constant 0 : i32
    %scan3A_19 = arith.constant 0 : i32
    %scan3A_20 = arith.constant 50 : i32
    %scan3A_21 = arith.addi %scan3A_19, %scan3A_20 : i32
    %scan3A_22 = arith.constant 1 : i32
    %scan3A_23 = scf.for %scan3A_218 = %scan3A_19 to %scan3A_21 step %scan3A_22 iter_args(%scan3A_219 = %scan3A_18) -> (i32)  : i32 {
      %mul3A_220 = arith.constant 102400 : i32
      %mul3A_221 = arith.muli %arg1, %mul3A_220 : i32
      %mul3A_222 = arith.constant 2048 : i32
      %mul3A_223 = arith.muli %scan3A_218, %mul3A_222 : i32
      %add3A_224 = arith.addi %mul3A_221, %mul3A_223 : i32
      %dma_wait3A_225 = tpu.memref_slice %arg6[%add3A_224] : memref<1638400xf32, #tpu.memory_space<vmem_shared>> -> memref<2048xf32, #tpu.memory_space<vmem_shared>>
      %dma_wait3A_226 = tpu.memref_slice %arg6[%add3A_224] : memref<1638400xf32, #tpu.memory_space<vmem_shared>> -> memref<2048xf32, #tpu.memory_space<vmem_shared>>
      tpu.wait_dma2 semaphore(%arg14 : memref<!tpu.dma_semaphore, #tpu.memory_space<semaphore_mem>>) src(%arg13 : memref<2048xf32, #tpu.memory_space<vmem>>) dst(%dma_wait3A_226 : memref<2048xf32, #tpu.memory_space<vmem_shared>>)
      %scan3A_227 = arith.constant 0 : i32
      scf.yield %scan3A_227 : i32
    }
    %scan3A_24 = arith.constant 50 : i32
    %barrier3A = arith.constant 0 : index
    tpu.barrier barrier_id(%barrier3A)
    %mul3A_25 = arith.constant 392 : i32
    %mul3A_26 = arith.muli %add3A, %mul3A_25 : i32
    %add3A_27 = arith.constant 0 : i32
    %add3A_28 = arith.addi %mul3A_26, %add3A_27 : i32
    %dma_start3A = arith.constant 0 : i32
    %dma_start3A_29 = arith.constant 0 : i32
    %dma_start3A_30 = arith.constant 0 : i32
    %dma_start3A_31 = tpu.memref_slice %arg8[%dma_start3A, %dma_start3A_29, %dma_start3A_30] : memref<2x8x128xi32, #tpu.memory_space<vmem>> -> memref<1x8x128xi32, #tpu.memory_space<vmem>>
    %dma_start3A_32 = tpu.memref_squeeze %dma_start3A_31 : memref<1x8x128xi32, #tpu.memory_space<vmem>> -> memref<8x128xi32, #tpu.memory_space<vmem>>
    %dma_start3A_33 = arith.constant 0 : i32
    %dma_start3A_34 = tpu.memref_slice %arg2[%add3A_28, %dma_start3A_33] : memref<12544x128xi32, #tpu.memory_space<hbm>> -> memref<8x128xi32, #tpu.memory_space<hbm>>
    %dma_start3A_35 = arith.constant 0 : i32
    %dma_start3A_36 = arith.constant 0 : i32
    %dma_start3A_37 = tpu.memref_slice %arg8[%dma_start3A, %dma_start3A_35, %dma_start3A_36] : memref<2x8x128xi32, #tpu.memory_space<vmem>> -> memref<1x8x128xi32, #tpu.memory_space<vmem>>
    %dma_start3A_38 = tpu.memref_squeeze %dma_start3A_37 : memref<1x8x128xi32, #tpu.memory_space<vmem>> -> memref<8x128xi32, #tpu.memory_space<vmem>>
    %dma_start3A_39 = arith.constant 0 : i32
    %dma_start3A_40 = tpu.memref_slice %arg2[%add3A_28, %dma_start3A_39] : memref<12544x128xi32, #tpu.memory_space<hbm>> -> memref<8x128xi32, #tpu.memory_space<hbm>>
    tpu.enqueue_dma source(%dma_start3A_40 : memref<8x128xi32, #tpu.memory_space<hbm>>) target(%dma_start3A_38 : memref<8x128xi32, #tpu.memory_space<vmem>>) target_semaphore(%arg14 : memref<!tpu.dma_semaphore, #tpu.memory_space<semaphore_mem>>)
    %dma_start3A_41 = arith.constant 0 : i32
    %dma_start3A_42 = arith.constant 0 : i32
    %dma_start3A_43 = arith.constant 0 : i32
    %dma_start3A_44 = tpu.memref_slice %arg9[%dma_start3A_41, %dma_start3A_42, %dma_start3A_43] : memref<2x8x128xi32, #tpu.memory_space<vmem>> -> memref<1x8x128xi32, #tpu.memory_space<vmem>>
    %dma_start3A_45 = tpu.memref_squeeze %dma_start3A_44 : memref<1x8x128xi32, #tpu.memory_space<vmem>> -> memref<8x128xi32, #tpu.memory_space<vmem>>
    %dma_start3A_46 = arith.constant 0 : i32
    %dma_start3A_47 = tpu.memref_slice %arg3[%add3A_28, %dma_start3A_46] : memref<12544x128xi32, #tpu.memory_space<hbm>> -> memref<8x128xi32, #tpu.memory_space<hbm>>
    %dma_start3A_48 = arith.constant 0 : i32
    %dma_start3A_49 = arith.constant 0 : i32
    %dma_start3A_50 = tpu.memref_slice %arg9[%dma_start3A_41, %dma_start3A_48, %dma_start3A_49] : memref<2x8x128xi32, #tpu.memory_space<vmem>> -> memref<1x8x128xi32, #tpu.memory_space<vmem>>
    %dma_start3A_51 = tpu.memref_squeeze %dma_start3A_50 : memref<1x8x128xi32, #tpu.memory_space<vmem>> -> memref<8x128xi32, #tpu.memory_space<vmem>>
    %dma_start3A_52 = arith.constant 0 : i32
    %dma_start3A_53 = tpu.memref_slice %arg3[%add3A_28, %dma_start3A_52] : memref<12544x128xi32, #tpu.memory_space<hbm>> -> memref<8x128xi32, #tpu.memory_space<hbm>>
    tpu.enqueue_dma source(%dma_start3A_53 : memref<8x128xi32, #tpu.memory_space<hbm>>) target(%dma_start3A_51 : memref<8x128xi32, #tpu.memory_space<vmem>>) target_semaphore(%arg14 : memref<!tpu.dma_semaphore, #tpu.memory_space<semaphore_mem>>)
    %add3A_54 = arith.constant 0 : i32
    %add3A_55 = arith.addi %mul3A_26, %add3A_54 : i32
    %dma_wait3A = arith.constant 0 : i32
    %dma_wait3A_56 = arith.constant 0 : i32
    %dma_wait3A_57 = arith.constant 0 : i32
    %dma_wait3A_58 = tpu.memref_slice %arg8[%dma_wait3A, %dma_wait3A_56, %dma_wait3A_57] : memref<2x8x128xi32, #tpu.memory_space<vmem>> -> memref<1x8x128xi32, #tpu.memory_space<vmem>>
    %dma_wait3A_59 = tpu.memref_squeeze %dma_wait3A_58 : memref<1x8x128xi32, #tpu.memory_space<vmem>> -> memref<8x128xi32, #tpu.memory_space<vmem>>
    %dma_wait3A_60 = arith.constant 0 : i32
    %dma_wait3A_61 = tpu.memref_slice %arg2[%add3A_55, %dma_wait3A_60] : memref<12544x128xi32, #tpu.memory_space<hbm>> -> memref<8x128xi32, #tpu.memory_space<hbm>>
    %dma_wait3A_62 = arith.constant 0 : i32
    %dma_wait3A_63 = arith.constant 0 : i32
    %dma_wait3A_64 = tpu.memref_slice %arg8[%dma_wait3A, %dma_wait3A_62, %dma_wait3A_63] : memref<2x8x128xi32, #tpu.memory_space<vmem>> -> memref<1x8x128xi32, #tpu.memory_space<vmem>>
    %dma_wait3A_65 = tpu.memref_squeeze %dma_wait3A_64 : memref<1x8x128xi32, #tpu.memory_space<vmem>> -> memref<8x128xi32, #tpu.memory_space<vmem>>
    %dma_wait3A_66 = arith.constant 0 : i32
    %dma_wait3A_67 = tpu.memref_slice %arg2[%add3A_55, %dma_wait3A_66] : memref<12544x128xi32, #tpu.memory_space<hbm>> -> memref<8x128xi32, #tpu.memory_space<hbm>>
    tpu.wait_dma2 semaphore(%arg14 : memref<!tpu.dma_semaphore, #tpu.memory_space<semaphore_mem>>) src(%dma_wait3A_67 : memref<8x128xi32, #tpu.memory_space<hbm>>) dst(%dma_wait3A_65 : memref<8x128xi32, #tpu.memory_space<vmem>>)
    %dma_wait3A_68 = arith.constant 0 : i32
    %dma_wait3A_69 = arith.constant 0 : i32
    %dma_wait3A_70 = arith.constant 0 : i32
    %dma_wait3A_71 = tpu.memref_slice %arg9[%dma_wait3A_68, %dma_wait3A_69, %dma_wait3A_70] : memref<2x8x128xi32, #tpu.memory_space<vmem>> -> memref<1x8x128xi32, #tpu.memory_space<vmem>>
    %dma_wait3A_72 = tpu.memref_squeeze %dma_wait3A_71 : memref<1x8x128xi32, #tpu.memory_space<vmem>> -> memref<8x128xi32, #tpu.memory_space<vmem>>
    %dma_wait3A_73 = arith.constant 0 : i32
    %dma_wait3A_74 = tpu.memref_slice %arg3[%add3A_55, %dma_wait3A_73] : memref<12544x128xi32, #tpu.memory_space<hbm>> -> memref<8x128xi32, #tpu.memory_space<hbm>>
    %dma_wait3A_75 = arith.constant 0 : i32
    %dma_wait3A_76 = arith.constant 0 : i32
    %dma_wait3A_77 = tpu.memref_slice %arg9[%dma_wait3A_68, %dma_wait3A_75, %dma_wait3A_76] : memref<2x8x128xi32, #tpu.memory_space<vmem>> -> memref<1x8x128xi32, #tpu.memory_space<vmem>>
    %dma_wait3A_78 = tpu.memref_squeeze %dma_wait3A_77 : memref<1x8x128xi32, #tpu.memory_space<vmem>> -> memref<8x128xi32, #tpu.memory_space<vmem>>
    %dma_wait3A_79 = arith.constant 0 : i32
    %dma_wait3A_80 = tpu.memref_slice %arg3[%add3A_55, %dma_wait3A_79] : memref<12544x128xi32, #tpu.memory_space<hbm>> -> memref<8x128xi32, #tpu.memory_space<hbm>>
    tpu.wait_dma2 semaphore(%arg14 : memref<!tpu.dma_semaphore, #tpu.memory_space<semaphore_mem>>) src(%dma_wait3A_80 : memref<8x128xi32, #tpu.memory_space<hbm>>) dst(%dma_wait3A_78 : memref<8x128xi32, #tpu.memory_space<vmem>>)
    %dma_start3A_81 = arith.constant 0 : i32
    %dma_start3A_82 = arith.constant 0 : i32
    %dma_start3A_83 = arith.constant 0 : i32
    %dma_start3A_84 = arith.constant 0 : i32
    %dma_start3A_85 = arith.constant 0 : i32
    %dma_start3A_86 = tpu.memref_slice %arg10[%dma_start3A_83, %dma_start3A_84, %dma_start3A_85] : memref<2x8x128xi32, #tpu.memory_space<vmem>> -> memref<1x1x128xi32, #tpu.memory_space<vmem>>
    %dma_start3A_87 = tpu.memref_squeeze %dma_start3A_86 : memref<1x1x128xi32, #tpu.memory_space<vmem>> -> memref<128xi32, #tpu.memory_space<vmem>>
    %dma_start3A_88 = arith.constant 0 : i32
    %dma_start3A_89 = tpu.memref_slice %arg8[%dma_start3A_81, %dma_start3A_82, %dma_start3A_88] : memref<2x8x128xi32, #tpu.memory_space<vmem>> -> memref<1x1x128xi32, #tpu.memory_space<vmem>>
    %dma_start3A_90 = tpu.memref_squeeze %dma_start3A_89 : memref<1x1x128xi32, #tpu.memory_space<vmem>> -> memref<128xi32, #tpu.memory_space<vmem>>
    %dma_start3A_91 = arith.constant 0 : i32
    %dma_start3A_92 = tpu.memref_slice %arg7[%dma_start3A_91] : memref<102400xi32, #tpu.memory_space<vmem_shared>> -> memref<102400xi32, #tpu.memory_space<vmem_shared>>
    tpu.enqueue_indirect_dma source(%dma_start3A_92 : memref<102400xi32, #tpu.memory_space<vmem_shared>>) target(%dma_start3A_87 : memref<128xi32, #tpu.memory_space<vmem>>) offsets(%dma_start3A_90 : memref<128xi32, #tpu.memory_space<vmem>>) semaphore(%arg15 : memref<!tpu.dma_semaphore, #tpu.memory_space<semaphore_mem>>)
    %dma_start3A_93 = arith.constant 0 : i32
    %dma_start3A_94 = arith.constant 1 : i32
    %dma_start3A_95 = arith.constant 0 : i32
    %dma_start3A_96 = arith.constant 1 : i32
    %dma_start3A_97 = arith.constant 0 : i32
    %dma_start3A_98 = tpu.memref_slice %arg10[%dma_start3A_95, %dma_start3A_96, %dma_start3A_97] : memref<2x8x128xi32, #tpu.memory_space<vmem>> -> memref<1x1x128xi32, #tpu.memory_space<vmem>>
    %dma_start3A_99 = tpu.memref_squeeze %dma_start3A_98 : memref<1x1x128xi32, #tpu.memory_space<vmem>> -> memref<128xi32, #tpu.memory_space<vmem>>
    %dma_start3A_100 = arith.constant 0 : i32
    %dma_start3A_101 = tpu.memref_slice %arg8[%dma_start3A_93, %dma_start3A_94, %dma_start3A_100] : memref<2x8x128xi32, #tpu.memory_space<vmem>> -> memref<1x1x128xi32, #tpu.memory_space<vmem>>
    %dma_start3A_102 = tpu.memref_squeeze %dma_start3A_101 : memref<1x1x128xi32, #tpu.memory_space<vmem>> -> memref<128xi32, #tpu.memory_space<vmem>>
    %dma_start3A_103 = arith.constant 0 : i32
    %dma_start3A_104 = tpu.memref_slice %arg7[%dma_start3A_103] : memref<102400xi32, #tpu.memory_space<vmem_shared>> -> memref<102400xi32, #tpu.memory_space<vmem_shared>>
    tpu.enqueue_indirect_dma source(%dma_start3A_104 : memref<102400xi32, #tpu.memory_space<vmem_shared>>) target(%dma_start3A_99 : memref<128xi32, #tpu.memory_space<vmem>>) offsets(%dma_start3A_102 : memref<128xi32, #tpu.memory_space<vmem>>) semaphore(%arg15 : memref<!tpu.dma_semaphore, #tpu.memory_space<semaphore_mem>>)
    %dma_start3A_105 = arith.constant 0 : i32
    %dma_start3A_106 = arith.constant 2 : i32
    %dma_start3A_107 = arith.constant 0 : i32
    %dma_start3A_108 = arith.constant 2 : i32
    %dma_start3A_109 = arith.constant 0 : i32
    %dma_start3A_110 = tpu.memref_slice %arg10[%dma_start3A_107, %dma_start3A_108, %dma_start3A_109] : memref<2x8x128xi32, #tpu.memory_space<vmem>> -> memref<1x1x128xi32, #tpu.memory_space<vmem>>
    %dma_start3A_111 = tpu.memref_squeeze %dma_start3A_110 : memref<1x1x128xi32, #tpu.memory_space<vmem>> -> memref<128xi32, #tpu.memory_space<vmem>>
    %dma_start3A_112 = arith.constant 0 : i32
    %dma_start3A_113 = tpu.memref_slice %arg8[%dma_start3A_105, %dma_start3A_106, %dma_start3A_112] : memref<2x8x128xi32, #tpu.memory_space<vmem>> -> memref<1x1x128xi32, #tpu.memory_space<vmem>>
    %dma_start3A_114 = tpu.memref_squeeze %dma_start3A_113 : memref<1x1x128xi32, #tpu.memory_space<vmem>> -> memref<128xi32, #tpu.memory_space<vmem>>
    %dma_start3A_115 = arith.constant 0 : i32
    %dma_start3A_116 = tpu.memref_slice %arg7[%dma_start3A_115] : memref<102400xi32, #tpu.memory_space<vmem_shared>> -> memref<102400xi32, #tpu.memory_space<vmem_shared>>
    tpu.enqueue_indirect_dma source(%dma_start3A_116 : memref<102400xi32, #tpu.memory_space<vmem_shared>>) target(%dma_start3A_111 : memref<128xi32, #tpu.memory_space<vmem>>) offsets(%dma_start3A_114 : memref<128xi32, #tpu.memory_space<vmem>>) semaphore(%arg15 : memref<!tpu.dma_semaphore, #tpu.memory_space<semaphore_mem>>)
    %dma_start3A_117 = arith.constant 0 : i32
    %dma_start3A_118 = arith.constant 3 : i32
    %dma_start3A_119 = arith.constant 0 : i32
    %dma_start3A_120 = arith.constant 3 : i32
    %dma_start3A_121 = arith.constant 0 : i32
    %dma_start3A_122 = tpu.memref_slice %arg10[%dma_start3A_119, %dma_start3A_120, %dma_start3A_121] : memref<2x8x128xi32, #tpu.memory_space<vmem>> -> memref<1x1x128xi32, #tpu.memory_space<vmem>>
    %dma_start3A_123 = tpu.memref_squeeze %dma_start3A_122 : memref<1x1x128xi32, #tpu.memory_space<vmem>> -> memref<128xi32, #tpu.memory_space<vmem>>
    %dma_start3A_124 = arith.constant 0 : i32
    %dma_start3A_125 = tpu.memref_slice %arg8[%dma_start3A_117, %dma_start3A_118, %dma_start3A_124] : memref<2x8x128xi32, #tpu.memory_space<vmem>> -> memref<1x1x128xi32, #tpu.memory_space<vmem>>
    %dma_start3A_126 = tpu.memref_squeeze %dma_start3A_125 : memref<1x1x128xi32, #tpu.memory_space<vmem>> -> memref<128xi32, #tpu.memory_space<vmem>>
    %dma_start3A_127 = arith.constant 0 : i32
    %dma_start3A_128 = tpu.memref_slice %arg7[%dma_start3A_127] : memref<102400xi32, #tpu.memory_space<vmem_shared>> -> memref<102400xi32, #tpu.memory_space<vmem_shared>>
    tpu.enqueue_indirect_dma source(%dma_start3A_128 : memref<102400xi32, #tpu.memory_space<vmem_shared>>) target(%dma_start3A_123 : memref<128xi32, #tpu.memory_space<vmem>>) offsets(%dma_start3A_126 : memref<128xi32, #tpu.memory_space<vmem>>) semaphore(%arg15 : memref<!tpu.dma_semaphore, #tpu.memory_space<semaphore_mem>>)
    %dma_start3A_129 = arith.constant 0 : i32
    %dma_start3A_130 = arith.constant 4 : i32
    %dma_start3A_131 = arith.constant 0 : i32
    %dma_start3A_132 = arith.constant 4 : i32
    %dma_start3A_133 = arith.constant 0 : i32
    %dma_start3A_134 = tpu.memref_slice %arg10[%dma_start3A_131, %dma_start3A_132, %dma_start3A_133] : memref<2x8x128xi32, #tpu.memory_space<vmem>> -> memref<1x1x128xi32, #tpu.memory_space<vmem>>
    %dma_start3A_135 = tpu.memref_squeeze %dma_start3A_134 : memref<1x1x128xi32, #tpu.memory_space<vmem>> -> memref<128xi32, #tpu.memory_space<vmem>>
    %dma_start3A_136 = arith.constant 0 : i32
    %dma_start3A_137 = tpu.memref_slice %arg8[%dma_start3A_129, %dma_start3A_130, %dma_start3A_136] : memref<2x8x128xi32, #tpu.memory_space<vmem>> -> memref<1x1x128xi32, #tpu.memory_space<vmem>>
    %dma_start3A_138 = tpu.memref_squeeze %dma_start3A_137 : memref<1x1x128xi32, #tpu.memory_space<vmem>> -> memref<128xi32, #tpu.memory_space<vmem>>
    %dma_start3A_139 = arith.constant 0 : i32
    %dma_start3A_140 = tpu.memref_slice %arg7[%dma_start3A_139] : memref<102400xi32, #tpu.memory_space<vmem_shared>> -> memref<102400xi32, #tpu.memory_space<vmem_shared>>
    tpu.enqueue_indirect_dma source(%dma_start3A_140 : memref<102400xi32, #tpu.memory_space<vmem_shared>>) target(%dma_start3A_135 : memref<128xi32, #tpu.memory_space<vmem>>) offsets(%dma_start3A_138 : memref<128xi32, #tpu.memory_space<vmem>>) semaphore(%arg15 : memref<!tpu.dma_semaphore, #tpu.memory_space<semaphore_mem>>)
    %dma_start3A_141 = arith.constant 0 : i32
    %dma_start3A_142 = arith.constant 5 : i32
    %dma_start3A_143 = arith.constant 0 : i32
    %dma_start3A_144 = arith.constant 5 : i32
    %dma_start3A_145 = arith.constant 0 : i32
    %dma_start3A_146 = tpu.memref_slice %arg10[%dma_start3A_143, %dma_start3A_144, %dma_start3A_145] : memref<2x8x128xi32, #tpu.memory_space<vmem>> -> memref<1x1x128xi32, #tpu.memory_space<vmem>>
    %dma_start3A_147 = tpu.memref_squeeze %dma_start3A_146 : memref<1x1x128xi32, #tpu.memory_space<vmem>> -> memref<128xi32, #tpu.memory_space<vmem>>
    %dma_start3A_148 = arith.constant 0 : i32
    %dma_start3A_149 = tpu.memref_slice %arg8[%dma_start3A_141, %dma_start3A_142, %dma_start3A_148] : memref<2x8x128xi32, #tpu.memory_space<vmem>> -> memref<1x1x128xi32, #tpu.memory_space<vmem>>
    %dma_start3A_150 = tpu.memref_squeeze %dma_start3A_149 : memref<1x1x128xi32, #tpu.memory_space<vmem>> -> memref<128xi32, #tpu.memory_space<vmem>>
    %dma_start3A_151 = arith.constant 0 : i32
    %dma_start3A_152 = tpu.memref_slice %arg7[%dma_start3A_151] : memref<102400xi32, #tpu.memory_space<vmem_shared>> -> memref<102400xi32, #tpu.memory_space<vmem_shared>>
    tpu.enqueue_indirect_dma source(%dma_start3A_152 : memref<102400xi32, #tpu.memory_space<vmem_shared>>) target(%dma_start3A_147 : memref<128xi32, #tpu.memory_space<vmem>>) offsets(%dma_start3A_150 : memref<128xi32, #tpu.memory_space<vmem>>) semaphore(%arg15 : memref<!tpu.dma_semaphore, #tpu.memory_space<semaphore_mem>>)
    %dma_start3A_153 = arith.constant 0 : i32
    %dma_start3A_154 = arith.constant 6 : i32
    %dma_start3A_155 = arith.constant 0 : i32
    %dma_start3A_156 = arith.constant 6 : i32
    %dma_start3A_157 = arith.constant 0 : i32
    %dma_start3A_158 = tpu.memref_slice %arg10[%dma_start3A_155, %dma_start3A_156, %dma_start3A_157] : memref<2x8x128xi32, #tpu.memory_space<vmem>> -> memref<1x1x128xi32, #tpu.memory_space<vmem>>
    %dma_start3A_159 = tpu.memref_squeeze %dma_start3A_158 : memref<1x1x128xi32, #tpu.memory_space<vmem>> -> memref<128xi32, #tpu.memory_space<vmem>>
    %dma_start3A_160 = arith.constant 0 : i32
    %dma_start3A_161 = tpu.memref_slice %arg8[%dma_start3A_153, %dma_start3A_154, %dma_start3A_160] : memref<2x8x128xi32, #tpu.memory_space<vmem>> -> memref<1x1x128xi32, #tpu.memory_space<vmem>>
    %dma_start3A_162 = tpu.memref_squeeze %dma_start3A_161 : memref<1x1x128xi32, #tpu.memory_space<vmem>> -> memref<128xi32, #tpu.memory_space<vmem>>
    %dma_start3A_163 = arith.constant 0 : i32
    %dma_start3A_164 = tpu.memref_slice %arg7[%dma_start3A_163] : memref<102400xi32, #tpu.memory_space<vmem_shared>> -> memref<102400xi32, #tpu.memory_space<vmem_shared>>
    tpu.enqueue_indirect_dma source(%dma_start3A_164 : memref<102400xi32, #tpu.memory_space<vmem_shared>>) target(%dma_start3A_159 : memref<128xi32, #tpu.memory_space<vmem>>) offsets(%dma_start3A_162 : memref<128xi32, #tpu.memory_space<vmem>>) semaphore(%arg15 : memref<!tpu.dma_semaphore, #tpu.memory_space<semaphore_mem>>)
    %dma_start3A_165 = arith.constant 0 : i32
    %dma_start3A_166 = arith.constant 7 : i32
    %dma_start3A_167 = arith.constant 0 : i32
    %dma_start3A_168 = arith.constant 7 : i32
    %dma_start3A_169 = arith.constant 0 : i32
    %dma_start3A_170 = tpu.memref_slice %arg10[%dma_start3A_167, %dma_start3A_168, %dma_start3A_169] : memref<2x8x128xi32, #tpu.memory_space<vmem>> -> memref<1x1x128xi32, #tpu.memory_space<vmem>>
    %dma_start3A_171 = tpu.memref_squeeze %dma_start3A_170 : memref<1x1x128xi32, #tpu.memory_space<vmem>> -> memref<128xi32, #tpu.memory_space<vmem>>
    %dma_start3A_172 = arith.constant 0 : i32
    %dma_start3A_173 = tpu.memref_slice %arg8[%dma_start3A_165, %dma_start3A_166, %dma_start3A_172] : memref<2x8x128xi32, #tpu.memory_space<vmem>> -> memref<1x1x128xi32, #tpu.memory_space<vmem>>
    %dma_start3A_174 = tpu.memref_squeeze %dma_start3A_173 : memref<1x1x128xi32, #tpu.memory_space<vmem>> -> memref<128xi32, #tpu.memory_space<vmem>>
    %dma_start3A_175 = arith.constant 0 : i32
    %dma_start3A_176 = tpu.memref_slice %arg7[%dma_start3A_175] : memref<102400xi32, #tpu.memory_space<vmem_shared>> -> memref<102400xi32, #tpu.memory_space<vmem_shared>>
    tpu.enqueue_indirect_dma source(%dma_start3A_176 : memref<102400xi32, #tpu.memory_space<vmem_shared>>) target(%dma_start3A_171 : memref<128xi32, #tpu.memory_space<vmem>>) offsets(%dma_start3A_174 : memref<128xi32, #tpu.memory_space<vmem>>) semaphore(%arg15 : memref<!tpu.dma_semaphore, #tpu.memory_space<semaphore_mem>>)
    %scan3A_177 = arith.constant 0 : i32
    %scan3A_178 = arith.constant 0 : i32
    %scan3A_179 = arith.constant 49 : i32
    %scan3A_180 = arith.addi %scan3A_178, %scan3A_179 : i32
    %scan3A_181 = arith.constant 1 : i32
    %scan3A_182 = scf.for %scan3A_218 = %scan3A_178 to %scan3A_180 step %scan3A_181 iter_args(%scan3A_219 = %scan3A_177) -> (i32)  : i32 {
      %rem3A = arith.constant 2 : i32
      %rem3A_220 = arith.remsi %scan3A_218, %rem3A : i32
      %sub3A = arith.constant 1 : i32
      %sub3A_221 = arith.subi %sub3A, %rem3A_220 : i32
      %add3A_222 = arith.constant 1 : i32
      %add3A_223 = arith.addi %scan3A_218, %add3A_222 : i32
      %lt3A = arith.constant 49 : i32
      %lt3A_224 = arith.cmpi slt, %add3A_223, %lt3A : i32
      %convert_element_type3A = arith.extui %lt3A_224 : i1 to i32
      %cond3A = arith.constant 0 : i32
      %cond3A_225 = arith.cmpi ne, %convert_element_type3A, %cond3A : i32
      scf.if %cond3A_225 {
        %add3A_382 = arith.constant 1 : i32
        %add3A_383 = arith.addi %scan3A_218, %add3A_382 : i32
        %mul3A_384 = arith.constant 8 : i32
        %mul3A_385 = arith.muli %add3A_383, %mul3A_384 : i32
        %add3A_386 = arith.addi %mul3A_26, %mul3A_385 : i32
        %dma_start3A_387 = arith.constant 0 : i32
        %dma_start3A_388 = arith.constant 0 : i32
        %dma_start3A_389 = tpu.memref_slice %arg8[%sub3A_221, %dma_start3A_387, %dma_start3A_388] : memref<2x8x128xi32, #tpu.memory_space<vmem>> -> memref<1x8x128xi32, #tpu.memory_space<vmem>>
        %dma_start3A_390 = tpu.memref_squeeze %dma_start3A_389 : memref<1x8x128xi32, #tpu.memory_space<vmem>> -> memref<8x128xi32, #tpu.memory_space<vmem>>
        %dma_start3A_391 = arith.constant 0 : i32
        %dma_start3A_392 = tpu.memref_slice %arg2[%add3A_386, %dma_start3A_391] : memref<12544x128xi32, #tpu.memory_space<hbm>> -> memref<8x128xi32, #tpu.memory_space<hbm>>
        %dma_start3A_393 = arith.constant 0 : i32
        %dma_start3A_394 = arith.constant 0 : i32
        %dma_start3A_395 = tpu.memref_slice %arg8[%sub3A_221, %dma_start3A_393, %dma_start3A_394] : memref<2x8x128xi32, #tpu.memory_space<vmem>> -> memref<1x8x128xi32, #tpu.memory_space<vmem>>
        %dma_start3A_396 = tpu.memref_squeeze %dma_start3A_395 : memref<1x8x128xi32, #tpu.memory_space<vmem>> -> memref<8x128xi32, #tpu.memory_space<vmem>>
        %dma_start3A_397 = arith.constant 0 : i32
        %dma_start3A_398 = tpu.memref_slice %arg2[%add3A_386, %dma_start3A_397] : memref<12544x128xi32, #tpu.memory_space<hbm>> -> memref<8x128xi32, #tpu.memory_space<hbm>>
        tpu.enqueue_dma source(%dma_start3A_398 : memref<8x128xi32, #tpu.memory_space<hbm>>) target(%dma_start3A_396 : memref<8x128xi32, #tpu.memory_space<vmem>>) target_semaphore(%arg14 : memref<!tpu.dma_semaphore, #tpu.memory_space<semaphore_mem>>)
        %dma_start3A_399 = arith.constant 0 : i32
        %dma_start3A_400 = arith.constant 0 : i32
        %dma_start3A_401 = tpu.memref_slice %arg9[%sub3A_221, %dma_start3A_399, %dma_start3A_400] : memref<2x8x128xi32, #tpu.memory_space<vmem>> -> memref<1x8x128xi32, #tpu.memory_space<vmem>>
        %dma_start3A_402 = tpu.memref_squeeze %dma_start3A_401 : memref<1x8x128xi32, #tpu.memory_space<vmem>> -> memref<8x128xi32, #tpu.memory_space<vmem>>
        %dma_start3A_403 = arith.constant 0 : i32
        %dma_start3A_404 = tpu.memref_slice %arg3[%add3A_386, %dma_start3A_403] : memref<12544x128xi32, #tpu.memory_space<hbm>> -> memref<8x128xi32, #tpu.memory_space<hbm>>
        %dma_start3A_405 = arith.constant 0 : i32
        %dma_start3A_406 = arith.constant 0 : i32
        %dma_start3A_407 = tpu.memref_slice %arg9[%sub3A_221, %dma_start3A_405, %dma_start3A_406] : memref<2x8x128xi32, #tpu.memory_space<vmem>> -> memref<1x8x128xi32, #tpu.memory_space<vmem>>
        %dma_start3A_408 = tpu.memref_squeeze %dma_start3A_407 : memref<1x8x128xi32, #tpu.memory_space<vmem>> -> memref<8x128xi32, #tpu.memory_space<vmem>>
        %dma_start3A_409 = arith.constant 0 : i32
        %dma_start3A_410 = tpu.memref_slice %arg3[%add3A_386, %dma_start3A_409] : memref<12544x128xi32, #tpu.memory_space<hbm>> -> memref<8x128xi32, #tpu.memory_space<hbm>>
        tpu.enqueue_dma source(%dma_start3A_410 : memref<8x128xi32, #tpu.memory_space<hbm>>) target(%dma_start3A_408 : memref<8x128xi32, #tpu.memory_space<vmem>>) target_semaphore(%arg14 : memref<!tpu.dma_semaphore, #tpu.memory_space<semaphore_mem>>)
      } else {
      }
      %dma_wait3A_226 = arith.constant 0 : i32
      %dma_wait3A_227 = arith.constant 0 : i32
      %dma_wait3A_228 = tpu.memref_slice %arg10[%rem3A_220, %dma_wait3A_226, %dma_wait3A_227] : memref<2x8x128xi32, #tpu.memory_space<vmem>> -> memref<1x8x128xi32, #tpu.memory_space<vmem>>
      %dma_wait3A_229 = tpu.memref_squeeze %dma_wait3A_228 : memref<1x8x128xi32, #tpu.memory_space<vmem>> -> memref<8x128xi32, #tpu.memory_space<vmem>>
      %dma_wait3A_230 = arith.constant 0 : i32
      %dma_wait3A_231 = tpu.memref_slice %arg2[%mul3A_26, %dma_wait3A_230] : memref<12544x128xi32, #tpu.memory_space<hbm>> -> memref<8x128xi32, #tpu.memory_space<hbm>>
      %dma_wait3A_232 = arith.constant 0 : i32
      %dma_wait3A_233 = arith.constant 0 : i32
      %dma_wait3A_234 = tpu.memref_slice %arg10[%rem3A_220, %dma_wait3A_232, %dma_wait3A_233] : memref<2x8x128xi32, #tpu.memory_space<vmem>> -> memref<1x8x128xi32, #tpu.memory_space<vmem>>
      %dma_wait3A_235 = tpu.memref_squeeze %dma_wait3A_234 : memref<1x8x128xi32, #tpu.memory_space<vmem>> -> memref<8x128xi32, #tpu.memory_space<vmem>>
      %dma_wait3A_236 = arith.constant 0 : i32
      %dma_wait3A_237 = tpu.memref_slice %arg2[%mul3A_26, %dma_wait3A_236] : memref<12544x128xi32, #tpu.memory_space<hbm>> -> memref<8x128xi32, #tpu.memory_space<hbm>>
      tpu.wait_dma2 semaphore(%arg15 : memref<!tpu.dma_semaphore, #tpu.memory_space<semaphore_mem>>) src(%dma_wait3A_237 : memref<8x128xi32, #tpu.memory_space<hbm>>) dst(%dma_wait3A_235 : memref<8x128xi32, #tpu.memory_space<vmem>>)
      %ge3A = arith.constant 2 : i32
      %ge3A_238 = arith.cmpi sge, %scan3A_218, %ge3A : i32
      %convert_element_type3A_239 = arith.extui %ge3A_238 : i1 to i32
      %cond3A_240 = arith.constant 0 : i32
      %cond3A_241 = arith.cmpi ne, %convert_element_type3A_239, %cond3A_240 : i32
      scf.if %cond3A_241 {
        %dma_wait3A_382 = arith.constant 0 : i32
        %dma_wait3A_383 = arith.constant 0 : i32
        %dma_wait3A_384 = tpu.memref_slice %arg11[%rem3A_220, %dma_wait3A_382, %dma_wait3A_383] : memref<2x8x128xi32, #tpu.memory_space<vmem>> -> memref<1x8x128xi32, #tpu.memory_space<vmem>>
        %dma_wait3A_385 = tpu.memref_squeeze %dma_wait3A_384 : memref<1x8x128xi32, #tpu.memory_space<vmem>> -> memref<8x128xi32, #tpu.memory_space<vmem>>
        %dma_wait3A_386 = arith.constant 0 : i32
        %dma_wait3A_387 = tpu.memref_slice %arg3[%mul3A_26, %dma_wait3A_386] : memref<12544x128xi32, #tpu.memory_space<hbm>> -> memref<8x128xi32, #tpu.memory_space<hbm>>
        %dma_wait3A_388 = arith.constant 0 : i32
        %dma_wait3A_389 = arith.constant 0 : i32
        %dma_wait3A_390 = tpu.memref_slice %arg11[%rem3A_220, %dma_wait3A_388, %dma_wait3A_389] : memref<2x8x128xi32, #tpu.memory_space<vmem>> -> memref<1x8x128xi32, #tpu.memory_space<vmem>>
        %dma_wait3A_391 = tpu.memref_squeeze %dma_wait3A_390 : memref<1x8x128xi32, #tpu.memory_space<vmem>> -> memref<8x128xi32, #tpu.memory_space<vmem>>
        %dma_wait3A_392 = arith.constant 0 : i32
        %dma_wait3A_393 = tpu.memref_slice %arg3[%mul3A_26, %dma_wait3A_392] : memref<12544x128xi32, #tpu.memory_space<hbm>> -> memref<8x128xi32, #tpu.memory_space<hbm>>
        tpu.wait_dma2 semaphore(%arg16 : memref<!tpu.dma_semaphore, #tpu.memory_space<semaphore_mem>>) src(%dma_wait3A_393 : memref<8x128xi32, #tpu.memory_space<hbm>>) dst(%dma_wait3A_391 : memref<8x128xi32, #tpu.memory_space<vmem>>)
      } else {
      }
      %scan3A_242 = arith.constant 0 : i32
      %scan3A_243 = arith.constant 0 : i32
      %scan3A_244 = arith.constant 8 : i32
      %scan3A_245 = arith.addi %scan3A_243, %scan3A_244 : i32
      %scan3A_246 = arith.constant 1 : i32
      %scan3A_247 = scf.for %scan3A_382 = %scan3A_243 to %scan3A_245 step %scan3A_246 iter_args(%scan3A_383 = %scan3A_242) -> (i32)  : i32 {
        %mul3A_384 = arith.constant 16 : i32
        %mul3A_385 = arith.muli %scan3A_382, %mul3A_384 : i32
        %get3A = arith.constant 0 : i32
        %get3A_386 = arith.index_cast %rem3A_220 : i32 to index
        %get3A_387 = arith.index_cast %get3A : i32 to index
        %get3A_388 = arith.index_cast %mul3A_385 : i32 to index
        %get3A_389 = tpu.vector_load %arg10[%get3A_386, %get3A_387, %get3A_388] {strides = array<i32>} : memref<2x8x128xi32, #tpu.memory_space<vmem>>, vector<1x1x16xi32>,
        %get3A_390 = vector.shape_cast %get3A_389 : vector<1x1x16xi32> to vector<16xi32>
        %mul3A_391 = arith.constant 16 : i32
        %mul3A_392 = arith.muli %scan3A_382, %mul3A_391 : i32
        %get3A_393 = arith.constant 0 : i32
        %get3A_394 = arith.index_cast %rem3A_220 : i32 to index
        %get3A_395 = arith.index_cast %get3A_393 : i32 to index
        %get3A_396 = arith.index_cast %mul3A_392 : i32 to index
        %get3A_397 = tpu.vector_load %arg9[%get3A_394, %get3A_395, %get3A_396] {strides = array<i32>} : memref<2x8x128xi32, #tpu.memory_space<vmem>>, vector<1x1x16xi32>,
        %get3A_398 = vector.shape_cast %get3A_397 : vector<1x1x16xi32> to vector<16xi32>
        %and3A = arith.constant 15 : i32
        %and3A_399 = vector.broadcast %and3A : i32 to vector<16xi32>
        %and3A_400 = arith.andi %get3A_390, %and3A_399 : vector<16xi32>
        %mul3A_401 = arith.constant 102400 : i32
        %mul3A_402 = vector.broadcast %mul3A_401 : i32 to vector<16xi32>
        %mul3A_403 = arith.muli %and3A_400, %mul3A_402 : vector<16xi32>
        %add3A_404 = arith.addi %mul3A_403, %get3A_398 : vector<16xi32>
        %mul3A_405 = arith.constant 16 : i32
        %mul3A_406 = arith.muli %scan3A_382, %mul3A_405 : i32
        %swap3A = arith.constant 0 : i32
        %swap3A_407 = arith.index_cast %rem3A_220 : i32 to index
        %swap3A_408 = arith.index_cast %swap3A : i32 to index
        %swap3A_409 = arith.index_cast %mul3A_406 : i32 to index
        %swap3A_410 = tpu.vector_load %arg11[%swap3A_407, %swap3A_408, %swap3A_409] {strides = array<i32>} : memref<2x8x128xi32, #tpu.memory_space<vmem>>, vector<1x1x16xi32>,
        %swap3A_411 = vector.shape_cast %swap3A_410 : vector<1x1x16xi32> to vector<16xi32>
        %swap3A_412 = vector.shape_cast %add3A_404 : vector<16xi32> to vector<1x1x16xi32>
        tpu.vector_store %arg11[%swap3A_407, %swap3A_408, %swap3A_409], %swap3A_412 {strides = array<i32>} : memref<2x8x128xi32, #tpu.memory_space<vmem>>, vector<1x1x16xi32>,
        %and3A_413 = arith.constant -16 : i32
        %and3A_414 = vector.broadcast %and3A_413 : i32 to vector<16xi32>
        %and3A_415 = arith.andi %get3A_390, %and3A_414 : vector<16xi32>
        %bitcast_convert_type3A = tpu.bitcast %and3A_415 : vector<16xi32> -> vector<16xf32>
        %mul3A_416 = arith.constant 16 : i32
        %mul3A_417 = arith.muli %scan3A_382, %mul3A_416 : i32
        %swap3A_418 = arith.constant 0 : i32
        %swap3A_419 = arith.index_cast %rem3A_220 : i32 to index
        %swap3A_420 = arith.index_cast %swap3A_418 : i32 to index
        %swap3A_421 = arith.index_cast %mul3A_417 : i32 to index
        %swap3A_422 = tpu.vector_load %arg12[%swap3A_419, %swap3A_420, %swap3A_421] {strides = array<i32>} : memref<2x8x128xf32, #tpu.memory_space<vmem>>, vector<1x1x16xf32>,
        %swap3A_423 = vector.shape_cast %swap3A_422 : vector<1x1x16xf32> to vector<16xf32>
        %swap3A_424 = vector.shape_cast %bitcast_convert_type3A : vector<16xf32> to vector<1x1x16xf32>
        tpu.vector_store %arg12[%swap3A_419, %swap3A_420, %swap3A_421], %swap3A_424 {strides = array<i32>} : memref<2x8x128xf32, #tpu.memory_space<vmem>>, vector<1x1x16xf32>,
        %scan3A_425 = arith.constant 0 : i32
        scf.yield %scan3A_425 : i32
      }
      %scan3A_248 = arith.constant 8 : i32
      %dma_start3A_249 = arith.constant 0 : i32
      %dma_start3A_250 = arith.constant 0 : i32
      %dma_start3A_251 = arith.constant 0 : i32
      %dma_start3A_252 = tpu.memref_slice %arg12[%rem3A_220, %dma_start3A_249, %dma_start3A_251] : memref<2x8x128xf32, #tpu.memory_space<vmem>> -> memref<1x1x128xf32, #tpu.memory_space<vmem>>
      %dma_start3A_253 = tpu.memref_squeeze %dma_start3A_252 : memref<1x1x128xf32, #tpu.memory_space<vmem>> -> memref<128xf32, #tpu.memory_space<vmem>>
      %dma_start3A_254 = arith.constant 0 : i32
      %dma_start3A_255 = tpu.memref_slice %arg11[%rem3A_220, %dma_start3A_250, %dma_start3A_254] : memref<2x8x128xi32, #tpu.memory_space<vmem>> -> memref<1x1x128xi32, #tpu.memory_space<vmem>>
      %dma_start3A_256 = tpu.memref_squeeze %dma_start3A_255 : memref<1x1x128xi32, #tpu.memory_space<vmem>> -> memref<128xi32, #tpu.memory_space<vmem>>
      %dma_start3A_257 = arith.constant 0 : i32
      %dma_start3A_258 = tpu.memref_slice %arg6[%dma_start3A_257] : memref<1638400xf32, #tpu.memory_space<vmem_shared>> -> memref<1638400xf32, #tpu.memory_space<vmem_shared>>
      tpu.enqueue_indirect_dma source(%dma_start3A_253 : memref<128xf32, #tpu.memory_space<vmem>>) target(%dma_start3A_258 : memref<1638400xf32, #tpu.memory_space<vmem_shared>>) offsets(%dma_start3A_256 : memref<128xi32, #tpu.memory_space<vmem>>) semaphore(%arg16 : memref<!tpu.dma_semaphore, #tpu.memory_space<semaphore_mem>>) {add = true}
      %scan3A_259 = arith.constant 0 : i32
      %scan3A_260 = arith.constant 0 : i32
      %scan3A_261 = arith.constant 8 : i32
      %scan3A_262 = arith.addi %scan3A_260, %scan3A_261 : i32
      %scan3A_263 = arith.constant 1 : i32
      %scan3A_264 = scf.for %scan3A_382 = %scan3A_260 to %scan3A_262 step %scan3A_263 iter_args(%scan3A_383 = %scan3A_259) -> (i32)  : i32 {
        %mul3A_384 = arith.constant 16 : i32
        %mul3A_385 = arith.muli %scan3A_382, %mul3A_384 : i32
        %get3A = arith.constant 1 : i32
        %get3A_386 = arith.index_cast %rem3A_220 : i32 to index
        %get3A_387 = arith.index_cast %get3A : i32 to index
        %get3A_388 = arith.index_cast %mul3A_385 : i32 to index
        %get3A_389 = tpu.vector_load %arg10[%get3A_386, %get3A_387, %get3A_388] {strides = array<i32>} : memref<2x8x128xi32, #tpu.memory_space<vmem>>, vector<1x1x16xi32>,
        %get3A_390 = vector.shape_cast %get3A_389 : vector<1x1x16xi32> to vector<16xi32>
        %mul3A_391 = arith.constant 16 : i32
        %mul3A_392 = arith.muli %scan3A_382, %mul3A_391 : i32
        %get3A_393 = arith.constant 1 : i32
        %get3A_394 = arith.index_cast %rem3A_220 : i32 to index
        %get3A_395 = arith.index_cast %get3A_393 : i32 to index
        %get3A_396 = arith.index_cast %mul3A_392 : i32 to index
        %get3A_397 = tpu.vector_load %arg9[%get3A_394, %get3A_395, %get3A_396] {strides = array<i32>} : memref<2x8x128xi32, #tpu.memory_space<vmem>>, vector<1x1x16xi32>,
        %get3A_398 = vector.shape_cast %get3A_397 : vector<1x1x16xi32> to vector<16xi32>
        %and3A = arith.constant 15 : i32
        %and3A_399 = vector.broadcast %and3A : i32 to vector<16xi32>
        %and3A_400 = arith.andi %get3A_390, %and3A_399 : vector<16xi32>
        %mul3A_401 = arith.constant 102400 : i32
        %mul3A_402 = vector.broadcast %mul3A_401 : i32 to vector<16xi32>
        %mul3A_403 = arith.muli %and3A_400, %mul3A_402 : vector<16xi32>
        %add3A_404 = arith.addi %mul3A_403, %get3A_398 : vector<16xi32>
        %mul3A_405 = arith.constant 16 : i32
        %mul3A_406 = arith.muli %scan3A_382, %mul3A_405 : i32
        %swap3A = arith.constant 1 : i32
        %swap3A_407 = arith.index_cast %rem3A_220 : i32 to index
        %swap3A_408 = arith.index_cast %swap3A : i32 to index
        %swap3A_409 = arith.index_cast %mul3A_406 : i32 to index
        %swap3A_410 = tpu.vector_load %arg11[%swap3A_407, %swap3A_408, %swap3A_409] {strides = array<i32>} : memref<2x8x128xi32, #tpu.memory_space<vmem>>, vector<1x1x16xi32>,
        %swap3A_411 = vector.shape_cast %swap3A_410 : vector<1x1x16xi32> to vector<16xi32>
        %swap3A_412 = vector.shape_cast %add3A_404 : vector<16xi32> to vector<1x1x16xi32>
        tpu.vector_store %arg11[%swap3A_407, %swap3A_408, %swap3A_409], %swap3A_412 {strides = array<i32>} : memref<2x8x128xi32, #tpu.memory_space<vmem>>, vector<1x1x16xi32>,
        %and3A_413 = arith.constant -16 : i32
        %and3A_414 = vector.broadcast %and3A_413 : i32 to vector<16xi32>
        %and3A_415 = arith.andi %get3A_390, %and3A_414 : vector<16xi32>
        %bitcast_convert_type3A = tpu.bitcast %and3A_415 : vector<16xi32> -> vector<16xf32>
        %mul3A_416 = arith.constant 16 : i32
        %mul3A_417 = arith.muli %scan3A_382, %mul3A_416 : i32
        %swap3A_418 = arith.constant 1 : i32
        %swap3A_419 = arith.index_cast %rem3A_220 : i32 to index
        %swap3A_420 = arith.index_cast %swap3A_418 : i32 to index
        %swap3A_421 = arith.index_cast %mul3A_417 : i32 to index
        %swap3A_422 = tpu.vector_load %arg12[%swap3A_419, %swap3A_420, %swap3A_421] {strides = array<i32>} : memref<2x8x128xf32, #tpu.memory_space<vmem>>, vector<1x1x16xf32>,
        %swap3A_423 = vector.shape_cast %swap3A_422 : vector<1x1x16xf32> to vector<16xf32>
        %swap3A_424 = vector.shape_cast %bitcast_convert_type3A : vector<16xf32> to vector<1x1x16xf32>
        tpu.vector_store %arg12[%swap3A_419, %swap3A_420, %swap3A_421], %swap3A_424 {strides = array<i32>} : memref<2x8x128xf32, #tpu.memory_space<vmem>>, vector<1x1x16xf32>,
        %scan3A_425 = arith.constant 0 : i32
        scf.yield %scan3A_425 : i32
      }
      %scan3A_265 = arith.constant 8 : i32
      %dma_start3A_266 = arith.constant 1 : i32
      %dma_start3A_267 = arith.constant 1 : i32
      %dma_start3A_268 = arith.constant 0 : i32
      %dma_start3A_269 = tpu.memref_slice %arg12[%rem3A_220, %dma_start3A_266, %dma_start3A_268] : memref<2x8x128xf32, #tpu.memory_space<vmem>> -> memref<1x1x128xf32, #tpu.memory_space<vmem>>
      %dma_start3A_270 = tpu.memref_squeeze %dma_start3A_269 : memref<1x1x128xf32, #tpu.memory_space<vmem>> -> memref<128xf32, #tpu.memory_space<vmem>>
      %dma_start3A_271 = arith.constant 0 : i32
      %dma_start3A_272 = tpu.memref_slice %arg11[%rem3A_220, %dma_start3A_267, %dma_start3A_271] : memref<2x8x128xi32, #tpu.memory_space<vmem>> -> memref<1x1x128xi32, #tpu.memory_space<vmem>>
      %dma_start3A_273 = tpu.memref_squeeze %dma_start3A_272 : memref<1x1x128xi32, #tpu.memory_space<vmem>> -> memref<128xi32, #tpu.memory_space<vmem>>
      %dma_start3A_274 = arith.constant 0 : i32
      %dma_start3A_275 = tpu.memref_slice %arg6[%dma_start3A_274] : memref<1638400xf32, #tpu.memory_space<vmem_shared>> -> memref<1638400xf32, #tpu.memory_space<vmem_shared>>
      tpu.enqueue_indirect_dma source(%dma_start3A_270 : memref<128xf32, #tpu.memory_space<vmem>>) target(%dma_start3A_275 : memref<1638400xf32, #tpu.memory_space<vmem_shared>>) offsets(%dma_start3A_273 : memref<128xi32, #tpu.memory_space<vmem>>) semaphore(%arg16 : memref<!tpu.dma_semaphore, #tpu.memory_space<semaphore_mem>>) {add = true}
      %scan3A_276 = arith.constant 0 : i32
      %scan3A_277 = arith.constant 0 : i32
      %scan3A_278 = arith.constant 8 : i32
      %scan3A_279 = arith.addi %scan3A_277, %scan3A_278 : i32
      %scan3A_280 = arith.constant 1 : i32
      %scan3A_281 = scf.for %scan3A_382 = %scan3A_277 to %scan3A_279 step %scan3A_280 iter_args(%scan3A_383 = %scan3A_276) -> (i32)  : i32 {
        %mul3A_384 = arith.constant 16 : i32
        %mul3A_385 = arith.muli %scan3A_382, %mul3A_384 : i32
        %get3A = arith.constant 2 : i32
        %get3A_386 = arith.index_cast %rem3A_220 : i32 to index
        %get3A_387 = arith.index_cast %get3A : i32 to index
        %get3A_388 = arith.index_cast %mul3A_385 : i32 to index
        %get3A_389 = tpu.vector_load %arg10[%get3A_386, %get3A_387, %get3A_388] {strides = array<i32>} : memref<2x8x128xi32, #tpu.memory_space<vmem>>, vector<1x1x16xi32>,
        %get3A_390 = vector.shape_cast %get3A_389 : vector<1x1x16xi32> to vector<16xi32>
        %mul3A_391 = arith.constant 16 : i32
        %mul3A_392 = arith.muli %scan3A_382, %mul3A_391 : i32
        %get3A_393 = arith.constant 2 : i32
        %get3A_394 = arith.index_cast %rem3A_220 : i32 to index
        %get3A_395 = arith.index_cast %get3A_393 : i32 to index
        %get3A_396 = arith.index_cast %mul3A_392 : i32 to index
        %get3A_397 = tpu.vector_load %arg9[%get3A_394, %get3A_395, %get3A_396] {strides = array<i32>} : memref<2x8x128xi32, #tpu.memory_space<vmem>>, vector<1x1x16xi32>,
        %get3A_398 = vector.shape_cast %get3A_397 : vector<1x1x16xi32> to vector<16xi32>
        %and3A = arith.constant 15 : i32
        %and3A_399 = vector.broadcast %and3A : i32 to vector<16xi32>
        %and3A_400 = arith.andi %get3A_390, %and3A_399 : vector<16xi32>
        %mul3A_401 = arith.constant 102400 : i32
        %mul3A_402 = vector.broadcast %mul3A_401 : i32 to vector<16xi32>
        %mul3A_403 = arith.muli %and3A_400, %mul3A_402 : vector<16xi32>
        %add3A_404 = arith.addi %mul3A_403, %get3A_398 : vector<16xi32>
        %mul3A_405 = arith.constant 16 : i32
        %mul3A_406 = arith.muli %scan3A_382, %mul3A_405 : i32
        %swap3A = arith.constant 2 : i32
        %swap3A_407 = arith.index_cast %rem3A_220 : i32 to index
        %swap3A_408 = arith.index_cast %swap3A : i32 to index
        %swap3A_409 = arith.index_cast %mul3A_406 : i32 to index
        %swap3A_410 = tpu.vector_load %arg11[%swap3A_407, %swap3A_408, %swap3A_409] {strides = array<i32>} : memref<2x8x128xi32, #tpu.memory_space<vmem>>, vector<1x1x16xi32>,
        %swap3A_411 = vector.shape_cast %swap3A_410 : vector<1x1x16xi32> to vector<16xi32>
        %swap3A_412 = vector.shape_cast %add3A_404 : vector<16xi32> to vector<1x1x16xi32>
        tpu.vector_store %arg11[%swap3A_407, %swap3A_408, %swap3A_409], %swap3A_412 {strides = array<i32>} : memref<2x8x128xi32, #tpu.memory_space<vmem>>, vector<1x1x16xi32>,
        %and3A_413 = arith.constant -16 : i32
        %and3A_414 = vector.broadcast %and3A_413 : i32 to vector<16xi32>
        %and3A_415 = arith.andi %get3A_390, %and3A_414 : vector<16xi32>
        %bitcast_convert_type3A = tpu.bitcast %and3A_415 : vector<16xi32> -> vector<16xf32>
        %mul3A_416 = arith.constant 16 : i32
        %mul3A_417 = arith.muli %scan3A_382, %mul3A_416 : i32
        %swap3A_418 = arith.constant 2 : i32
        %swap3A_419 = arith.index_cast %rem3A_220 : i32 to index
        %swap3A_420 = arith.index_cast %swap3A_418 : i32 to index
        %swap3A_421 = arith.index_cast %mul3A_417 : i32 to index
        %swap3A_422 = tpu.vector_load %arg12[%swap3A_419, %swap3A_420, %swap3A_421] {strides = array<i32>} : memref<2x8x128xf32, #tpu.memory_space<vmem>>, vector<1x1x16xf32>,
        %swap3A_423 = vector.shape_cast %swap3A_422 : vector<1x1x16xf32> to vector<16xf32>
        %swap3A_424 = vector.shape_cast %bitcast_convert_type3A : vector<16xf32> to vector<1x1x16xf32>
        tpu.vector_store %arg12[%swap3A_419, %swap3A_420, %swap3A_421], %swap3A_424 {strides = array<i32>} : memref<2x8x128xf32, #tpu.memory_space<vmem>>, vector<1x1x16xf32>,
        %scan3A_425 = arith.constant 0 : i32
        scf.yield %scan3A_425 : i32
      }
      %scan3A_282 = arith.constant 8 : i32
      %dma_start3A_283 = arith.constant 2 : i32
      %dma_start3A_284 = arith.constant 2 : i32
      %dma_start3A_285 = arith.constant 0 : i32
      %dma_start3A_286 = tpu.memref_slice %arg12[%rem3A_220, %dma_start3A_283, %dma_start3A_285] : memref<2x8x128xf32, #tpu.memory_space<vmem>> -> memref<1x1x128xf32, #tpu.memory_space<vmem>>
      %dma_start3A_287 = tpu.memref_squeeze %dma_start3A_286 : memref<1x1x128xf32, #tpu.memory_space<vmem>> -> memref<128xf32, #tpu.memory_space<vmem>>
      %dma_start3A_288 = arith.constant 0 : i32
      %dma_start3A_289 = tpu.memref_slice %arg11[%rem3A_220, %dma_start3A_284, %dma_start3A_288] : memref<2x8x128xi32, #tpu.memory_space<vmem>> -> memref<1x1x128xi32, #tpu.memory_space<vmem>>
      %dma_start3A_290 = tpu.memref_squeeze %dma_start3A_289 : memref<1x1x128xi32, #tpu.memory_space<vmem>> -> memref<128xi32, #tpu.memory_space<vmem>>
      %dma_start3A_291 = arith.constant 0 : i32
      %dma_start3A_292 = tpu.memref_slice %arg6[%dma_start3A_291] : memref<1638400xf32, #tpu.memory_space<vmem_shared>> -> memref<1638400xf32, #tpu.memory_space<vmem_shared>>
      tpu.enqueue_indirect_dma source(%dma_start3A_287 : memref<128xf32, #tpu.memory_space<vmem>>) target(%dma_start3A_292 : memref<1638400xf32, #tpu.memory_space<vmem_shared>>) offsets(%dma_start3A_290 : memref<128xi32, #tpu.memory_space<vmem>>) semaphore(%arg16 : memref<!tpu.dma_semaphore, #tpu.memory_space<semaphore_mem>>) {add = true}
      %scan3A_293 = arith.constant 0 : i32
      %scan3A_294 = arith.constant 0 : i32
      %scan3A_295 = arith.constant 8 : i32
      %scan3A_296 = arith.addi %scan3A_294, %scan3A_295 : i32
      %scan3A_297 = arith.constant 1 : i32
      %scan3A_298 = scf.for %scan3A_382 = %scan3A_294 to %scan3A_296 step %scan3A_297 iter_args(%scan3A_383 = %scan3A_293) -> (i32)  : i32 {
        %mul3A_384 = arith.constant 16 : i32
        %mul3A_385 = arith.muli %scan3A_382, %mul3A_384 : i32
        %get3A = arith.constant 3 : i32
        %get3A_386 = arith.index_cast %rem3A_220 : i32 to index
        %get3A_387 = arith.index_cast %get3A : i32 to index
        %get3A_388 = arith.index_cast %mul3A_385 : i32 to index
        %get3A_389 = tpu.vector_load %arg10[%get3A_386, %get3A_387, %get3A_388] {strides = array<i32>} : memref<2x8x128xi32, #tpu.memory_space<vmem>>, vector<1x1x16xi32>,
        %get3A_390 = vector.shape_cast %get3A_389 : vector<1x1x16xi32> to vector<16xi32>
        %mul3A_391 = arith.constant 16 : i32
        %mul3A_392 = arith.muli %scan3A_382, %mul3A_391 : i32
        %get3A_393 = arith.constant 3 : i32
        %get3A_394 = arith.index_cast %rem3A_220 : i32 to index
        %get3A_395 = arith.index_cast %get3A_393 : i32 to index
        %get3A_396 = arith.index_cast %mul3A_392 : i32 to index
        %get3A_397 = tpu.vector_load %arg9[%get3A_394, %get3A_395, %get3A_396] {strides = array<i32>} : memref<2x8x128xi32, #tpu.memory_space<vmem>>, vector<1x1x16xi32>,
        %get3A_398 = vector.shape_cast %get3A_397 : vector<1x1x16xi32> to vector<16xi32>
        %and3A = arith.constant 15 : i32
        %and3A_399 = vector.broadcast %and3A : i32 to vector<16xi32>
        %and3A_400 = arith.andi %get3A_390, %and3A_399 : vector<16xi32>
        %mul3A_401 = arith.constant 102400 : i32
        %mul3A_402 = vector.broadcast %mul3A_401 : i32 to vector<16xi32>
        %mul3A_403 = arith.muli %and3A_400, %mul3A_402 : vector<16xi32>
        %add3A_404 = arith.addi %mul3A_403, %get3A_398 : vector<16xi32>
        %mul3A_405 = arith.constant 16 : i32
        %mul3A_406 = arith.muli %scan3A_382, %mul3A_405 : i32
        %swap3A = arith.constant 3 : i32
        %swap3A_407 = arith.index_cast %rem3A_220 : i32 to index
        %swap3A_408 = arith.index_cast %swap3A : i32 to index
        %swap3A_409 = arith.index_cast %mul3A_406 : i32 to index
        %swap3A_410 = tpu.vector_load %arg11[%swap3A_407, %swap3A_408, %swap3A_409] {strides = array<i32>} : memref<2x8x128xi32, #tpu.memory_space<vmem>>, vector<1x1x16xi32>,
        %swap3A_411 = vector.shape_cast %swap3A_410 : vector<1x1x16xi32> to vector<16xi32>
        %swap3A_412 = vector.shape_cast %add3A_404 : vector<16xi32> to vector<1x1x16xi32>
        tpu.vector_store %arg11[%swap3A_407, %swap3A_408, %swap3A_409], %swap3A_412 {strides = array<i32>} : memref<2x8x128xi32, #tpu.memory_space<vmem>>, vector<1x1x16xi32>,
        %and3A_413 = arith.constant -16 : i32
        %and3A_414 = vector.broadcast %and3A_413 : i32 to vector<16xi32>
        %and3A_415 = arith.andi %get3A_390, %and3A_414 : vector<16xi32>
        %bitcast_convert_type3A = tpu.bitcast %and3A_415 : vector<16xi32> -> vector<16xf32>
        %mul3A_416 = arith.constant 16 : i32
        %mul3A_417 = arith.muli %scan3A_382, %mul3A_416 : i32
        %swap3A_418 = arith.constant 3 : i32
        %swap3A_419 = arith.index_cast %rem3A_220 : i32 to index
        %swap3A_420 = arith.index_cast %swap3A_418 : i32 to index
        %swap3A_421 = arith.index_cast %mul3A_417 : i32 to index
        %swap3A_422 = tpu.vector_load %arg12[%swap3A_419, %swap3A_420, %swap3A_421] {strides = array<i32>} : memref<2x8x128xf32, #tpu.memory_space<vmem>>, vector<1x1x16xf32>,
        %swap3A_423 = vector.shape_cast %swap3A_422 : vector<1x1x16xf32> to vector<16xf32>
        %swap3A_424 = vector.shape_cast %bitcast_convert_type3A : vector<16xf32> to vector<1x1x16xf32>
        tpu.vector_store %arg12[%swap3A_419, %swap3A_420, %swap3A_421], %swap3A_424 {strides = array<i32>} : memref<2x8x128xf32, #tpu.memory_space<vmem>>, vector<1x1x16xf32>,
        %scan3A_425 = arith.constant 0 : i32
        scf.yield %scan3A_425 : i32
      }
      %scan3A_299 = arith.constant 8 : i32
      %dma_start3A_300 = arith.constant 3 : i32
      %dma_start3A_301 = arith.constant 3 : i32
      %dma_start3A_302 = arith.constant 0 : i32
      %dma_start3A_303 = tpu.memref_slice %arg12[%rem3A_220, %dma_start3A_300, %dma_start3A_302] : memref<2x8x128xf32, #tpu.memory_space<vmem>> -> memref<1x1x128xf32, #tpu.memory_space<vmem>>
      %dma_start3A_304 = tpu.memref_squeeze %dma_start3A_303 : memref<1x1x128xf32, #tpu.memory_space<vmem>> -> memref<128xf32, #tpu.memory_space<vmem>>
      %dma_start3A_305 = arith.constant 0 : i32
      %dma_start3A_306 = tpu.memref_slice %arg11[%rem3A_220, %dma_start3A_301, %dma_start3A_305] : memref<2x8x128xi32, #tpu.memory_space<vmem>> -> memref<1x1x128xi32, #tpu.memory_space<vmem>>
      %dma_start3A_307 = tpu.memref_squeeze %dma_start3A_306 : memref<1x1x128xi32, #tpu.memory_space<vmem>> -> memref<128xi32, #tpu.memory_space<vmem>>
      %dma_start3A_308 = arith.constant 0 : i32
      %dma_start3A_309 = tpu.memref_slice %arg6[%dma_start3A_308] : memref<1638400xf32, #tpu.memory_space<vmem_shared>> -> memref<1638400xf32, #tpu.memory_space<vmem_shared>>
      tpu.enqueue_indirect_dma source(%dma_start3A_304 : memref<128xf32, #tpu.memory_space<vmem>>) target(%dma_start3A_309 : memref<1638400xf32, #tpu.memory_space<vmem_shared>>) offsets(%dma_start3A_307 : memref<128xi32, #tpu.memory_space<vmem>>) semaphore(%arg16 : memref<!tpu.dma_semaphore, #tpu.memory_space<semaphore_mem>>) {add = true}
      %scan3A_310 = arith.constant 0 : i32
      %scan3A_311 = arith.constant 0 : i32
      %scan3A_312 = arith.constant 8 : i32
      %scan3A_313 = arith.addi %scan3A_311, %scan3A_312 : i32
      %scan3A_314 = arith.constant 1 : i32
      %scan3A_315 = scf.for %scan3A_382 = %scan3A_311 to %scan3A_313 step %scan3A_314 iter_args(%scan3A_383 = %scan3A_310) -> (i32)  : i32 {
        %mul3A_384 = arith.constant 16 : i32
        %mul3A_385 = arith.muli %scan3A_382, %mul3A_384 : i32
        %get3A = arith.constant 4 : i32
        %get3A_386 = arith.index_cast %rem3A_220 : i32 to index
        %get3A_387 = arith.index_cast %get3A : i32 to index
        %get3A_388 = arith.index_cast %mul3A_385 : i32 to index
        %get3A_389 = tpu.vector_load %arg10[%get3A_386, %get3A_387, %get3A_388] {strides = array<i32>} : memref<2x8x128xi32, #tpu.memory_space<vmem>>, vector<1x1x16xi32>,
        %get3A_390 = vector.shape_cast %get3A_389 : vector<1x1x16xi32> to vector<16xi32>
        %mul3A_391 = arith.constant 16 : i32
        %mul3A_392 = arith.muli %scan3A_382, %mul3A_391 : i32
        %get3A_393 = arith.constant 4 : i32
        %get3A_394 = arith.index_cast %rem3A_220 : i32 to index
        %get3A_395 = arith.index_cast %get3A_393 : i32 to index
        %get3A_396 = arith.index_cast %mul3A_392 : i32 to index
        %get3A_397 = tpu.vector_load %arg9[%get3A_394, %get3A_395, %get3A_396] {strides = array<i32>} : memref<2x8x128xi32, #tpu.memory_space<vmem>>, vector<1x1x16xi32>,
        %get3A_398 = vector.shape_cast %get3A_397 : vector<1x1x16xi32> to vector<16xi32>
        %and3A = arith.constant 15 : i32
        %and3A_399 = vector.broadcast %and3A : i32 to vector<16xi32>
        %and3A_400 = arith.andi %get3A_390, %and3A_399 : vector<16xi32>
        %mul3A_401 = arith.constant 102400 : i32
        %mul3A_402 = vector.broadcast %mul3A_401 : i32 to vector<16xi32>
        %mul3A_403 = arith.muli %and3A_400, %mul3A_402 : vector<16xi32>
        %add3A_404 = arith.addi %mul3A_403, %get3A_398 : vector<16xi32>
        %mul3A_405 = arith.constant 16 : i32
        %mul3A_406 = arith.muli %scan3A_382, %mul3A_405 : i32
        %swap3A = arith.constant 4 : i32
        %swap3A_407 = arith.index_cast %rem3A_220 : i32 to index
        %swap3A_408 = arith.index_cast %swap3A : i32 to index
        %swap3A_409 = arith.index_cast %mul3A_406 : i32 to index
        %swap3A_410 = tpu.vector_load %arg11[%swap3A_407, %swap3A_408, %swap3A_409] {strides = array<i32>} : memref<2x8x128xi32, #tpu.memory_space<vmem>>, vector<1x1x16xi32>,
        %swap3A_411 = vector.shape_cast %swap3A_410 : vector<1x1x16xi32> to vector<16xi32>
        %swap3A_412 = vector.shape_cast %add3A_404 : vector<16xi32> to vector<1x1x16xi32>
        tpu.vector_store %arg11[%swap3A_407, %swap3A_408, %swap3A_409], %swap3A_412 {strides = array<i32>} : memref<2x8x128xi32, #tpu.memory_space<vmem>>, vector<1x1x16xi32>,
        %and3A_413 = arith.constant -16 : i32
        %and3A_414 = vector.broadcast %and3A_413 : i32 to vector<16xi32>
        %and3A_415 = arith.andi %get3A_390, %and3A_414 : vector<16xi32>
        %bitcast_convert_type3A = tpu.bitcast %and3A_415 : vector<16xi32> -> vector<16xf32>
        %mul3A_416 = arith.constant 16 : i32
        %mul3A_417 = arith.muli %scan3A_382, %mul3A_416 : i32
        %swap3A_418 = arith.constant 4 : i32
        %swap3A_419 = arith.index_cast %rem3A_220 : i32 to index
        %swap3A_420 = arith.index_cast %swap3A_418 : i32 to index
        %swap3A_421 = arith.index_cast %mul3A_417 : i32 to index
        %swap3A_422 = tpu.vector_load %arg12[%swap3A_419, %swap3A_420, %swap3A_421] {strides = array<i32>} : memref<2x8x128xf32, #tpu.memory_space<vmem>>, vector<1x1x16xf32>,
        %swap3A_423 = vector.shape_cast %swap3A_422 : vector<1x1x16xf32> to vector<16xf32>
        %swap3A_424 = vector.shape_cast %bitcast_convert_type3A : vector<16xf32> to vector<1x1x16xf32>
        tpu.vector_store %arg12[%swap3A_419, %swap3A_420, %swap3A_421], %swap3A_424 {strides = array<i32>} : memref<2x8x128xf32, #tpu.memory_space<vmem>>, vector<1x1x16xf32>,
        %scan3A_425 = arith.constant 0 : i32
        scf.yield %scan3A_425 : i32
      }
      %scan3A_316 = arith.constant 8 : i32
      %dma_start3A_317 = arith.constant 4 : i32
      %dma_start3A_318 = arith.constant 4 : i32
      %dma_start3A_319 = arith.constant 0 : i32
      %dma_start3A_320 = tpu.memref_slice %arg12[%rem3A_220, %dma_start3A_317, %dma_start3A_319] : memref<2x8x128xf32, #tpu.memory_space<vmem>> -> memref<1x1x128xf32, #tpu.memory_space<vmem>>
      %dma_start3A_321 = tpu.memref_squeeze %dma_start3A_320 : memref<1x1x128xf32, #tpu.memory_space<vmem>> -> memref<128xf32, #tpu.memory_space<vmem>>
      %dma_start3A_322 = arith.constant 0 : i32
      %dma_start3A_323 = tpu.memref_slice %arg11[%rem3A_220, %dma_start3A_318, %dma_start3A_322] : memref<2x8x128xi32, #tpu.memory_space<vmem>> -> memref<1x1x128xi32, #tpu.memory_space<vmem>>
      %dma_start3A_324 = tpu.memref_squeeze %dma_start3A_323 : memref<1x1x128xi32, #tpu.memory_space<vmem>> -> memref<128xi32, #tpu.memory_space<vmem>>
      %dma_start3A_325 = arith.constant 0 : i32
      %dma_start3A_326 = tpu.memref_slice %arg6[%dma_start3A_325] : memref<1638400xf32, #tpu.memory_space<vmem_shared>> -> memref<1638400xf32, #tpu.memory_space<vmem_shared>>
      tpu.enqueue_indirect_dma source(%dma_start3A_321 : memref<128xf32, #tpu.memory_space<vmem>>) target(%dma_start3A_326 : memref<1638400xf32, #tpu.memory_space<vmem_shared>>) offsets(%dma_start3A_324 : memref<128xi32, #tpu.memory_space<vmem>>) semaphore(%arg16 : memref<!tpu.dma_semaphore, #tpu.memory_space<semaphore_mem>>) {add = true}
      %scan3A_327 = arith.constant 0 : i32
      %scan3A_328 = arith.constant 0 : i32
      %scan3A_329 = arith.constant 8 : i32
      %scan3A_330 = arith.addi %scan3A_328, %scan3A_329 : i32
      %scan3A_331 = arith.constant 1 : i32
      %scan3A_332 = scf.for %scan3A_382 = %scan3A_328 to %scan3A_330 step %scan3A_331 iter_args(%scan3A_383 = %scan3A_327) -> (i32)  : i32 {
        %mul3A_384 = arith.constant 16 : i32
        %mul3A_385 = arith.muli %scan3A_382, %mul3A_384 : i32
        %get3A = arith.constant 5 : i32
        %get3A_386 = arith.index_cast %rem3A_220 : i32 to index
        %get3A_387 = arith.index_cast %get3A : i32 to index
        %get3A_388 = arith.index_cast %mul3A_385 : i32 to index
        %get3A_389 = tpu.vector_load %arg10[%get3A_386, %get3A_387, %get3A_388] {strides = array<i32>} : memref<2x8x128xi32, #tpu.memory_space<vmem>>, vector<1x1x16xi32>,
        %get3A_390 = vector.shape_cast %get3A_389 : vector<1x1x16xi32> to vector<16xi32>
        %mul3A_391 = arith.constant 16 : i32
        %mul3A_392 = arith.muli %scan3A_382, %mul3A_391 : i32
        %get3A_393 = arith.constant 5 : i32
        %get3A_394 = arith.index_cast %rem3A_220 : i32 to index
        %get3A_395 = arith.index_cast %get3A_393 : i32 to index
        %get3A_396 = arith.index_cast %mul3A_392 : i32 to index
        %get3A_397 = tpu.vector_load %arg9[%get3A_394, %get3A_395, %get3A_396] {strides = array<i32>} : memref<2x8x128xi32, #tpu.memory_space<vmem>>, vector<1x1x16xi32>,
        %get3A_398 = vector.shape_cast %get3A_397 : vector<1x1x16xi32> to vector<16xi32>
        %and3A = arith.constant 15 : i32
        %and3A_399 = vector.broadcast %and3A : i32 to vector<16xi32>
        %and3A_400 = arith.andi %get3A_390, %and3A_399 : vector<16xi32>
        %mul3A_401 = arith.constant 102400 : i32
        %mul3A_402 = vector.broadcast %mul3A_401 : i32 to vector<16xi32>
        %mul3A_403 = arith.muli %and3A_400, %mul3A_402 : vector<16xi32>
        %add3A_404 = arith.addi %mul3A_403, %get3A_398 : vector<16xi32>
        %mul3A_405 = arith.constant 16 : i32
        %mul3A_406 = arith.muli %scan3A_382, %mul3A_405 : i32
        %swap3A = arith.constant 5 : i32
        %swap3A_407 = arith.index_cast %rem3A_220 : i32 to index
        %swap3A_408 = arith.index_cast %swap3A : i32 to index
        %swap3A_409 = arith.index_cast %mul3A_406 : i32 to index
        %swap3A_410 = tpu.vector_load %arg11[%swap3A_407, %swap3A_408, %swap3A_409] {strides = array<i32>} : memref<2x8x128xi32, #tpu.memory_space<vmem>>, vector<1x1x16xi32>,
        %swap3A_411 = vector.shape_cast %swap3A_410 : vector<1x1x16xi32> to vector<16xi32>
        %swap3A_412 = vector.shape_cast %add3A_404 : vector<16xi32> to vector<1x1x16xi32>
        tpu.vector_store %arg11[%swap3A_407, %swap3A_408, %swap3A_409], %swap3A_412 {strides = array<i32>} : memref<2x8x128xi32, #tpu.memory_space<vmem>>, vector<1x1x16xi32>,
        %and3A_413 = arith.constant -16 : i32
        %and3A_414 = vector.broadcast %and3A_413 : i32 to vector<16xi32>
        %and3A_415 = arith.andi %get3A_390, %and3A_414 : vector<16xi32>
        %bitcast_convert_type3A = tpu.bitcast %and3A_415 : vector<16xi32> -> vector<16xf32>
        %mul3A_416 = arith.constant 16 : i32
        %mul3A_417 = arith.muli %scan3A_382, %mul3A_416 : i32
        %swap3A_418 = arith.constant 5 : i32
        %swap3A_419 = arith.index_cast %rem3A_220 : i32 to index
        %swap3A_420 = arith.index_cast %swap3A_418 : i32 to index
        %swap3A_421 = arith.index_cast %mul3A_417 : i32 to index
        %swap3A_422 = tpu.vector_load %arg12[%swap3A_419, %swap3A_420, %swap3A_421] {strides = array<i32>} : memref<2x8x128xf32, #tpu.memory_space<vmem>>, vector<1x1x16xf32>,
        %swap3A_423 = vector.shape_cast %swap3A_422 : vector<1x1x16xf32> to vector<16xf32>
        %swap3A_424 = vector.shape_cast %bitcast_convert_type3A : vector<16xf32> to vector<1x1x16xf32>
        tpu.vector_store %arg12[%swap3A_419, %swap3A_420, %swap3A_421], %swap3A_424 {strides = array<i32>} : memref<2x8x128xf32, #tpu.memory_space<vmem>>, vector<1x1x16xf32>,
        %scan3A_425 = arith.constant 0 : i32
        scf.yield %scan3A_425 : i32
      }
      %scan3A_333 = arith.constant 8 : i32
      %dma_start3A_334 = arith.constant 5 : i32
      %dma_start3A_335 = arith.constant 5 : i32
      %dma_start3A_336 = arith.constant 0 : i32
      %dma_start3A_337 = tpu.memref_slice %arg12[%rem3A_220, %dma_start3A_334, %dma_start3A_336] : memref<2x8x128xf32, #tpu.memory_space<vmem>> -> memref<1x1x128xf32, #tpu.memory_space<vmem>>
      %dma_start3A_338 = tpu.memref_squeeze %dma_start3A_337 : memref<1x1x128xf32, #tpu.memory_space<vmem>> -> memref<128xf32, #tpu.memory_space<vmem>>
      %dma_start3A_339 = arith.constant 0 : i32
      %dma_start3A_340 = tpu.memref_slice %arg11[%rem3A_220, %dma_start3A_335, %dma_start3A_339] : memref<2x8x128xi32, #tpu.memory_space<vmem>> -> memref<1x1x128xi32, #tpu.memory_space<vmem>>
      %dma_start3A_341 = tpu.memref_squeeze %dma_start3A_340 : memref<1x1x128xi32, #tpu.memory_space<vmem>> -> memref<128xi32, #tpu.memory_space<vmem>>
      %dma_start3A_342 = arith.constant 0 : i32
      %dma_start3A_343 = tpu.memref_slice %arg6[%dma_start3A_342] : memref<1638400xf32, #tpu.memory_space<vmem_shared>> -> memref<1638400xf32, #tpu.memory_space<vmem_shared>>
      tpu.enqueue_indirect_dma source(%dma_start3A_338 : memref<128xf32, #tpu.memory_space<vmem>>) target(%dma_start3A_343 : memref<1638400xf32, #tpu.memory_space<vmem_shared>>) offsets(%dma_start3A_341 : memref<128xi32, #tpu.memory_space<vmem>>) semaphore(%arg16 : memref<!tpu.dma_semaphore, #tpu.memory_space<semaphore_mem>>) {add = true}
      %scan3A_344 = arith.constant 0 : i32
      %scan3A_345 = arith.constant 0 : i32
      %scan3A_346 = arith.constant 8 : i32
      %scan3A_347 = arith.addi %scan3A_345, %scan3A_346 : i32
      %scan3A_348 = arith.constant 1 : i32
      %scan3A_349 = scf.for %scan3A_382 = %scan3A_345 to %scan3A_347 step %scan3A_348 iter_args(%scan3A_383 = %scan3A_344) -> (i32)  : i32 {
        %mul3A_384 = arith.constant 16 : i32
        %mul3A_385 = arith.muli %scan3A_382, %mul3A_384 : i32
        %get3A = arith.constant 6 : i32
        %get3A_386 = arith.index_cast %rem3A_220 : i32 to index
        %get3A_387 = arith.index_cast %get3A : i32 to index
        %get3A_388 = arith.index_cast %mul3A_385 : i32 to index
        %get3A_389 = tpu.vector_load %arg10[%get3A_386, %get3A_387, %get3A_388] {strides = array<i32>} : memref<2x8x128xi32, #tpu.memory_space<vmem>>, vector<1x1x16xi32>,
        %get3A_390 = vector.shape_cast %get3A_389 : vector<1x1x16xi32> to vector<16xi32>
        %mul3A_391 = arith.constant 16 : i32
        %mul3A_392 = arith.muli %scan3A_382, %mul3A_391 : i32
        %get3A_393 = arith.constant 6 : i32
        %get3A_394 = arith.index_cast %rem3A_220 : i32 to index
        %get3A_395 = arith.index_cast %get3A_393 : i32 to index
        %get3A_396 = arith.index_cast %mul3A_392 : i32 to index
        %get3A_397 = tpu.vector_load %arg9[%get3A_394, %get3A_395, %get3A_396] {strides = array<i32>} : memref<2x8x128xi32, #tpu.memory_space<vmem>>, vector<1x1x16xi32>,
        %get3A_398 = vector.shape_cast %get3A_397 : vector<1x1x16xi32> to vector<16xi32>
        %and3A = arith.constant 15 : i32
        %and3A_399 = vector.broadcast %and3A : i32 to vector<16xi32>
        %and3A_400 = arith.andi %get3A_390, %and3A_399 : vector<16xi32>
        %mul3A_401 = arith.constant 102400 : i32
        %mul3A_402 = vector.broadcast %mul3A_401 : i32 to vector<16xi32>
        %mul3A_403 = arith.muli %and3A_400, %mul3A_402 : vector<16xi32>
        %add3A_404 = arith.addi %mul3A_403, %get3A_398 : vector<16xi32>
        %mul3A_405 = arith.constant 16 : i32
        %mul3A_406 = arith.muli %scan3A_382, %mul3A_405 : i32
        %swap3A = arith.constant 6 : i32
        %swap3A_407 = arith.index_cast %rem3A_220 : i32 to index
        %swap3A_408 = arith.index_cast %swap3A : i32 to index
        %swap3A_409 = arith.index_cast %mul3A_406 : i32 to index
        %swap3A_410 = tpu.vector_load %arg11[%swap3A_407, %swap3A_408, %swap3A_409] {strides = array<i32>} : memref<2x8x128xi32, #tpu.memory_space<vmem>>, vector<1x1x16xi32>,
        %swap3A_411 = vector.shape_cast %swap3A_410 : vector<1x1x16xi32> to vector<16xi32>
        %swap3A_412 = vector.shape_cast %add3A_404 : vector<16xi32> to vector<1x1x16xi32>
        tpu.vector_store %arg11[%swap3A_407, %swap3A_408, %swap3A_409], %swap3A_412 {strides = array<i32>} : memref<2x8x128xi32, #tpu.memory_space<vmem>>, vector<1x1x16xi32>,
        %and3A_413 = arith.constant -16 : i32
        %and3A_414 = vector.broadcast %and3A_413 : i32 to vector<16xi32>
        %and3A_415 = arith.andi %get3A_390, %and3A_414 : vector<16xi32>
        %bitcast_convert_type3A = tpu.bitcast %and3A_415 : vector<16xi32> -> vector<16xf32>
        %mul3A_416 = arith.constant 16 : i32
        %mul3A_417 = arith.muli %scan3A_382, %mul3A_416 : i32
        %swap3A_418 = arith.constant 6 : i32
        %swap3A_419 = arith.index_cast %rem3A_220 : i32 to index
        %swap3A_420 = arith.index_cast %swap3A_418 : i32 to index
        %swap3A_421 = arith.index_cast %mul3A_417 : i32 to index
        %swap3A_422 = tpu.vector_load %arg12[%swap3A_419, %swap3A_420, %swap3A_421] {strides = array<i32>} : memref<2x8x128xf32, #tpu.memory_space<vmem>>, vector<1x1x16xf32>,
        %swap3A_423 = vector.shape_cast %swap3A_422 : vector<1x1x16xf32> to vector<16xf32>
        %swap3A_424 = vector.shape_cast %bitcast_convert_type3A : vector<16xf32> to vector<1x1x16xf32>
        tpu.vector_store %arg12[%swap3A_419, %swap3A_420, %swap3A_421], %swap3A_424 {strides = array<i32>} : memref<2x8x128xf32, #tpu.memory_space<vmem>>, vector<1x1x16xf32>,
        %scan3A_425 = arith.constant 0 : i32
        scf.yield %scan3A_425 : i32
      }
      %scan3A_350 = arith.constant 8 : i32
      %dma_start3A_351 = arith.constant 6 : i32
      %dma_start3A_352 = arith.constant 6 : i32
      %dma_start3A_353 = arith.constant 0 : i32
      %dma_start3A_354 = tpu.memref_slice %arg12[%rem3A_220, %dma_start3A_351, %dma_start3A_353] : memref<2x8x128xf32, #tpu.memory_space<vmem>> -> memref<1x1x128xf32, #tpu.memory_space<vmem>>
      %dma_start3A_355 = tpu.memref_squeeze %dma_start3A_354 : memref<1x1x128xf32, #tpu.memory_space<vmem>> -> memref<128xf32, #tpu.memory_space<vmem>>
      %dma_start3A_356 = arith.constant 0 : i32
      %dma_start3A_357 = tpu.memref_slice %arg11[%rem3A_220, %dma_start3A_352, %dma_start3A_356] : memref<2x8x128xi32, #tpu.memory_space<vmem>> -> memref<1x1x128xi32, #tpu.memory_space<vmem>>
      %dma_start3A_358 = tpu.memref_squeeze %dma_start3A_357 : memref<1x1x128xi32, #tpu.memory_space<vmem>> -> memref<128xi32, #tpu.memory_space<vmem>>
      %dma_start3A_359 = arith.constant 0 : i32
      %dma_start3A_360 = tpu.memref_slice %arg6[%dma_start3A_359] : memref<1638400xf32, #tpu.memory_space<vmem_shared>> -> memref<1638400xf32, #tpu.memory_space<vmem_shared>>
      tpu.enqueue_indirect_dma source(%dma_start3A_355 : memref<128xf32, #tpu.memory_space<vmem>>) target(%dma_start3A_360 : memref<1638400xf32, #tpu.memory_space<vmem_shared>>) offsets(%dma_start3A_358 : memref<128xi32, #tpu.memory_space<vmem>>) semaphore(%arg16 : memref<!tpu.dma_semaphore, #tpu.memory_space<semaphore_mem>>) {add = true}
      %scan3A_361 = arith.constant 0 : i32
      %scan3A_362 = arith.constant 0 : i32
      %scan3A_363 = arith.constant 8 : i32
      %scan3A_364 = arith.addi %scan3A_362, %scan3A_363 : i32
      %scan3A_365 = arith.constant 1 : i32
      %scan3A_366 = scf.for %scan3A_382 = %scan3A_362 to %scan3A_364 step %scan3A_365 iter_args(%scan3A_383 = %scan3A_361) -> (i32)  : i32 {
        %mul3A_384 = arith.constant 16 : i32
        %mul3A_385 = arith.muli %scan3A_382, %mul3A_384 : i32
        %get3A = arith.constant 7 : i32
        %get3A_386 = arith.index_cast %rem3A_220 : i32 to index
        %get3A_387 = arith.index_cast %get3A : i32 to index
        %get3A_388 = arith.index_cast %mul3A_385 : i32 to index
        %get3A_389 = tpu.vector_load %arg10[%get3A_386, %get3A_387, %get3A_388] {strides = array<i32>} : memref<2x8x128xi32, #tpu.memory_space<vmem>>, vector<1x1x16xi32>,
        %get3A_390 = vector.shape_cast %get3A_389 : vector<1x1x16xi32> to vector<16xi32>
        %mul3A_391 = arith.constant 16 : i32
        %mul3A_392 = arith.muli %scan3A_382, %mul3A_391 : i32
        %get3A_393 = arith.constant 7 : i32
        %get3A_394 = arith.index_cast %rem3A_220 : i32 to index
        %get3A_395 = arith.index_cast %get3A_393 : i32 to index
        %get3A_396 = arith.index_cast %mul3A_392 : i32 to index
        %get3A_397 = tpu.vector_load %arg9[%get3A_394, %get3A_395, %get3A_396] {strides = array<i32>} : memref<2x8x128xi32, #tpu.memory_space<vmem>>, vector<1x1x16xi32>,
        %get3A_398 = vector.shape_cast %get3A_397 : vector<1x1x16xi32> to vector<16xi32>
        %and3A = arith.constant 15 : i32
        %and3A_399 = vector.broadcast %and3A : i32 to vector<16xi32>
        %and3A_400 = arith.andi %get3A_390, %and3A_399 : vector<16xi32>
        %mul3A_401 = arith.constant 102400 : i32
        %mul3A_402 = vector.broadcast %mul3A_401 : i32 to vector<16xi32>
        %mul3A_403 = arith.muli %and3A_400, %mul3A_402 : vector<16xi32>
        %add3A_404 = arith.addi %mul3A_403, %get3A_398 : vector<16xi32>
        %mul3A_405 = arith.constant 16 : i32
        %mul3A_406 = arith.muli %scan3A_382, %mul3A_405 : i32
        %swap3A = arith.constant 7 : i32
        %swap3A_407 = arith.index_cast %rem3A_220 : i32 to index
        %swap3A_408 = arith.index_cast %swap3A : i32 to index
        %swap3A_409 = arith.index_cast %mul3A_406 : i32 to index
        %swap3A_410 = tpu.vector_load %arg11[%swap3A_407, %swap3A_408, %swap3A_409] {strides = array<i32>} : memref<2x8x128xi32, #tpu.memory_space<vmem>>, vector<1x1x16xi32>,
        %swap3A_411 = vector.shape_cast %swap3A_410 : vector<1x1x16xi32> to vector<16xi32>
        %swap3A_412 = vector.shape_cast %add3A_404 : vector<16xi32> to vector<1x1x16xi32>
        tpu.vector_store %arg11[%swap3A_407, %swap3A_408, %swap3A_409], %swap3A_412 {strides = array<i32>} : memref<2x8x128xi32, #tpu.memory_space<vmem>>, vector<1x1x16xi32>,
        %and3A_413 = arith.constant -16 : i32
        %and3A_414 = vector.broadcast %and3A_413 : i32 to vector<16xi32>
        %and3A_415 = arith.andi %get3A_390, %and3A_414 : vector<16xi32>
        %bitcast_convert_type3A = tpu.bitcast %and3A_415 : vector<16xi32> -> vector<16xf32>
        %mul3A_416 = arith.constant 16 : i32
        %mul3A_417 = arith.muli %scan3A_382, %mul3A_416 : i32
        %swap3A_418 = arith.constant 7 : i32
        %swap3A_419 = arith.index_cast %rem3A_220 : i32 to index
        %swap3A_420 = arith.index_cast %swap3A_418 : i32 to index
        %swap3A_421 = arith.index_cast %mul3A_417 : i32 to index
        %swap3A_422 = tpu.vector_load %arg12[%swap3A_419, %swap3A_420, %swap3A_421] {strides = array<i32>} : memref<2x8x128xf32, #tpu.memory_space<vmem>>, vector<1x1x16xf32>,
        %swap3A_423 = vector.shape_cast %swap3A_422 : vector<1x1x16xf32> to vector<16xf32>
        %swap3A_424 = vector.shape_cast %bitcast_convert_type3A : vector<16xf32> to vector<1x1x16xf32>
        tpu.vector_store %arg12[%swap3A_419, %swap3A_420, %swap3A_421], %swap3A_424 {strides = array<i32>} : memref<2x8x128xf32, #tpu.memory_space<vmem>>, vector<1x1x16xf32>,
        %scan3A_425 = arith.constant 0 : i32
        scf.yield %scan3A_425 : i32
      }
      %scan3A_367 = arith.constant 8 : i32
      %dma_start3A_368 = arith.constant 7 : i32
      %dma_start3A_369 = arith.constant 7 : i32
      %dma_start3A_370 = arith.constant 0 : i32
      %dma_start3A_371 = tpu.memref_slice %arg12[%rem3A_220, %dma_start3A_368, %dma_start3A_370] : memref<2x8x128xf32, #tpu.memory_space<vmem>> -> memref<1x1x128xf32, #tpu.memory_space<vmem>>
      %dma_start3A_372 = tpu.memref_squeeze %dma_start3A_371 : memref<1x1x128xf32, #tpu.memory_space<vmem>> -> memref<128xf32, #tpu.memory_space<vmem>>
      %dma_start3A_373 = arith.constant 0 : i32
      %dma_start3A_374 = tpu.memref_slice %arg11[%rem3A_220, %dma_start3A_369, %dma_start3A_373] : memref<2x8x128xi32, #tpu.memory_space<vmem>> -> memref<1x1x128xi32, #tpu.memory_space<vmem>>
      %dma_start3A_375 = tpu.memref_squeeze %dma_start3A_374 : memref<1x1x128xi32, #tpu.memory_space<vmem>> -> memref<128xi32, #tpu.memory_space<vmem>>
      %dma_start3A_376 = arith.constant 0 : i32
      %dma_start3A_377 = tpu.memref_slice %arg6[%dma_start3A_376] : memref<1638400xf32, #tpu.memory_space<vmem_shared>> -> memref<1638400xf32, #tpu.memory_space<vmem_shared>>
      tpu.enqueue_indirect_dma source(%dma_start3A_372 : memref<128xf32, #tpu.memory_space<vmem>>) target(%dma_start3A_377 : memref<1638400xf32, #tpu.memory_space<vmem_shared>>) offsets(%dma_start3A_375 : memref<128xi32, #tpu.memory_space<vmem>>) semaphore(%arg16 : memref<!tpu.dma_semaphore, #tpu.memory_space<semaphore_mem>>) {add = true}
      %convert_element_type3A_378 = arith.extui %lt3A_224 : i1 to i32
      %cond3A_379 = arith.constant 0 : i32
      %cond3A_380 = arith.cmpi ne, %convert_element_type3A_378, %cond3A_379 : i32
      scf.if %cond3A_380 {
        %add3A_382 = arith.constant 1 : i32
        %add3A_383 = arith.addi %scan3A_218, %add3A_382 : i32
        %mul3A_384 = arith.constant 8 : i32
        %mul3A_385 = arith.muli %add3A_383, %mul3A_384 : i32
        %add3A_386 = arith.addi %mul3A_26, %mul3A_385 : i32
        %dma_wait3A_387 = arith.constant 0 : i32
        %dma_wait3A_388 = arith.constant 0 : i32
        %dma_wait3A_389 = tpu.memref_slice %arg8[%sub3A_221, %dma_wait3A_387, %dma_wait3A_388] : memref<2x8x128xi32, #tpu.memory_space<vmem>> -> memref<1x8x128xi32, #tpu.memory_space<vmem>>
        %dma_wait3A_390 = tpu.memref_squeeze %dma_wait3A_389 : memref<1x8x128xi32, #tpu.memory_space<vmem>> -> memref<8x128xi32, #tpu.memory_space<vmem>>
        %dma_wait3A_391 = arith.constant 0 : i32
        %dma_wait3A_392 = tpu.memref_slice %arg2[%add3A_386, %dma_wait3A_391] : memref<12544x128xi32, #tpu.memory_space<hbm>> -> memref<8x128xi32, #tpu.memory_space<hbm>>
        %dma_wait3A_393 = arith.constant 0 : i32
        %dma_wait3A_394 = arith.constant 0 : i32
        %dma_wait3A_395 = tpu.memref_slice %arg8[%sub3A_221, %dma_wait3A_393, %dma_wait3A_394] : memref<2x8x128xi32, #tpu.memory_space<vmem>> -> memref<1x8x128xi32, #tpu.memory_space<vmem>>
        %dma_wait3A_396 = tpu.memref_squeeze %dma_wait3A_395 : memref<1x8x128xi32, #tpu.memory_space<vmem>> -> memref<8x128xi32, #tpu.memory_space<vmem>>
        %dma_wait3A_397 = arith.constant 0 : i32
        %dma_wait3A_398 = tpu.memref_slice %arg2[%add3A_386, %dma_wait3A_397] : memref<12544x128xi32, #tpu.memory_space<hbm>> -> memref<8x128xi32, #tpu.memory_space<hbm>>
        tpu.wait_dma2 semaphore(%arg14 : memref<!tpu.dma_semaphore, #tpu.memory_space<semaphore_mem>>) src(%dma_wait3A_398 : memref<8x128xi32, #tpu.memory_space<hbm>>) dst(%dma_wait3A_396 : memref<8x128xi32, #tpu.memory_space<vmem>>)
        %dma_wait3A_399 = arith.constant 0 : i32
        %dma_wait3A_400 = arith.constant 0 : i32
        %dma_wait3A_401 = tpu.memref_slice %arg9[%sub3A_221, %dma_wait3A_399, %dma_wait3A_400] : memref<2x8x128xi32, #tpu.memory_space<vmem>> -> memref<1x8x128xi32, #tpu.memory_space<vmem>>
        %dma_wait3A_402 = tpu.memref_squeeze %dma_wait3A_401 : memref<1x8x128xi32, #tpu.memory_space<vmem>> -> memref<8x128xi32, #tpu.memory_space<vmem>>
        %dma_wait3A_403 = arith.constant 0 : i32
        %dma_wait3A_404 = tpu.memref_slice %arg3[%add3A_386, %dma_wait3A_403] : memref<12544x128xi32, #tpu.memory_space<hbm>> -> memref<8x128xi32, #tpu.memory_space<hbm>>
        %dma_wait3A_405 = arith.constant 0 : i32
        %dma_wait3A_406 = arith.constant 0 : i32
        %dma_wait3A_407 = tpu.memref_slice %arg9[%sub3A_221, %dma_wait3A_405, %dma_wait3A_406] : memref<2x8x128xi32, #tpu.memory_space<vmem>> -> memref<1x8x128xi32, #tpu.memory_space<vmem>>
        %dma_wait3A_408 = tpu.memref_squeeze %dma_wait3A_407 : memref<1x8x128xi32, #tpu.memory_space<vmem>> -> memref<8x128xi32, #tpu.memory_space<vmem>>
        %dma_wait3A_409 = arith.constant 0 : i32
        %dma_wait3A_410 = tpu.memref_slice %arg3[%add3A_386, %dma_wait3A_409] : memref<12544x128xi32, #tpu.memory_space<hbm>> -> memref<8x128xi32, #tpu.memory_space<hbm>>
        tpu.wait_dma2 semaphore(%arg14 : memref<!tpu.dma_semaphore, #tpu.memory_space<semaphore_mem>>) src(%dma_wait3A_410 : memref<8x128xi32, #tpu.memory_space<hbm>>) dst(%dma_wait3A_408 : memref<8x128xi32, #tpu.memory_space<vmem>>)
        %dma_start3A_411 = arith.constant 0 : i32
        %dma_start3A_412 = arith.constant 0 : i32
        %dma_start3A_413 = arith.constant 0 : i32
        %dma_start3A_414 = tpu.memref_slice %arg10[%sub3A_221, %dma_start3A_412, %dma_start3A_413] : memref<2x8x128xi32, #tpu.memory_space<vmem>> -> memref<1x1x128xi32, #tpu.memory_space<vmem>>
        %dma_start3A_415 = tpu.memref_squeeze %dma_start3A_414 : memref<1x1x128xi32, #tpu.memory_space<vmem>> -> memref<128xi32, #tpu.memory_space<vmem>>
        %dma_start3A_416 = arith.constant 0 : i32
        %dma_start3A_417 = tpu.memref_slice %arg8[%sub3A_221, %dma_start3A_411, %dma_start3A_416] : memref<2x8x128xi32, #tpu.memory_space<vmem>> -> memref<1x1x128xi32, #tpu.memory_space<vmem>>
        %dma_start3A_418 = tpu.memref_squeeze %dma_start3A_417 : memref<1x1x128xi32, #tpu.memory_space<vmem>> -> memref<128xi32, #tpu.memory_space<vmem>>
        %dma_start3A_419 = arith.constant 0 : i32
        %dma_start3A_420 = tpu.memref_slice %arg7[%dma_start3A_419] : memref<102400xi32, #tpu.memory_space<vmem_shared>> -> memref<102400xi32, #tpu.memory_space<vmem_shared>>
        tpu.enqueue_indirect_dma source(%dma_start3A_420 : memref<102400xi32, #tpu.memory_space<vmem_shared>>) target(%dma_start3A_415 : memref<128xi32, #tpu.memory_space<vmem>>) offsets(%dma_start3A_418 : memref<128xi32, #tpu.memory_space<vmem>>) semaphore(%arg15 : memref<!tpu.dma_semaphore, #tpu.memory_space<semaphore_mem>>)
        %dma_start3A_421 = arith.constant 1 : i32
        %dma_start3A_422 = arith.constant 1 : i32
        %dma_start3A_423 = arith.constant 0 : i32
        %dma_start3A_424 = tpu.memref_slice %arg10[%sub3A_221, %dma_start3A_422, %dma_start3A_423] : memref<2x8x128xi32, #tpu.memory_space<vmem>> -> memref<1x1x128xi32, #tpu.memory_space<vmem>>
        %dma_start3A_425 = tpu.memref_squeeze %dma_start3A_424 : memref<1x1x128xi32, #tpu.memory_space<vmem>> -> memref<128xi32, #tpu.memory_space<vmem>>
        %dma_start3A_426 = arith.constant 0 : i32
        %dma_start3A_427 = tpu.memref_slice %arg8[%sub3A_221, %dma_start3A_421, %dma_start3A_426] : memref<2x8x128xi32, #tpu.memory_space<vmem>> -> memref<1x1x128xi32, #tpu.memory_space<vmem>>
        %dma_start3A_428 = tpu.memref_squeeze %dma_start3A_427 : memref<1x1x128xi32, #tpu.memory_space<vmem>> -> memref<128xi32, #tpu.memory_space<vmem>>
        %dma_start3A_429 = arith.constant 0 : i32
        %dma_start3A_430 = tpu.memref_slice %arg7[%dma_start3A_429] : memref<102400xi32, #tpu.memory_space<vmem_shared>> -> memref<102400xi32, #tpu.memory_space<vmem_shared>>
        tpu.enqueue_indirect_dma source(%dma_start3A_430 : memref<102400xi32, #tpu.memory_space<vmem_shared>>) target(%dma_start3A_425 : memref<128xi32, #tpu.memory_space<vmem>>) offsets(%dma_start3A_428 : memref<128xi32, #tpu.memory_space<vmem>>) semaphore(%arg15 : memref<!tpu.dma_semaphore, #tpu.memory_space<semaphore_mem>>)
        %dma_start3A_431 = arith.constant 2 : i32
        %dma_start3A_432 = arith.constant 2 : i32
        %dma_start3A_433 = arith.constant 0 : i32
        %dma_start3A_434 = tpu.memref_slice %arg10[%sub3A_221, %dma_start3A_432, %dma_start3A_433] : memref<2x8x128xi32, #tpu.memory_space<vmem>> -> memref<1x1x128xi32, #tpu.memory_space<vmem>>
        %dma_start3A_435 = tpu.memref_squeeze %dma_start3A_434 : memref<1x1x128xi32, #tpu.memory_space<vmem>> -> memref<128xi32, #tpu.memory_space<vmem>>
        %dma_start3A_436 = arith.constant 0 : i32
        %dma_start3A_437 = tpu.memref_slice %arg8[%sub3A_221, %dma_start3A_431, %dma_start3A_436] : memref<2x8x128xi32, #tpu.memory_space<vmem>> -> memref<1x1x128xi32, #tpu.memory_space<vmem>>
        %dma_start3A_438 = tpu.memref_squeeze %dma_start3A_437 : memref<1x1x128xi32, #tpu.memory_space<vmem>> -> memref<128xi32, #tpu.memory_space<vmem>>
        %dma_start3A_439 = arith.constant 0 : i32
        %dma_start3A_440 = tpu.memref_slice %arg7[%dma_start3A_439] : memref<102400xi32, #tpu.memory_space<vmem_shared>> -> memref<102400xi32, #tpu.memory_space<vmem_shared>>
        tpu.enqueue_indirect_dma source(%dma_start3A_440 : memref<102400xi32, #tpu.memory_space<vmem_shared>>) target(%dma_start3A_435 : memref<128xi32, #tpu.memory_space<vmem>>) offsets(%dma_start3A_438 : memref<128xi32, #tpu.memory_space<vmem>>) semaphore(%arg15 : memref<!tpu.dma_semaphore, #tpu.memory_space<semaphore_mem>>)
        %dma_start3A_441 = arith.constant 3 : i32
        %dma_start3A_442 = arith.constant 3 : i32
        %dma_start3A_443 = arith.constant 0 : i32
        %dma_start3A_444 = tpu.memref_slice %arg10[%sub3A_221, %dma_start3A_442, %dma_start3A_443] : memref<2x8x128xi32, #tpu.memory_space<vmem>> -> memref<1x1x128xi32, #tpu.memory_space<vmem>>
        %dma_start3A_445 = tpu.memref_squeeze %dma_start3A_444 : memref<1x1x128xi32, #tpu.memory_space<vmem>> -> memref<128xi32, #tpu.memory_space<vmem>>
        %dma_start3A_446 = arith.constant 0 : i32
        %dma_start3A_447 = tpu.memref_slice %arg8[%sub3A_221, %dma_start3A_441, %dma_start3A_446] : memref<2x8x128xi32, #tpu.memory_space<vmem>> -> memref<1x1x128xi32, #tpu.memory_space<vmem>>
        %dma_start3A_448 = tpu.memref_squeeze %dma_start3A_447 : memref<1x1x128xi32, #tpu.memory_space<vmem>> -> memref<128xi32, #tpu.memory_space<vmem>>
        %dma_start3A_449 = arith.constant 0 : i32
        %dma_start3A_450 = tpu.memref_slice %arg7[%dma_start3A_449] : memref<102400xi32, #tpu.memory_space<vmem_shared>> -> memref<102400xi32, #tpu.memory_space<vmem_shared>>
        tpu.enqueue_indirect_dma source(%dma_start3A_450 : memref<102400xi32, #tpu.memory_space<vmem_shared>>) target(%dma_start3A_445 : memref<128xi32, #tpu.memory_space<vmem>>) offsets(%dma_start3A_448 : memref<128xi32, #tpu.memory_space<vmem>>) semaphore(%arg15 : memref<!tpu.dma_semaphore, #tpu.memory_space<semaphore_mem>>)
        %dma_start3A_451 = arith.constant 4 : i32
        %dma_start3A_452 = arith.constant 4 : i32
        %dma_start3A_453 = arith.constant 0 : i32
        %dma_start3A_454 = tpu.memref_slice %arg10[%sub3A_221, %dma_start3A_452, %dma_start3A_453] : memref<2x8x128xi32, #tpu.memory_space<vmem>> -> memref<1x1x128xi32, #tpu.memory_space<vmem>>
        %dma_start3A_455 = tpu.memref_squeeze %dma_start3A_454 : memref<1x1x128xi32, #tpu.memory_space<vmem>> -> memref<128xi32, #tpu.memory_space<vmem>>
        %dma_start3A_456 = arith.constant 0 : i32
        %dma_start3A_457 = tpu.memref_slice %arg8[%sub3A_221, %dma_start3A_451, %dma_start3A_456] : memref<2x8x128xi32, #tpu.memory_space<vmem>> -> memref<1x1x128xi32, #tpu.memory_space<vmem>>
        %dma_start3A_458 = tpu.memref_squeeze %dma_start3A_457 : memref<1x1x128xi32, #tpu.memory_space<vmem>> -> memref<128xi32, #tpu.memory_space<vmem>>
        %dma_start3A_459 = arith.constant 0 : i32
        %dma_start3A_460 = tpu.memref_slice %arg7[%dma_start3A_459] : memref<102400xi32, #tpu.memory_space<vmem_shared>> -> memref<102400xi32, #tpu.memory_space<vmem_shared>>
        tpu.enqueue_indirect_dma source(%dma_start3A_460 : memref<102400xi32, #tpu.memory_space<vmem_shared>>) target(%dma_start3A_455 : memref<128xi32, #tpu.memory_space<vmem>>) offsets(%dma_start3A_458 : memref<128xi32, #tpu.memory_space<vmem>>) semaphore(%arg15 : memref<!tpu.dma_semaphore, #tpu.memory_space<semaphore_mem>>)
        %dma_start3A_461 = arith.constant 5 : i32
        %dma_start3A_462 = arith.constant 5 : i32
        %dma_start3A_463 = arith.constant 0 : i32
        %dma_start3A_464 = tpu.memref_slice %arg10[%sub3A_221, %dma_start3A_462, %dma_start3A_463] : memref<2x8x128xi32, #tpu.memory_space<vmem>> -> memref<1x1x128xi32, #tpu.memory_space<vmem>>
        %dma_start3A_465 = tpu.memref_squeeze %dma_start3A_464 : memref<1x1x128xi32, #tpu.memory_space<vmem>> -> memref<128xi32, #tpu.memory_space<vmem>>
        %dma_start3A_466 = arith.constant 0 : i32
        %dma_start3A_467 = tpu.memref_slice %arg8[%sub3A_221, %dma_start3A_461, %dma_start3A_466] : memref<2x8x128xi32, #tpu.memory_space<vmem>> -> memref<1x1x128xi32, #tpu.memory_space<vmem>>
        %dma_start3A_468 = tpu.memref_squeeze %dma_start3A_467 : memref<1x1x128xi32, #tpu.memory_space<vmem>> -> memref<128xi32, #tpu.memory_space<vmem>>
        %dma_start3A_469 = arith.constant 0 : i32
        %dma_start3A_470 = tpu.memref_slice %arg7[%dma_start3A_469] : memref<102400xi32, #tpu.memory_space<vmem_shared>> -> memref<102400xi32, #tpu.memory_space<vmem_shared>>
        tpu.enqueue_indirect_dma source(%dma_start3A_470 : memref<102400xi32, #tpu.memory_space<vmem_shared>>) target(%dma_start3A_465 : memref<128xi32, #tpu.memory_space<vmem>>) offsets(%dma_start3A_468 : memref<128xi32, #tpu.memory_space<vmem>>) semaphore(%arg15 : memref<!tpu.dma_semaphore, #tpu.memory_space<semaphore_mem>>)
        %dma_start3A_471 = arith.constant 6 : i32
        %dma_start3A_472 = arith.constant 6 : i32
        %dma_start3A_473 = arith.constant 0 : i32
        %dma_start3A_474 = tpu.memref_slice %arg10[%sub3A_221, %dma_start3A_472, %dma_start3A_473] : memref<2x8x128xi32, #tpu.memory_space<vmem>> -> memref<1x1x128xi32, #tpu.memory_space<vmem>>
        %dma_start3A_475 = tpu.memref_squeeze %dma_start3A_474 : memref<1x1x128xi32, #tpu.memory_space<vmem>> -> memref<128xi32, #tpu.memory_space<vmem>>
        %dma_start3A_476 = arith.constant 0 : i32
        %dma_start3A_477 = tpu.memref_slice %arg8[%sub3A_221, %dma_start3A_471, %dma_start3A_476] : memref<2x8x128xi32, #tpu.memory_space<vmem>> -> memref<1x1x128xi32, #tpu.memory_space<vmem>>
        %dma_start3A_478 = tpu.memref_squeeze %dma_start3A_477 : memref<1x1x128xi32, #tpu.memory_space<vmem>> -> memref<128xi32, #tpu.memory_space<vmem>>
        %dma_start3A_479 = arith.constant 0 : i32
        %dma_start3A_480 = tpu.memref_slice %arg7[%dma_start3A_479] : memref<102400xi32, #tpu.memory_space<vmem_shared>> -> memref<102400xi32, #tpu.memory_space<vmem_shared>>
        tpu.enqueue_indirect_dma source(%dma_start3A_480 : memref<102400xi32, #tpu.memory_space<vmem_shared>>) target(%dma_start3A_475 : memref<128xi32, #tpu.memory_space<vmem>>) offsets(%dma_start3A_478 : memref<128xi32, #tpu.memory_space<vmem>>) semaphore(%arg15 : memref<!tpu.dma_semaphore, #tpu.memory_space<semaphore_mem>>)
        %dma_start3A_481 = arith.constant 7 : i32
        %dma_start3A_482 = arith.constant 7 : i32
        %dma_start3A_483 = arith.constant 0 : i32
        %dma_start3A_484 = tpu.memref_slice %arg10[%sub3A_221, %dma_start3A_482, %dma_start3A_483] : memref<2x8x128xi32, #tpu.memory_space<vmem>> -> memref<1x1x128xi32, #tpu.memory_space<vmem>>
        %dma_start3A_485 = tpu.memref_squeeze %dma_start3A_484 : memref<1x1x128xi32, #tpu.memory_space<vmem>> -> memref<128xi32, #tpu.memory_space<vmem>>
        %dma_start3A_486 = arith.constant 0 : i32
        %dma_start3A_487 = tpu.memref_slice %arg8[%sub3A_221, %dma_start3A_481, %dma_start3A_486] : memref<2x8x128xi32, #tpu.memory_space<vmem>> -> memref<1x1x128xi32, #tpu.memory_space<vmem>>
        %dma_start3A_488 = tpu.memref_squeeze %dma_start3A_487 : memref<1x1x128xi32, #tpu.memory_space<vmem>> -> memref<128xi32, #tpu.memory_space<vmem>>
        %dma_start3A_489 = arith.constant 0 : i32
        %dma_start3A_490 = tpu.memref_slice %arg7[%dma_start3A_489] : memref<102400xi32, #tpu.memory_space<vmem_shared>> -> memref<102400xi32, #tpu.memory_space<vmem_shared>>
        tpu.enqueue_indirect_dma source(%dma_start3A_490 : memref<102400xi32, #tpu.memory_space<vmem_shared>>) target(%dma_start3A_485 : memref<128xi32, #tpu.memory_space<vmem>>) offsets(%dma_start3A_488 : memref<128xi32, #tpu.memory_space<vmem>>) semaphore(%arg15 : memref<!tpu.dma_semaphore, #tpu.memory_space<semaphore_mem>>)
      } else {
      }
      %scan3A_381 = arith.constant 0 : i32
      scf.yield %scan3A_381 : i32
    }
    %scan3A_183 = arith.constant 49 : i32
    %dma_wait3A_184 = arith.constant 0 : i32
    %dma_wait3A_185 = arith.constant 0 : i32
    %dma_wait3A_186 = arith.constant 0 : i32
    %dma_wait3A_187 = tpu.memref_slice %arg11[%dma_wait3A_184, %dma_wait3A_185, %dma_wait3A_186] : memref<2x8x128xi32, #tpu.memory_space<vmem>> -> memref<1x8x128xi32, #tpu.memory_space<vmem>>
    %dma_wait3A_188 = tpu.memref_squeeze %dma_wait3A_187 : memref<1x8x128xi32, #tpu.memory_space<vmem>> -> memref<8x128xi32, #tpu.memory_space<vmem>>
    %dma_wait3A_189 = arith.constant 0 : i32
    %dma_wait3A_190 = tpu.memref_slice %arg3[%mul3A_26, %dma_wait3A_189] : memref<12544x128xi32, #tpu.memory_space<hbm>> -> memref<8x128xi32, #tpu.memory_space<hbm>>
    %dma_wait3A_191 = arith.constant 0 : i32
    %dma_wait3A_192 = arith.constant 0 : i32
    %dma_wait3A_193 = tpu.memref_slice %arg11[%dma_wait3A_184, %dma_wait3A_191, %dma_wait3A_192] : memref<2x8x128xi32, #tpu.memory_space<vmem>> -> memref<1x8x128xi32, #tpu.memory_space<vmem>>
    %dma_wait3A_194 = tpu.memref_squeeze %dma_wait3A_193 : memref<1x8x128xi32, #tpu.memory_space<vmem>> -> memref<8x128xi32, #tpu.memory_space<vmem>>
    %dma_wait3A_195 = arith.constant 0 : i32
    %dma_wait3A_196 = tpu.memref_slice %arg3[%mul3A_26, %dma_wait3A_195] : memref<12544x128xi32, #tpu.memory_space<hbm>> -> memref<8x128xi32, #tpu.memory_space<hbm>>
    tpu.wait_dma2 semaphore(%arg16 : memref<!tpu.dma_semaphore, #tpu.memory_space<semaphore_mem>>) src(%dma_wait3A_196 : memref<8x128xi32, #tpu.memory_space<hbm>>) dst(%dma_wait3A_194 : memref<8x128xi32, #tpu.memory_space<vmem>>)
    %dma_wait3A_197 = arith.constant 1 : i32
    %dma_wait3A_198 = arith.constant 0 : i32
    %dma_wait3A_199 = arith.constant 0 : i32
    %dma_wait3A_200 = tpu.memref_slice %arg11[%dma_wait3A_197, %dma_wait3A_198, %dma_wait3A_199] : memref<2x8x128xi32, #tpu.memory_space<vmem>> -> memref<1x8x128xi32, #tpu.memory_space<vmem>>
    %dma_wait3A_201 = tpu.memref_squeeze %dma_wait3A_200 : memref<1x8x128xi32, #tpu.memory_space<vmem>> -> memref<8x128xi32, #tpu.memory_space<vmem>>
    %dma_wait3A_202 = arith.constant 0 : i32
    %dma_wait3A_203 = tpu.memref_slice %arg3[%mul3A_26, %dma_wait3A_202] : memref<12544x128xi32, #tpu.memory_space<hbm>> -> memref<8x128xi32, #tpu.memory_space<hbm>>
    %dma_wait3A_204 = arith.constant 0 : i32
    %dma_wait3A_205 = arith.constant 0 : i32
    %dma_wait3A_206 = tpu.memref_slice %arg11[%dma_wait3A_197, %dma_wait3A_204, %dma_wait3A_205] : memref<2x8x128xi32, #tpu.memory_space<vmem>> -> memref<1x8x128xi32, #tpu.memory_space<vmem>>
    %dma_wait3A_207 = tpu.memref_squeeze %dma_wait3A_206 : memref<1x8x128xi32, #tpu.memory_space<vmem>> -> memref<8x128xi32, #tpu.memory_space<vmem>>
    %dma_wait3A_208 = arith.constant 0 : i32
    %dma_wait3A_209 = tpu.memref_slice %arg3[%mul3A_26, %dma_wait3A_208] : memref<12544x128xi32, #tpu.memory_space<hbm>> -> memref<8x128xi32, #tpu.memory_space<hbm>>
    tpu.wait_dma2 semaphore(%arg16 : memref<!tpu.dma_semaphore, #tpu.memory_space<semaphore_mem>>) src(%dma_wait3A_209 : memref<8x128xi32, #tpu.memory_space<hbm>>) dst(%dma_wait3A_207 : memref<8x128xi32, #tpu.memory_space<vmem>>)
    %barrier3A_210 = arith.constant 0 : index
    tpu.barrier barrier_id(%barrier3A_210)
    %mul3A_211 = arith.constant 102400 : i32
    %mul3A_212 = arith.muli %arg1, %mul3A_211 : i32
    %mul3A_213 = arith.constant 16 : i32
    %mul3A_214 = arith.muli %arg0, %mul3A_213 : i32
    %add3A_215 = arith.addi %mul3A_214, %arg1 : i32
    %mul3A_216 = arith.constant 102400 : i32
    %mul3A_217 = arith.muli %add3A_215, %mul3A_216 : i32
    "tpu.region"() ({
      %run_scoped3A = tpu.sem_alloc : memref<!tpu.dma_semaphore, #tpu.memory_space<semaphore_mem>>
      %dma_start3A_218 = tpu.memref_slice %arg5[%mul3A_217] : memref<3276800xf32, #tpu.memory_space<hbm>> -> memref<102400xf32, #tpu.memory_space<hbm>>
      %dma_start3A_219 = tpu.memref_slice %arg6[%mul3A_212] : memref<1638400xf32, #tpu.memory_space<vmem_shared>> -> memref<102400xf32, #tpu.memory_space<vmem_shared>>
      tpu.enqueue_dma source(%dma_start3A_219 : memref<102400xf32, #tpu.memory_space<vmem_shared>>) target(%dma_start3A_218 : memref<102400xf32, #tpu.memory_space<hbm>>) target_semaphore(%run_scoped3A : memref<!tpu.dma_semaphore, #tpu.memory_space<semaphore_mem>>)
      %dma_wait3A_220 = tpu.memref_slice %arg5[%mul3A_217] : memref<3276800xf32, #tpu.memory_space<hbm>> -> memref<102400xf32, #tpu.memory_space<hbm>>
      %dma_wait3A_221 = tpu.memref_slice %arg6[%mul3A_212] : memref<1638400xf32, #tpu.memory_space<vmem_shared>> -> memref<102400xf32, #tpu.memory_space<vmem_shared>>
      tpu.wait_dma2 semaphore(%run_scoped3A : memref<!tpu.dma_semaphore, #tpu.memory_space<semaphore_mem>>) src(%dma_wait3A_221 : memref<102400xf32, #tpu.memory_space<vmem_shared>>) dst(%dma_wait3A_220 : memref<102400xf32, #tpu.memory_space<hbm>>)
      tpu.yield
    }) : () -> ()
    return
  }
}

module attributes {stable_mosaic.version = 14 : i64} {
  func.func @_tc_prep_body(%arg0: i32, %arg1: memref<16x2048xf32, #tpu.memory_space<vmem>>, %arg2: memref<16x2048xf32, #tpu.memory_space<vmem>>, %arg3: memref<1x2048xf32, #tpu.memory_space<vmem>>, %arg4: memref<2x2048xf32, #tpu.memory_space<vmem>>, %arg5: memref<16x2048xf32, #tpu.memory_space<vmem>>, %arg6: memref<1x2048xi32, #tpu.memory_space<vmem>>, %arg7: memref<16x128xf32, #tpu.memory_space<vmem>>) attributes {dimension_semantics = [#tpu.dimension_semantics<arbitrary>], iteration_bounds = array<i64: 50>, scalar_prefetch = 0 : i64, scratch_operands = 0 : i64, tpu.core_type = #tpu.core_type<tc>, window_params = [{transform_indices = @transform_0, window_bounds = array<i64: 16, 2048>}, {transform_indices = @transform_1, window_bounds = array<i64: 16, 2048>}, {transform_indices = @transform_2, window_bounds = array<i64: 1, 2048>}, {transform_indices = @transform_3, window_bounds = array<i64: 2, 2048>}, {transform_indices = @transform_4, window_bounds = array<i64: 16, 2048>}, {transform_indices = @transform_5, window_bounds = array<i64: 1, 2048>}, {pipeline_mode = #tpu.pipeline_mode<synchronous>, transform_indices = @transform_6, window_bounds = array<i64: 16, 128>}]} {
    %get3A = arith.constant 0 : index
    %get3A_0 = arith.constant 0 : index
    %get3A_1 = vector.load %arg1[%get3A, %get3A_0] : memref<16x2048xf32, #tpu.memory_space<vmem>>, vector<16x2048xf32>
    %get3A_2 = arith.constant 0 : index
    %get3A_3 = arith.constant 0 : index
    %get3A_4 = vector.load %arg2[%get3A_2, %get3A_3] : memref<16x2048xf32, #tpu.memory_space<vmem>>, vector<16x2048xf32>
    %get3A_5 = arith.constant 0 : index
    %get3A_6 = arith.constant 0 : index
    %get3A_7 = vector.load %arg3[%get3A_5, %get3A_6] : memref<1x2048xf32, #tpu.memory_space<vmem>>, vector<1x2048xf32>
    %get3A_8 = arith.constant 0 : index
    %get3A_9 = arith.constant 0 : index
    %get3A_10 = vector.load %arg4[%get3A_8, %get3A_9] : memref<2x2048xf32, #tpu.memory_space<vmem>>, vector<1x2048xf32>
    %get3A_11 = arith.constant 1 : index
    %get3A_12 = arith.constant 0 : index
    %get3A_13 = vector.load %arg4[%get3A_11, %get3A_12] : memref<2x2048xf32, #tpu.memory_space<vmem>>, vector<1x2048xf32>
    %add3A = arith.addf %get3A_10, %get3A_13 : vector<1x2048xf32>
    %gt3A = arith.constant 0.000000e+00 : f32
    %gt3A_14 = vector.broadcast %gt3A : f32 to vector<1x2048xf32>
    %gt3A_15 = arith.cmpf ogt, %add3A, %gt3A_14 : vector<1x2048xf32>
    %rsqrt3A = math.rsqrt %add3A : vector<1x2048xf32>
    %jit3A = arith.constant 0.000000e+00 : f32
    %broadcast_in_dim3A = vector.broadcast %jit3A : f32 to vector<1x2048xf32>
    %select_n3A = arith.select %gt3A_15, %rsqrt3A, %broadcast_in_dim3A : vector<1x2048xi1>, vector<1x2048xf32>
    %reduce_max3A = arith.constant dense<0xFF800000> : vector<2048xf32>
    %reduce_max3A_16 = vector.multi_reduction <maximumf>, %get3A_4, %reduce_max3A [0] : vector<16x2048xf32> to vector<2048xf32>
    %broadcast_in_dim3A_17 = vector.shape_cast %reduce_max3A_16 : vector<2048xf32> to vector<1x2048xf32>
    %sub3A = vector.broadcast %broadcast_in_dim3A_17 : vector<1x2048xf32> to vector<16x2048xf32>
    %sub3A_18 = arith.subf %get3A_4, %sub3A : vector<16x2048xf32>
    %exp3A = math.exp %sub3A_18 : vector<16x2048xf32>
    %reduce_sum3A = arith.constant dense<0.000000e+00> : vector<2048xf32>
    %reduce_sum3A_19 = vector.multi_reduction <add>, %exp3A, %reduce_sum3A [0] : vector<16x2048xf32> to vector<2048xf32>
    %broadcast_in_dim3A_20 = vector.shape_cast %reduce_sum3A_19 : vector<2048xf32> to vector<1x2048xf32>
    %div3A = vector.broadcast %broadcast_in_dim3A_20 : vector<1x2048xf32> to vector<16x2048xf32>
    %div3A_21 = arith.divf %exp3A, %div3A : vector<16x2048xf32>
    %sub3A_22 = arith.constant 1.000000e+00 : f32
    %sub3A_23 = vector.broadcast %sub3A_22 : f32 to vector<1x2048xf32>
    %sub3A_24 = arith.subf %sub3A_23, %get3A_7 : vector<1x2048xf32>
    %mul3A = vector.broadcast %sub3A_24 : vector<1x2048xf32> to vector<16x2048xf32>
    %mul3A_25 = arith.mulf %div3A_21, %mul3A : vector<16x2048xf32>
    %mul3A_26 = vector.broadcast %get3A_7 : vector<1x2048xf32> to vector<16x2048xf32>
    %mul3A_27 = arith.mulf %get3A_1, %mul3A_26 : vector<16x2048xf32>
    %add3A_28 = arith.addf %mul3A_25, %mul3A_27 : vector<16x2048xf32>
    %mul3A_29 = vector.broadcast %select_n3A : vector<1x2048xf32> to vector<16x2048xf32>
    %mul3A_30 = arith.mulf %add3A_28, %mul3A_29 : vector<16x2048xf32>
    %swap3A = arith.constant 0 : index
    %swap3A_31 = arith.constant 0 : index
    %swap3A_32 = vector.load %arg5[%swap3A, %swap3A_31] : memref<16x2048xf32, #tpu.memory_space<vmem>>, vector<16x2048xf32>
    tpu.vector_store %arg5[%swap3A, %swap3A_31], %mul3A_30 {strides = array<i32>} : memref<16x2048xf32, #tpu.memory_space<vmem>>, vector<16x2048xf32>,
    %iota3A = tpu.iota {dimensions = array<i32: 0>} : vector<16x2048xi32>
    %convert_element_type3A = arith.sitofp %iota3A : vector<16x2048xi32> to vector<16x2048xf32>
    %mul3A_33 = arith.mulf %get3A_1, %convert_element_type3A : vector<16x2048xf32>
    %reduce_sum3A_34 = arith.constant dense<0.000000e+00> : vector<2048xf32>
    %reduce_sum3A_35 = vector.multi_reduction <add>, %mul3A_33, %reduce_sum3A_34 [0] : vector<16x2048xf32> to vector<2048xf32>
    %broadcast_in_dim3A_36 = vector.shape_cast %reduce_sum3A_35 : vector<2048xf32> to vector<1x2048xf32>
    %convert_element_type3A_37 = arith.fptosi %broadcast_in_dim3A_36 : vector<1x2048xf32> to vector<1x2048xi32>
    %mul3A_38 = arith.mulf %get3A_7, %select_n3A : vector<1x2048xf32>
    %bitcast_convert_type3A = tpu.bitcast %mul3A_38 : vector<1x2048xf32> -> vector<1x2048xi32>
    %and3A = arith.constant -16 : i32
    %and3A_39 = vector.broadcast %and3A : i32 to vector<1x2048xi32>
    %and3A_40 = arith.andi %bitcast_convert_type3A, %and3A_39 : vector<1x2048xi32>
    %or3A = arith.ori %and3A_40, %convert_element_type3A_37 : vector<1x2048xi32>
    %swap3A_41 = arith.constant 0 : index
    %swap3A_42 = arith.constant 0 : index
    %swap3A_43 = vector.load %arg6[%swap3A_41, %swap3A_42] : memref<1x2048xi32, #tpu.memory_space<vmem>>, vector<1x2048xi32>
    tpu.vector_store %arg6[%swap3A_41, %swap3A_42], %or3A {strides = array<i32>} : memref<1x2048xi32, #tpu.memory_space<vmem>>, vector<1x2048xi32>,
    %mul3A_44 = vector.broadcast %get3A_7 : vector<1x2048xf32> to vector<16x2048xf32>
    %mul3A_45 = arith.mulf %get3A_1, %mul3A_44 : vector<16x2048xf32>
    %reduce_sum3A_46 = arith.constant dense<0.000000e+00> : vector<16xf32>
    %reduce_sum3A_47 = vector.multi_reduction <add>, %mul3A_45, %reduce_sum3A_46 [1] : vector<16x2048xf32> to vector<16xf32>
    %broadcast_in_dim3A_48 = vector.shape_cast %reduce_sum3A_47 : vector<16xf32> to vector<16x1xf32>
    %eq3A = arith.constant 0 : i32
    %eq3A_49 = arith.cmpi eq, %arg0, %eq3A : i32
    %convert_element_type3A_50 = arith.extui %eq3A_49 : i1 to i32
    %cond3A = arith.constant 0 : i32
    %cond3A_51 = arith.cmpi ne, %convert_element_type3A_50, %cond3A : i32
    scf.if %cond3A_51 {
      %broadcast_in_dim3A_61 = arith.constant 0.000000e+00 : f32
      %broadcast_in_dim3A_62 = vector.broadcast %broadcast_in_dim3A_61 : f32 to vector<16x128xf32>
      %swap3A_63 = arith.constant 0 : index
      %swap3A_64 = arith.constant 0 : index
      %swap3A_65 = vector.load %arg7[%swap3A_63, %swap3A_64] : memref<16x128xf32, #tpu.memory_space<vmem>>, vector<16x128xf32>
      tpu.vector_store %arg7[%swap3A_63, %swap3A_64], %broadcast_in_dim3A_62 {strides = array<i32>} : memref<16x128xf32, #tpu.memory_space<vmem>>, vector<16x128xf32>,
    } else {
    }
    %get3A_52 = arith.constant 0 : index
    %get3A_53 = arith.constant 0 : index
    %get3A_54 = vector.load %arg7[%get3A_52, %get3A_53] : memref<16x128xf32, #tpu.memory_space<vmem>>, vector<16x128xf32>
    %broadcast_in_dim3A_55 = vector.shape_cast %broadcast_in_dim3A_48 : vector<16x1xf32> to vector<16x1xf32>
    %broadcast_in_dim3A_56 = vector.broadcast %broadcast_in_dim3A_55 : vector<16x1xf32> to vector<16x128xf32>
    %add3A_57 = arith.addf %get3A_54, %broadcast_in_dim3A_56 : vector<16x128xf32>
    %swap3A_58 = arith.constant 0 : index
    %swap3A_59 = arith.constant 0 : index
    %swap3A_60 = vector.load %arg7[%swap3A_58, %swap3A_59] : memref<16x128xf32, #tpu.memory_space<vmem>>, vector<16x128xf32>
    tpu.vector_store %arg7[%swap3A_58, %swap3A_59], %add3A_57 {strides = array<i32>} : memref<16x128xf32, #tpu.memory_space<vmem>>, vector<16x128xf32>,
    return
  }
  func.func @transform_0(%arg0: i32) -> (i32, i32) {
    %c0_i32 = arith.constant 0 : i32
    %c0_i32_0 = arith.constant 0 : i32
    return %c0_i32, %arg0 : i32, i32
  }
  func.func @transform_1(%arg0: i32) -> (i32, i32) {
    %c0_i32 = arith.constant 0 : i32
    %c0_i32_0 = arith.constant 0 : i32
    return %c0_i32, %arg0 : i32, i32
  }
  func.func @transform_2(%arg0: i32) -> (i32, i32) {
    %c0_i32 = arith.constant 0 : i32
    %c0_i32_0 = arith.constant 0 : i32
    return %c0_i32, %arg0 : i32, i32
  }
  func.func @transform_3(%arg0: i32) -> (i32, i32) {
    %c0_i32 = arith.constant 0 : i32
    %c0_i32_0 = arith.constant 0 : i32
    return %c0_i32, %arg0 : i32, i32
  }
  func.func @transform_4(%arg0: i32) -> (i32, i32) {
    %c0_i32 = arith.constant 0 : i32
    %c0_i32_0 = arith.constant 0 : i32
    return %c0_i32, %arg0 : i32, i32
  }
  func.func @transform_5(%arg0: i32) -> (i32, i32) {
    %c0_i32 = arith.constant 0 : i32
    %c0_i32_0 = arith.constant 0 : i32
    return %c0_i32, %arg0 : i32, i32
  }
  func.func @transform_6(%arg0: i32) -> (i32, i32) {
    %c0_i32 = arith.constant 0 : i32
    %c0_i32_0 = arith.constant 0 : i32
    %c0_i32_1 = arith.constant 0 : i32
    return %c0_i32, %c0_i32_0 : i32, i32
  }
}

module attributes {stable_mosaic.version = 14 : i64} {
  func.func @_tc_finish_body(%arg0: i32, %arg1: memref<2x16x512xf32, #tpu.memory_space<vmem>>, %arg2: memref<16x512xf32, #tpu.memory_space<vmem>>, %arg3: memref<16x128xf32, #tpu.memory_space<vmem>>, %arg4: memref<16x16xf32, #tpu.memory_space<vmem>>, %arg5: memref<16x16xf32, #tpu.memory_space<vmem>>, %arg6: memref<16x16xf32, #tpu.memory_space<vmem>>) attributes {dimension_semantics = [#tpu.dimension_semantics<arbitrary>], iteration_bounds = array<i64: 200>, scalar_prefetch = 0 : i64, scratch_operands = 2 : i64, tpu.core_type = #tpu.core_type<tc>, window_params = [{transform_indices = @transform_0, window_bounds = array<i64: 2, 16, 512>}, {transform_indices = @transform_1, window_bounds = array<i64: 16, 512>}, {pipeline_mode = #tpu.pipeline_mode<synchronous>, transform_indices = @transform_2, window_bounds = array<i64: 16, 128>}, {pipeline_mode = #tpu.pipeline_mode<synchronous>, transform_indices = @transform_3, window_bounds = array<i64: 16, 16>}]} {
    %eq3A = arith.constant 0 : i32
    %eq3A_0 = arith.cmpi eq, %arg0, %eq3A : i32
    %convert_element_type3A = arith.extui %eq3A_0 : i1 to i32
    %cond3A = arith.constant 0 : i32
    %cond3A_1 = arith.cmpi ne, %convert_element_type3A, %cond3A : i32
    scf.if %cond3A_1 {
      %broadcast_in_dim3A = arith.constant 0.000000e+00 : f32
      %broadcast_in_dim3A_35 = vector.broadcast %broadcast_in_dim3A : f32 to vector<16x16xf32>
      %swap3A_36 = arith.constant 0 : index
      %swap3A_37 = arith.constant 0 : index
      %swap3A_38 = vector.load %arg5[%swap3A_36, %swap3A_37] : memref<16x16xf32, #tpu.memory_space<vmem>>, vector<16x16xf32>
      tpu.vector_store %arg5[%swap3A_36, %swap3A_37], %broadcast_in_dim3A_35 {strides = array<i32>} : memref<16x16xf32, #tpu.memory_space<vmem>>, vector<16x16xf32>,
      %broadcast_in_dim3A_39 = arith.constant 0.000000e+00 : f32
      %broadcast_in_dim3A_40 = vector.broadcast %broadcast_in_dim3A_39 : f32 to vector<16x16xf32>
      %swap3A_41 = arith.constant 0 : index
      %swap3A_42 = arith.constant 0 : index
      %swap3A_43 = vector.load %arg6[%swap3A_41, %swap3A_42] : memref<16x16xf32, #tpu.memory_space<vmem>>, vector<16x16xf32>
      tpu.vector_store %arg6[%swap3A_41, %swap3A_42], %broadcast_in_dim3A_40 {strides = array<i32>} : memref<16x16xf32, #tpu.memory_space<vmem>>, vector<16x16xf32>,
    } else {
    }
    %get3A = arith.constant 0 : index
    %get3A_2 = arith.constant 0 : index
    %get3A_3 = arith.constant 0 : index
    %get3A_4 = vector.load %arg1[%get3A, %get3A_2, %get3A_3] : memref<2x16x512xf32, #tpu.memory_space<vmem>>, vector<1x16x512xf32>
    %get3A_5 = vector.shape_cast %get3A_4 : vector<1x16x512xf32> to vector<16x512xf32>
    %get3A_6 = arith.constant 1 : index
    %get3A_7 = arith.constant 0 : index
    %get3A_8 = arith.constant 0 : index
    %get3A_9 = vector.load %arg1[%get3A_6, %get3A_7, %get3A_8] : memref<2x16x512xf32, #tpu.memory_space<vmem>>, vector<1x16x512xf32>
    %get3A_10 = vector.shape_cast %get3A_9 : vector<1x16x512xf32> to vector<16x512xf32>
    %add3A = arith.addf %get3A_5, %get3A_10 : vector<16x512xf32>
    %get3A_11 = arith.constant 0 : index
    %get3A_12 = arith.constant 0 : index
    %get3A_13 = vector.load %arg2[%get3A_11, %get3A_12] : memref<16x512xf32, #tpu.memory_space<vmem>>, vector<16x512xf32>
    %get3A_14 = arith.constant 0 : index
    %get3A_15 = arith.constant 0 : index
    %get3A_16 = vector.load %arg5[%get3A_14, %get3A_15] : memref<16x16xf32, #tpu.memory_space<vmem>>, vector<16x16xf32>
    %dot_general3A = arith.constant dense<0.000000e+00> : vector<16x16xf32>
    %dot_general3A_17 = tpu.matmul %add3A, %get3A_13, %dot_general3A {dimension_numbers = #tpu.dot_dimension_numbers<[1], [1], [0], [0], [0, 0, 1, 0], [], []>, transpose_lhs_hint = false} : vector<16x512xf32>, vector<16x512xf32>, vector<16x16xf32> -> vector<16x16xf32>
    %add3A_18 = arith.addf %get3A_16, %dot_general3A_17 : vector<16x16xf32>
    %swap3A = arith.constant 0 : index
    %swap3A_19 = arith.constant 0 : index
    %swap3A_20 = vector.load %arg5[%swap3A, %swap3A_19] : memref<16x16xf32, #tpu.memory_space<vmem>>, vector<16x16xf32>
    tpu.vector_store %arg5[%swap3A, %swap3A_19], %add3A_18 {strides = array<i32>} : memref<16x16xf32, #tpu.memory_space<vmem>>, vector<16x16xf32>,
    %get3A_21 = arith.constant 0 : index
    %get3A_22 = arith.constant 0 : index
    %get3A_23 = vector.load %arg6[%get3A_21, %get3A_22] : memref<16x16xf32, #tpu.memory_space<vmem>>, vector<16x16xf32>
    %dot_general3A_24 = arith.constant dense<0.000000e+00> : vector<16x16xf32>
    %dot_general3A_25 = tpu.matmul %get3A_13, %add3A, %dot_general3A_24 {dimension_numbers = #tpu.dot_dimension_numbers<[1], [1], [0], [0], [0, 0, 1, 0], [], []>, transpose_lhs_hint = false} : vector<16x512xf32>, vector<16x512xf32>, vector<16x16xf32> -> vector<16x16xf32>
    %add3A_26 = arith.addf %get3A_23, %dot_general3A_25 : vector<16x16xf32>
    %swap3A_27 = arith.constant 0 : index
    %swap3A_28 = arith.constant 0 : index
    %swap3A_29 = vector.load %arg6[%swap3A_27, %swap3A_28] : memref<16x16xf32, #tpu.memory_space<vmem>>, vector<16x16xf32>
    tpu.vector_store %arg6[%swap3A_27, %swap3A_28], %add3A_26 {strides = array<i32>} : memref<16x16xf32, #tpu.memory_space<vmem>>, vector<16x16xf32>,
    %eq3A_30 = arith.constant 199 : i32
    %eq3A_31 = arith.cmpi eq, %arg0, %eq3A_30 : i32
    %convert_element_type3A_32 = arith.extui %eq3A_31 : i1 to i32
    %cond3A_33 = arith.constant 0 : i32
    %cond3A_34 = arith.cmpi ne, %convert_element_type3A_32, %cond3A_33 : i32
    scf.if %cond3A_34 {
      %get3A_35 = arith.constant 0 : index
      %get3A_36 = arith.constant 0 : index
      %get3A_37 = vector.load %arg5[%get3A_35, %get3A_36] : memref<16x16xf32, #tpu.memory_space<vmem>>, vector<16x16xf32>
      %get3A_38 = arith.constant 0 : index
      %get3A_39 = arith.constant 0 : index
      %get3A_40 = vector.load %arg6[%get3A_38, %get3A_39] : memref<16x16xf32, #tpu.memory_space<vmem>>, vector<16x16xf32>
      %get3A_41 = arith.constant 0 : index
      %get3A_42 = arith.constant 0 : index
      %get3A_43 = vector.load %arg3[%get3A_41, %get3A_42] : memref<16x128xf32, #tpu.memory_space<vmem>>, vector<16x1xf32>
      %iota3A = tpu.iota {dimensions = array<i32: 0>} : vector<16x16xi32>
      %iota3A_44 = tpu.iota {dimensions = array<i32: 1>} : vector<16x16xi32>
      %eq3A_45 = arith.cmpi eq, %iota3A, %iota3A_44 : vector<16x16xi32>
      %get3A_46 = arith.constant 0 : index
      %get3A_47 = arith.constant 0 : index
      %get3A_48 = vector.load %arg3[%get3A_46, %get3A_47] : memref<16x128xf32, #tpu.memory_space<vmem>>, vector<16x16xf32>
      %jit3A = arith.constant 0.000000e+00 : f32
      %broadcast_in_dim3A = vector.broadcast %jit3A : f32 to vector<16x16xf32>
      %select_n3A = arith.select %eq3A_45, %get3A_48, %broadcast_in_dim3A : vector<16x16xi1>, vector<16x16xf32>
      %reduce_sum3A = arith.constant dense<0.000000e+00> : vector<16xf32>
      %reduce_sum3A_49 = vector.multi_reduction <add>, %select_n3A, %reduce_sum3A [0] : vector<16x16xf32> to vector<16xf32>
      %broadcast_in_dim3A_50 = vector.shape_cast %reduce_sum3A_49 : vector<16xf32> to vector<1x16xf32>
      %eq3A_51 = arith.constant 0.000000e+00 : f32
      %eq3A_52 = vector.broadcast %eq3A_51 : f32 to vector<16x1xf32>
      %eq3A_53 = arith.cmpf oeq, %get3A_43, %eq3A_52 : vector<16x1xf32>
      %eq3A_54 = arith.constant 0.000000e+00 : f32
      %eq3A_55 = vector.broadcast %eq3A_54 : f32 to vector<1x16xf32>
      %eq3A_56 = arith.cmpf oeq, %broadcast_in_dim3A_50, %eq3A_55 : vector<1x16xf32>
      %jit3A_57 = arith.constant 1.000000e+00 : f32
      %broadcast_in_dim3A_58 = vector.broadcast %jit3A_57 : f32 to vector<16x1xf32>
      %select_n3A_59 = arith.select %eq3A_53, %broadcast_in_dim3A_58, %get3A_43 : vector<16x1xi1>, vector<16x1xf32>
      %div3A = vector.broadcast %select_n3A_59 : vector<16x1xf32> to vector<16x16xf32>
      %div3A_60 = arith.divf %get3A_37, %div3A : vector<16x16xf32>
      %jit3A_61 = arith.constant 1.000000e+00 : f32
      %broadcast_in_dim3A_62 = vector.broadcast %jit3A_61 : f32 to vector<1x16xf32>
      %select_n3A_63 = arith.select %eq3A_56, %broadcast_in_dim3A_62, %broadcast_in_dim3A_50 : vector<1x16xi1>, vector<1x16xf32>
      %div3A_64 = vector.broadcast %select_n3A_63 : vector<1x16xf32> to vector<16x16xf32>
      %div3A_65 = arith.divf %get3A_40, %div3A_64 : vector<16x16xf32>
      %broadcast_in_dim3A_66 = vector.shape_cast %eq3A_53 : vector<16x1xi1> to vector<16x1xi1>
      %broadcast_in_dim3A_67 = vector.broadcast %broadcast_in_dim3A_66 : vector<16x1xi1> to vector<16x16xi1>
      %select_n3A_68 = arith.select %broadcast_in_dim3A_67, %div3A_65, %div3A_60 : vector<16x16xi1>, vector<16x16xf32>
      %and3A = vector.broadcast %eq3A_53 : vector<16x1xi1> to vector<16x16xi1>
      %and3A_69 = vector.broadcast %eq3A_56 : vector<1x16xi1> to vector<16x16xi1>
      %and3A_70 = arith.andi %and3A, %and3A_69 : vector<16x16xi1>
      %jit3A_71 = arith.constant 0.000000e+00 : f32
      %broadcast_in_dim3A_72 = vector.broadcast %jit3A_71 : f32 to vector<16x16xf32>
      %select_n3A_73 = arith.select %and3A_70, %broadcast_in_dim3A_72, %select_n3A_68 : vector<16x16xi1>, vector<16x16xf32>
      %reduce_sum3A_74 = arith.constant dense<0.000000e+00> : vector<16xf32>
      %reduce_sum3A_75 = vector.multi_reduction <add>, %select_n3A_73, %reduce_sum3A_74 [1] : vector<16x16xf32> to vector<16xf32>
      %broadcast_in_dim3A_76 = vector.shape_cast %reduce_sum3A_75 : vector<16xf32> to vector<16x1xf32>
      %convert_element_type3A_77 = arith.extui %eq3A_53 : vector<16x1xi1> to vector<16x1xi32>
      %convert_element_type3A_78 = arith.sitofp %convert_element_type3A_77 : vector<16x1xi32> to vector<16x1xf32>
      %reduce_sum3A_79 = vector.shape_cast %convert_element_type3A_78 : vector<16x1xf32> to vector<1x16x1xf32>
      %reduce_sum3A_80 = arith.constant dense<0.000000e+00> : vector<1xf32>
      %reduce_sum3A_81 = vector.multi_reduction <add>, %reduce_sum3A_79, %reduce_sum3A_80 [1, 2] : vector<1x16x1xf32> to vector<1xf32>
      %reduce_sum3A_82 = vector.shape_cast %reduce_sum3A_81 : vector<1xf32> to vector<1x1x1xf32>
      %reduce_sum3A_83 = vector.extract %reduce_sum3A_82[0, 0, 0] : f32 from vector<1x1x1xf32>
      %max3A = arith.constant 1.000000e+00 : f32
      %max3A_84 = arith.maximumf %reduce_sum3A_83, %max3A : f32
      %jit3A_85 = arith.constant 1.000000e+00 : f32
      %broadcast_in_dim3A_86 = vector.broadcast %max3A_84 : f32 to vector<16x1xf32>
      %broadcast_in_dim3A_87 = vector.broadcast %jit3A_85 : f32 to vector<16x1xf32>
      %select_n3A_88 = arith.select %eq3A_53, %broadcast_in_dim3A_86, %broadcast_in_dim3A_87 : vector<16x1xi1>, vector<16x1xf32>
      %sub3A = arith.constant 1.000000e+00 : f32
      %sub3A_89 = vector.broadcast %sub3A : f32 to vector<16x1xf32>
      %sub3A_90 = arith.subf %sub3A_89, %broadcast_in_dim3A_76 : vector<16x1xf32>
      %div3A_91 = arith.divf %sub3A_90, %select_n3A_88 : vector<16x1xf32>
      %broadcast_in_dim3A_92 = vector.shape_cast %div3A_91 : vector<16x1xf32> to vector<16x1xf32>
      %broadcast_in_dim3A_93 = vector.broadcast %broadcast_in_dim3A_92 : vector<16x1xf32> to vector<16x16xf32>
      %select_n3A_94 = arith.select %and3A_70, %broadcast_in_dim3A_93, %select_n3A_73 : vector<16x16xi1>, vector<16x16xf32>
      %scan3A = arith.constant 0 : i32
      %scan3A_95 = arith.constant 100 : i32
      %scan3A_96 = arith.addi %scan3A, %scan3A_95 : i32
      %scan3A_97 = arith.constant 1 : i32
      %scan3A_98 = scf.for %scan3A_102 = %scan3A to %scan3A_96 step %scan3A_97 iter_args(%scan3A_103 = %select_n3A_94) -> (vector<16x16xf32>)  : i32 {
        %reduce_sum3A_104 = arith.constant dense<0.000000e+00> : vector<16xf32>
        %reduce_sum3A_105 = vector.multi_reduction <add>, %scan3A_103, %reduce_sum3A_104 [0] : vector<16x16xf32> to vector<16xf32>
        %broadcast_in_dim3A_106 = vector.shape_cast %reduce_sum3A_105 : vector<16xf32> to vector<1x16xf32>
        %div3A_107 = vector.broadcast %broadcast_in_dim3A_106 : vector<1x16xf32> to vector<16x16xf32>
        %div3A_108 = arith.divf %scan3A_103, %div3A_107 : vector<16x16xf32>
        %reduce_sum3A_109 = arith.constant dense<0.000000e+00> : vector<16xf32>
        %reduce_sum3A_110 = vector.multi_reduction <add>, %div3A_108, %reduce_sum3A_109 [1] : vector<16x16xf32> to vector<16xf32>
        %broadcast_in_dim3A_111 = vector.shape_cast %reduce_sum3A_110 : vector<16xf32> to vector<16x1xf32>
        %div3A_112 = vector.broadcast %broadcast_in_dim3A_111 : vector<16x1xf32> to vector<16x16xf32>
        %div3A_113 = arith.divf %div3A_108, %div3A_112 : vector<16x16xf32>
        scf.yield %div3A_113 : vector<16x16xf32>
      }
      %swap3A_99 = arith.constant 0 : index
      %swap3A_100 = arith.constant 0 : index
      %swap3A_101 = vector.load %arg4[%swap3A_99, %swap3A_100] : memref<16x16xf32, #tpu.memory_space<vmem>>, vector<16x16xf32>
      tpu.vector_store %arg4[%swap3A_99, %swap3A_100], %scan3A_98 {strides = array<i32>} : memref<16x16xf32, #tpu.memory_space<vmem>>, vector<16x16xf32>,
    } else {
    }
    return
  }
  func.func @transform_0(%arg0: i32) -> (i32, i32, i32) {
    %c0_i32 = arith.constant 0 : i32
    %c0_i32_0 = arith.constant 0 : i32
    %c0_i32_1 = arith.constant 0 : i32
    return %c0_i32, %c0_i32_0, %arg0 : i32, i32, i32
  }
  func.func @transform_1(%arg0: i32) -> (i32, i32) {
    %c0_i32 = arith.constant 0 : i32
    %c0_i32_0 = arith.constant 0 : i32
    return %c0_i32, %arg0 : i32, i32
  }
  func.func @transform_2(%arg0: i32) -> (i32, i32) {
    %c0_i32 = arith.constant 0 : i32
    %c0_i32_0 = arith.constant 0 : i32
    %c0_i32_1 = arith.constant 0 : i32
    return %c0_i32, %c0_i32_0 : i32, i32
  }
  func.func @transform_3(%arg0: i32) -> (i32, i32) {
    %c0_i32 = arith.constant 0 : i32
    %c0_i32_0 = arith.constant 0 : i32
    %c0_i32_1 = arith.constant 0 : i32
    return %c0_i32, %c0_i32_0 : i32, i32
  }
}

</mosaic_0001>

<sc_bundles>
// kernel: kernel.6.cloned.1.call-start
scs
__scs_entry_jumppad:
0x0: {  	(pc) =	sbr.rel $0x88, $3  }
0x1: {  	(tag) =	ssettag $0x0;
	lr =	simm.s32 $0x1  }
0x2: {  	[smem:$0x3F9D] =	sst lr;
	_ =	strace $0xD0000000  }
0x3: {  	_ = 	snop  }
0x4: {  	_ = 	snop  }
0x5: {  	_ = 	snop  }
0x6: {  	_ = 	snop  }
0x7: {  	_ = 	snop  }
__scs_overlays_trampoline_lowered:
0x8: {  	[smem:$0x3FAC] =	sst s0  }
0x9: {  	[smem:$0x3FAD] =	sst s1  }
0xa: {  	[smem:$0x3FAE] =	sst s2  }
0xb: {  	[smem:$0x3FAF] =	sst s3  }
0xc: {  	[smem:$0x3FB0] =	sst s4  }
0xd: {  	[smem:$0x3FB1] =	sst s5  }
0xe: {  	[smem:$0x3FB2] =	sst s6  }
0xf: {  	[smem:$0x3FB3] =	sst s7  }
0x10: {  	[smem:$0x3FB4] =	sst s8  }
0x11: {  	[smem:$0x3FB5] =	sst s9;
	s0 =	simm.s32 @!p0 $0x0  }
0x12: {  	s1 =	sld [smem:$0x3F9B];
	s0 =	simm.s32 @p0 $0x1  }
0x13: {  	[smem:$0x3FB6] =	sst s0;
	s0 =	simm.s32 @!p1 $0x0  }
0x14: {  	s2 =	sld [smem:$0x3F9A];
	s0 =	simm.s32 @p1 $0x1  }
0x15: {  	[smem:$0x3FB7] =	sst s0;
	s0 =	simm.s32 @!p2 $0x0  }
0x16: {  	s3 =	sld [smem:$0x3FDB];
	s0 =	simm.s32 @p2 $0x1  }
0x17: {  	s4 =	simm.s32 $0x1BF5;
	[smem:$0x3FB9] =	sst s0  }
0x18: {  	s0 =	sld [smem:$0x3F9C];
	_ =	swait.ge [sflag:s4], $0x0  }
0x19: {  	s7 =	sld [smem:$0x3F9D]  }
0x1a: {  	s8 =	sadd.s32 $0xFFFFE003, lr  }
0x1b: {  	s9 =	sadd.s32 $0xFFFFFEF7, lr;
	s5 =	simm.s32 $0xFFFFFFFF;
	p2 =	slt.u32 s8, $0xFFFFF086  }
0x1c: {  	p1 =	slt.u32 s9, $0xF7A;
	s5 =	simm.s32 @!p2 $0x0  }
0x1d: {  	s5 =	simm.s32 @p1 $0x1;
	p0 =	seq.s32 s7, s2  }
0x1e: {  	s7 =	smul.u32 @!p0 $0xF7A, s2;
	p2 =	seq.s32 @!p0 s5, $0x0  }
0x1f: {  	s9 =	smul.u32 $0xF7A, s1;
	s8 =	simm.s32 @!p0 $0x1BF5;
	p2 =	por !p2, p0  }
0x20: {  	[sflag:s8] =	ssyncset.s32 @!p0 $0xFFFFF086;
	s6 =	sadd.s32 @!p0 s3, s7;
	s7 =	simm.s32 @!p0 $0x108  }
0x21: {  	s3 =	sadd.s32 s3, s9;
	s6 =	sadd.s32 @!p0 $0x88, s6;
	s7 =	simm.s32 @p2 $0x1082  }
0x22: {  	[simem:s7], [sflag:s8] =	dma.local @!p0 [hbm:s6], $0xF7A  }
0x23: {  	s9 =	sor.u32 $0xD0000000, s2;
	s6 =	simm.s32 $0x108;
	_ =	swait.ge @!p0 [sflag:s8], $0x0  }
0x24: {  	s3 =	sadd.s32 $0x88, s3;
	s6 =	simm.s32 @!p1 $0x1082;
	[sflag:s4] =	ssyncset.s32 $0xFFFFF086  }
0x25: {  	[simem:s6], [sflag:s4] =	dma.local [hbm:s3], $0xF7A  }
0x26: {  	[smem:$0x3F9D] =	sst s1;
	(tag) =	ssettag s2;
	_ =	strace s9  }
0x27: {  	s1 =	sld [smem:$0x3FAD]  }
0x28: {  	s2 =	sld [smem:$0x3FAE]  }
0x29: {  	s4 =	sld [smem:$0x3FB0]  }
0x2a: {  	p0 =	seq.s32 s5, $0x0;
	s5 =	sld [smem:$0x3FB1]  }
0x2b: {  	s6 =	sld [smem:$0x3FB2]  }
0x2c: {  	s7 =	sld [smem:$0x3FB3]  }
0x2d: {  	s3 =	simm.s32 $0x108;
	s8 =	sld [smem:$0x3FB4]  }
0x2e: {  	s3 =	simm.s32 @!p0 $0x1082;
	s9 =	sld [smem:$0x3FB5]  }
0x2f: {  	lr =	sadd.s32 s0, s3;
	s0 =	sld [smem:$0x3FAC]  }
0x30: {  	s3 =	sld [smem:$0x3FAF]  }
0x31: {  	[smem:$0x3FB8] =	sst s10  }
0x32: {  	s10 =	sld [smem:$0x3FB6];
	_ =	sdelay $0x3  }
0x33: {  	p0 =	seq.s32 s10, $0x1;
	s10 =	sld [smem:$0x3FB8];
	_ =	sdelay $0x3  }
0x34: {  	[smem:$0x3FB8] =	sst s10  }
0x35: {  	s10 =	sld [smem:$0x3FB7];
	_ =	sdelay $0x3  }
0x36: {  	p1 =	seq.s32 s10, $0x1;
	s10 =	sld [smem:$0x3FB8];
	_ =	sdelay $0x3  }
0x37: {  	[smem:$0x3FB8] =	sst s10  }
0x38: {  	s10 =	sld [smem:$0x3FB9]  }
0x39: {  	_ = 	snop;
	(pc) =	sbr.ind lr, $3  }
0x3a: {  	_ = 	snop  }
0x3b: {  	_ = 	snop  }
0x3c: {  	p2 =	seq.s32 s10, $0x1;
	s10 =	sld [smem:$0x3FB8]  }
0x3d: {  	_ =	shalt  }
0x3e: {  	_ =	shalt  }
0x3f: {  	_ =	shalt  }
0x40: {  	_ =	shalt  }
0x41: {  	_ =	shalt  }
0x42: {  	_ =	shalt  }
0x43: {  	_ =	shalt  }
0x44: {  	_ =	shalt  }
0x45: {  	_ =	shalt  }
0x46: {  	_ =	shalt  }
0x47: {  	_ =	shalt  }
0x48: {  	_ =	shalt  }
0x49: {  	_ =	shalt  }
0x4a: {  	_ =	shalt  }
0x4b: {  	_ =	shalt  }
0x4c: {  	_ =	shalt  }
0x4d: {  	_ =	shalt  }
0x4e: {  	_ =	shalt  }
0x4f: {  	_ =	shalt  }
0x50: {  	_ =	shalt  }
0x51: {  	_ =	shalt  }
0x52: {  	_ =	shalt  }
0x53: {  	_ =	shalt  }
0x54: {  	_ =	shalt  }
0x55: {  	_ =	shalt  }
0x56: {  	_ =	shalt  }
0x57: {  	_ =	shalt  }
0x58: {  	_ =	shalt  }
0x59: {  	_ =	shalt  }
0x5a: {  	_ =	shalt  }
0x5b: {  	_ =	shalt  }
0x5c: {  	_ =	shalt  }
0x5d: {  	_ =	shalt  }
0x5e: {  	_ =	shalt  }
0x5f: {  	_ =	shalt  }
0x60: {  	_ =	shalt  }
0x61: {  	_ =	shalt  }
0x62: {  	_ =	shalt  }
0x63: {  	_ =	shalt  }
0x64: {  	_ =	shalt  }
0x65: {  	_ =	shalt  }
0x66: {  	_ =	shalt  }
0x67: {  	_ =	shalt  }
0x68: {  	_ =	shalt  }
0x69: {  	_ =	shalt  }
0x6a: {  	_ =	shalt  }
0x6b: {  	_ =	shalt  }
0x6c: {  	_ =	shalt  }
0x6d: {  	_ =	shalt  }
0x6e: {  	_ =	shalt  }
0x6f: {  	_ =	shalt  }
0x70: {  	_ =	shalt  }
0x71: {  	_ =	shalt  }
0x72: {  	_ =	shalt  }
0x73: {  	_ =	shalt  }
0x74: {  	_ =	shalt  }
0x75: {  	_ =	shalt  }
0x76: {  	_ =	shalt  }
0x77: {  	_ =	shalt  }
0x78: {  	_ =	shalt  }
0x79: {  	_ =	shalt  }
0x7a: {  	_ =	shalt  }
0x7b: {  	_ =	shalt  }
0x7c: {  	_ =	shalt  }
0x7d: {  	_ =	shalt  }
0x7e: {  	_ =	shalt  }
0x7f: {  	_ =	shalt  }
0x80: {  	_ =	shalt  }
0x81: {  	_ =	shalt  }
0x82: {  	_ =	shalt  }
0x83: {  	_ =	shalt  }
0x84: {  	_ =	shalt  }
0x85: {  	_ =	shalt  }
0x86: {  	_ =	shalt  }
0x87: {  	_ =	shalt  }
.Lfunc_end0:
.L_simem_size_0:
called_computation_lowered:
.L_overlay_start_0:
0x88: {  	s2 =	sld [smem:$0x3FD9]  }
0x89: {  	s3 =	sld [smem:$0x3FFE];
	_ =	sdelay $0x1  }
0x8a: {  	s1 =	srdreg.scid  }
0x8b: {  	s0 =	sand.u32 $0x1, s1  }
0x8c: {  	s16 =	sshll.u32 s0, $0xA;
	s2 =	sadd.s32 s3, s2  }
0x8d: {  	s2 =	sadd.s32 s2, s16  }
0x8e: {  	[smem:$0x3FC4] =	sst s2  }
0x8f: {  	_ = 	snop  }
0x90: {  	(tm) =	ssettm $0x1  }
0x91: {  	s17 =	sld [smem:$0x3FFB];
	_ =	sdelay $0x3  }
0x92: {  	_ =	strace s17  }
0x93: {  	s2 =	sld [smem:$0x3FFC];
	_ =	sdelay $0x3  }
0x94: {  	_ =	strace s2  }
0x95: {  	s2 =	sld [smem:$0x3FFD];
	_ =	sdelay $0x3  }
0x96: {  	_ =	strace s2  }
0x97: {  	_ =	strace $0x8FFFFFFF  }
0x98: {  	s18 =	sld [smem:$0x3FDB];
	_ =	sdelay $0x1  }
0x99: {  	s19 =	simm.s32 $_scs_section_size  }
0x9a: {  	s4 =	simm.s32 $_size__tile_overlayer_lowered;
	s5 =	simm.s32 $_tile_overlayer_lowered  }
0x9b: {  	s22 =	simm.s32 $0x1BFF;
	s21 =	sshll.u32 s5, $0x1;
	s2 =	sadd.s32 s19, s18  }
0x9c: {  	s6 =	simm.s32 $0x0;
	s20 =	sshll.u32 s4, $0x1;
	s4 =	sadd.s32 s21, s2  }
0x9d: {  	[timem:s6], [sflag:s22] =	dma.local [hbm:s4], s20  }
0x9e: {  	_ =	swait.ge [sflag:s22], s20  }
0x9f: {  	s3 =	ssub.s32 $0x0, s20;
	[sflag:s22] =	ssyncset.done $0x0  }
0xa0: {  	[sflag:s22] =	ssyncadd.s32 s3;
	_ =	sdelay $0x1  }
0xa1: {  	s23 =	simm.s32 $0x1B8B  }
0xa2: {  	_ =	swait.ge [sflag:s23], $0x1  }
0xa3: {  	[sflag:s23] =	ssyncset.done $0x0  }
0xa4: {  	s25 =	simm.s32 $0x1B8E;
	s24 =	sld [smem:$0x3FFE];
	[sflag:s23] =	ssyncadd.s32 $0xFFFFFFFF  }
0xa5: {  	s26 =	simm.s32 $execute0_lowered;
	[smem:$0x3FD2] =	sst s25  }
0xa6: {  	s4 =	sshll.u32 s26, $0x1;
	_ =	strace $0x80000046;
	[dreg:$0x1] =	wrdreg $0xFFFFFFFF  }
0xa7: {  	s28 =	simm.s32 $_size_execute0_lowered;
	s2 =	sadd.s32 s2, s4;
	[dreg:$0x0] =	wrdreg $0x0  }
0xa8: {  	s4 =	sshll.u32 s28, $0x1;
	[dreg:$0x2] =	wrdreg s2  }
0xa9: {  	[dreg:$0x3] =	wrdreg s4  }
0xaa: {  	[dreg:$0x4] =	wrdreg $0xC0  }
0xab: {  	_ =	task [dreg:s6], $0x5FFFF  }
0xac: {  	[dreg:$0x1] =	wrdreg $0xFFFFFFFF  }
0xad: {  	[dreg:$0x0] =	wrdreg $0x60  }
0xae: {  	[dreg:$0x2] =	wrdreg s24  }
0xaf: {  	[dreg:$0x3] =	wrdreg $0x0  }
0xb0: {  	[dreg:$0x4] =	wrdreg $0x9  }
0xb1: {  	_ =	task.clear_ibuf [dreg:s6], $0x5FFFF;
	_ =	strace $0x90000046  }
0xb2: {  	s29 =	simm.s32 $0x9;
	_ =	strace $0x80000048  }
0xb3: {  	_ =	swait.ge [sflag:s29], $0x1  }
0xb4: {  	[sflag:s29] =	ssyncadd.s32 $0xFFFFFFFF  }
0xb5: {  	_ =	strace $0x90000048  }
0xb6: {  	_ =	sfence  }
0xb7: {  	s30 =	sld [smem:$0x0];
	_ =	sdelay $0x2  }
0xb8: {  	s31 =	sshll.u32 s1, $0xD;
	s1 =	sshrl.u32 s1, $0x2  }
0xb9: {  	s3 =	sand.u32 $0x4000, s31;
	s1 =	sadd.s32 s1, s30  }
0xba: {  	s0 =	sor.u32 s3, s0;
	s1 =	sshll.u32 s1, $0x11  }
0xbb: {  	s0 =	sor.u32 s1, s0  }
0xbc: {  	s0 =	sadd.s32 $0x8F2B, s0  }
0xbd: {  	[sflag:s0] =	ssyncadd.remote.s32 $0x1  }
0xbe: {  	_ =	sfence.sel $0xFFFF  }
0xbf: {  	[dreg:$0x0] =	wrdreg $0xFFFFFFFF;
	(pc) =	sbr.abs _section_cstart, $3  }
0xc0: {  	[dreg:$0x1] =	wrdreg $0xFFFFFFFF  }
0xc1: {  	_ =	task.clear_ibuf [dreg:s6], $0x2FFFF;
	_ =	strace $0x9FFFFFFF  }
0xc2: {  	(tm) =	ssettm $0x7FFFFFFF  }
0xc3: {  	_ =	shalt  }
tec
execute0_lowered:
.L_overlay_start_1:
0x0: {  	(tag) =	ssettag $0x1  }
0x1: {  	s4 =	rddreg [dreg:$0x0]  }
0x2: {  	s2 =	rddreg [dreg:$0x1]  }
0x3: {  	s0 =	rddreg [dreg:$0x2];
	s5 =	srdreg.scid  }
0x4: {  	s1 =	stileid.u32;
	s3 =	simm.s32 $0x0;
	s13 =	simm.s32 $0x80  }
0x5: {  	s14 =	simm.s32 $0x5100;
	s15 =	simm.s32 $0x2;
	s6 =	smul.u32 $0x1900, s1  }
0x6: {  	s5 =	sand.u32 $0x1, s5;
	[smem:$0x7FF] =	sst s3;
	s11 =	smul.u32 $0x1880, s1  }
0x7: {  	s9 =	sadd.s32 $0x32800, s4;
	s16 =	sshll.u32 s1, $0x6;
	s7 =	smul.u32 $0x19000, s5  }
0x8: {  	s8 =	sshll.u32 s5, $0x4;
	_ =	strace $0x80000047;
	s10 =	ssub.s32 $0x2, s5  }
0x9: {  	s5 =	smul.u32 $0x18800, s5;
	s16 =	sor.u32 $0x1C03, s16;
	s8 =	sor.u32 s1, s8  }
0xa: {  	s30 =	sshrl.u32 s10, $0x1;
	s7 =	sadd.s32 s6, s7;
	s8 =	smul.u32 $0x1880, s8  }
0xb: {  	s10 =	ssub.s32 s10, s30;
	s12 =	sadd.s32 s5, s9;
	s7 =	sshrl.u32 s7, $0x3  }
0xc: {  	s31 =	sadd.s32 s11, s12;
	s11 =	simm.s32 $0x1900;
	s12 =	simm.s32 $0x1  }
0xd: {  	s7 =	sadd.s32 s7, s4;
	s4 =	sadd.s32 s6, s2;
	s5 =	sadd.s32 s9, s8  }
0xe: {  	s8 =	sadd.s32 $0x380, s31;
	s9 =	simm.s32 $0x5180;
	s6 =	sadd.s32 $0x63800, s7  }
0xf: {  	v0 =	vimm.f32 $0.0e+00;
	v1 =	vimm.f32 $1.000000000e+00;
	s7 =	smax.u32 s10, $0x1;
	s10 =	simm.s32 $0x3;
	s17 =	sshrl.u32 s4, $0x3  }
.LBB2_1:
0x10: {  	s18 =	simm.s32 $0x40;
	s19 =	simm.s32 $0x0  }
.LBB2_2:
0x11: {  	p0 =	sne.s32 s18, $0x63C0;
	[tilespmem:s19+$0x5180] =	vst v0;
	s19 =	smov.u32 s18;
	s18 =	sadd.s32 $0x40, s18  }
.Ltmp0:
0x12: {  	(pc) =	sbr.rel @p0 .LBB2_2-.Ltmp0, $2  }
0x13: {  	_ =	sdelay $0x2  }
0x14: {  	s19 =	sshra.s32 s19, $0x2  }
0x15: {  	[tilespmem:s19+$0x5180] =	vst v0  }
0x16: {  	[tilespmem:$0x5100] =	vst v1  }
0x17: {  	[tilespmem:$0x5110] =	vst v1  }
0x18: {  	[tilespmem:$0x5120] =	vst v1  }
0x19: {  	[tilespmem:$0x5130] =	vst v1  }
0x1a: {  	[tilespmem:$0x5140] =	vst v1  }
0x1b: {  	[tilespmem:$0x5150] =	vst v1  }
0x1c: {  	[tilespmem:$0x5160] =	vst v1  }
0x1d: {  	[tilespmem:$0x5170] =	vst v1  }
0x1e: {  	[spmem:s4] =	stream.linear.scatter [tilespmem:s9], [sflag:$0x3], $0x1900, $0x38;
	[tilespmem:$0x6A80] =	vst v63  }
0x1f: {  	s18 =	simm.s32 $0x0;
	_ =	swait.ge [sflag:s10], $0x1900  }
0x20: {  	p0 =	por $0x0, $0x0;
	s19 =	sand.u32 $0x1, s18;
	[sflag:s10] =	ssyncset.done $0x0  }
0x21: {  	s20 =	sxor.u32 @!p0 $0x1, s19;
	[sflag:s10] =	ssyncadd.s32 $0xFFFFE700  }
0x22: {  	s20 =	smul.u32 @!p0 $0x7000, s20;
	[bflag:$0x0] =	sbarrier.arrive $0xFFFF  }
0x23: {  	[tilespmem:s11], [sflag:$0x1] =	stream.linear.gather [hbm4b:s5+s18], $0x1C00, $0x38;
	[tilespmem:$0x6A80] =	vst v63  }
0x24: {  	s18 =	sshrl.u32 @!p0 s20, $0x2  }
0x25: {  	s19 =	smul.u32 $0x7000, s19;
	s20 =	simm.s32 @!p0 $0x0;
	s18 =	sadd.s32 @!p0 $0x1900, s18  }
0x26: {  	[tilespmem:s18], [sflag:$0x1] =	stream.linear.gather @!p0 [hbm4b:s8+s20], $0x1C00, $0x38;
	[tilespmem:$0x6A80] =	vst v63  }
0x27: {  	_ =	swait.ge [sflag:s12], $0x1C00  }
0x28: {  	s18 =	sshrl.u32 s19, $0x2;
	[sflag:s12] =	ssyncset.done $0x0  }
0x29: {  	s19 =	sadd.s32 $0x1900, s18;
	[sflag:s12] =	ssyncadd.s32 $0xFFFFE400  }
0x2a: {  	[spmem:s2] =	stream.indirect.scatter.add.f32 [tilespmem:s14], [sflag:$0x2], $0x1, s19, s13, $0xb8;
	[tilespmem:$0x6A80] =	vst v63  }
0x2b: {  	s20 =	sadd.s32 $0x1980, s18  }
0x2c: {  	[spmem:s2] =	stream.indirect.scatter.add.f32 [tilespmem:s14], [sflag:$0x2], $0x1, s20, s13, $0xb8;
	[tilespmem:$0x6A80] =	vst v63  }
0x2d: {  	s21 =	sadd.s32 $0x1A00, s18  }
0x2e: {  	[spmem:s2] =	stream.indirect.scatter.add.f32 [tilespmem:s14], [sflag:$0x2], $0x1, s21, s13, $0xb8;
	[tilespmem:$0x6A80] =	vst v63  }
0x2f: {  	s22 =	sadd.s32 $0x1A80, s18  }
0x30: {  	[spmem:s2] =	stream.indirect.scatter.add.f32 [tilespmem:s14], [sflag:$0x2], $0x1, s22, s13, $0xb8;
	[tilespmem:$0x6A80] =	vst v63  }
0x31: {  	s23 =	sadd.s32 $0x1B00, s18  }
0x32: {  	[spmem:s2] =	stream.indirect.scatter.add.f32 [tilespmem:s14], [sflag:$0x2], $0x1, s23, s13, $0xb8;
	[tilespmem:$0x6A80] =	vst v63  }
0x33: {  	s24 =	sadd.s32 $0x1B80, s18  }
0x34: {  	[spmem:s2] =	stream.indirect.scatter.add.f32 [tilespmem:s14], [sflag:$0x2], $0x1, s24, s13, $0xb8;
	[tilespmem:$0x6A80] =	vst v63  }
0x35: {  	s25 =	sadd.s32 $0x1C00, s18  }
0x36: {  	[spmem:s2] =	stream.indirect.scatter.add.f32 [tilespmem:s14], [sflag:$0x2], $0x1, s25, s13, $0xb8;
	[tilespmem:$0x6A80] =	vst v63  }
0x37: {  	s26 =	sadd.s32 $0x1C80, s18  }
0x38: {  	[spmem:s2] =	stream.indirect.scatter.add.f32 [tilespmem:s14], [sflag:$0x2], $0x1, s26, s13, $0xb8;
	[tilespmem:$0x6A80] =	vst v63  }
0x39: {  	s28 =	sadd.s32 $0x1D00, s18  }
0x3a: {  	[spmem:s2] =	stream.indirect.scatter.add.f32 [tilespmem:s14], [sflag:$0x2], $0x1, s28, s13, $0xb8;
	[tilespmem:$0x6A80] =	vst v63  }
0x3b: {  	s29 =	sadd.s32 $0x1D80, s18  }
0x3c: {  	[spmem:s2] =	stream.indirect.scatter.add.f32 [tilespmem:s14], [sflag:$0x2], $0x1, s29, s13, $0xb8;
	[tilespmem:$0x6A80] =	vst v63  }
0x3d: {  	s30 =	sadd.s32 $0x1E00, s18  }
0x3e: {  	[spmem:s2] =	stream.indirect.scatter.add.f32 [tilespmem:s14], [sflag:$0x2], $0x1, s30, s13, $0xb8;
	[tilespmem:$0x6A80] =	vst v63  }
0x3f: {  	s31 =	sadd.s32 $0x1E80, s18  }
0x40: {  	[spmem:s2] =	stream.indirect.scatter.add.f32 [tilespmem:s14], [sflag:$0x2], $0x1, s31, s13, $0xb8;
	[tilespmem:$0x6A80] =	vst v63  }
0x41: {  	s20 =	sadd.s32 $0x1F00, s18  }
0x42: {  	[spmem:s2] =	stream.indirect.scatter.add.f32 [tilespmem:s14], [sflag:$0x2], $0x1, s20, s13, $0xb8;
	[tilespmem:$0x6A80] =	vst v63  }
0x43: {  	s21 =	sadd.s32 $0x1F80, s18  }
0x44: {  	[spmem:s2] =	stream.indirect.scatter.add.f32 [tilespmem:s14], [sflag:$0x2], $0x1, s21, s13, $0xb8;
	[tilespmem:$0x6A80] =	vst v63  }
0x45: {  	s22 =	sor.u32 $0x2000, s18  }
0x46: {  	[spmem:s2] =	stream.indirect.scatter.add.f32 [tilespmem:s14], [sflag:$0x2], $0x1, s22, s13, $0xb8;
	[tilespmem:$0x6A80] =	vst v63  }
0x47: {  	s23 =	sor.u32 $0x2080, s18  }
0x48: {  	[spmem:s2] =	stream.indirect.scatter.add.f32 [tilespmem:s14], [sflag:$0x2], $0x1, s23, s13, $0xb8;
	[tilespmem:$0x6A80] =	vst v63  }
0x49: {  	s24 =	sor.u32 $0x2100, s18  }
0x4a: {  	[spmem:s2] =	stream.indirect.scatter.add.f32 [tilespmem:s14], [sflag:$0x2], $0x1, s24, s13, $0xb8;
	[tilespmem:$0x6A80] =	vst v63  }
0x4b: {  	s25 =	sor.u32 $0x2180, s18  }
0x4c: {  	[spmem:s2] =	stream.indirect.scatter.add.f32 [tilespmem:s14], [sflag:$0x2], $0x1, s25, s13, $0xb8;
	[tilespmem:$0x6A80] =	vst v63  }
0x4d: {  	s26 =	sor.u32 $0x2200, s18  }
0x4e: {  	[spmem:s2] =	stream.indirect.scatter.add.f32 [tilespmem:s14], [sflag:$0x2], $0x1, s26, s13, $0xb8;
	[tilespmem:$0x6A80] =	vst v63  }
0x4f: {  	s28 =	sor.u32 $0x2280, s18  }
0x50: {  	[spmem:s2] =	stream.indirect.scatter.add.f32 [tilespmem:s14], [sflag:$0x2], $0x1, s28, s13, $0xb8;
	[tilespmem:$0x6A80] =	vst v63  }
0x51: {  	s29 =	sor.u32 $0x2300, s18  }
0x52: {  	[spmem:s2] =	stream.indirect.scatter.add.f32 [tilespmem:s14], [sflag:$0x2], $0x1, s29, s13, $0xb8;
	[tilespmem:$0x6A80] =	vst v63  }
0x53: {  	s30 =	sor.u32 $0x2380, s18  }
0x54: {  	[spmem:s2] =	stream.indirect.scatter.add.f32 [tilespmem:s14], [sflag:$0x2], $0x1, s30, s13, $0xb8;
	[tilespmem:$0x6A80] =	vst v63  }
0x55: {  	s31 =	sadd.s32 $0x2400, s18  }
0x56: {  	[spmem:s2] =	stream.indirect.scatter.add.f32 [tilespmem:s14], [sflag:$0x2], $0x1, s31, s13, $0xb8;
	[tilespmem:$0x6A80] =	vst v63  }
0x57: {  	s20 =	sadd.s32 $0x2480, s18  }
0x58: {  	[spmem:s2] =	stream.indirect.scatter.add.f32 [tilespmem:s14], [sflag:$0x2], $0x1, s20, s13, $0xb8;
	[tilespmem:$0x6A80] =	vst v63  }
0x59: {  	s21 =	sadd.s32 $0x2500, s18  }
0x5a: {  	[spmem:s2] =	stream.indirect.scatter.add.f32 [tilespmem:s14], [sflag:$0x2], $0x1, s21, s13, $0xb8;
	[tilespmem:$0x6A80] =	vst v63  }
0x5b: {  	s22 =	sadd.s32 $0x2580, s18  }
0x5c: {  	[spmem:s2] =	stream.indirect.scatter.add.f32 [tilespmem:s14], [sflag:$0x2], $0x1, s22, s13, $0xb8;
	[tilespmem:$0x6A80] =	vst v63  }
0x5d: {  	s23 =	sadd.s32 $0x2600, s18  }
0x5e: {  	[spmem:s2] =	stream.indirect.scatter.add.f32 [tilespmem:s14], [sflag:$0x2], $0x1, s23, s13, $0xb8;
	[tilespmem:$0x6A80] =	vst v63  }
0x5f: {  	s24 =	sadd.s32 $0x2680, s18  }
0x60: {  	[spmem:s2] =	stream.indirect.scatter.add.f32 [tilespmem:s14], [sflag:$0x2], $0x1, s24, s13, $0xb8;
	[tilespmem:$0x6A80] =	vst v63  }
0x61: {  	s25 =	sadd.s32 $0x2700, s18  }
0x62: {  	[spmem:s2] =	stream.indirect.scatter.add.f32 [tilespmem:s14], [sflag:$0x2], $0x1, s25, s13, $0xb8;
	[tilespmem:$0x6A80] =	vst v63  }
0x63: {  	s26 =	sadd.s32 $0x2780, s18  }
0x64: {  	[spmem:s2] =	stream.indirect.scatter.add.f32 [tilespmem:s14], [sflag:$0x2], $0x1, s26, s13, $0xb8;
	[tilespmem:$0x6A80] =	vst v63  }
0x65: {  	s28 =	sadd.s32 $0x2800, s18  }
0x66: {  	[spmem:s2] =	stream.indirect.scatter.add.f32 [tilespmem:s14], [sflag:$0x2], $0x1, s28, s13, $0xb8;
	[tilespmem:$0x6A80] =	vst v63  }
0x67: {  	s29 =	sadd.s32 $0x2880, s18  }
0x68: {  	[spmem:s2] =	stream.indirect.scatter.add.f32 [tilespmem:s14], [sflag:$0x2], $0x1, s29, s13, $0xb8;
	[tilespmem:$0x6A80] =	vst v63  }
0x69: {  	_ =	swait.ge [sflag:s15], $0x1000  }
0x6a: {  	[sflag:s15] =	ssyncset.done $0x0  }
0x6b: {  	s30 =	sadd.s32 $0x2900, s18;
	[sflag:s15] =	ssyncadd.s32 $0xFFFFF000  }
0x6c: {  	[spmem:s2] =	stream.indirect.scatter.add.f32 [tilespmem:s14], [sflag:$0x2], $0x1, s30, s13, $0xb8;
	[tilespmem:$0x6A80] =	vst v63  }
0x6d: {  	s31 =	sadd.s32 $0x2980, s18  }
0x6e: {  	[spmem:s2] =	stream.indirect.scatter.add.f32 [tilespmem:s14], [sflag:$0x2], $0x1, s31, s13, $0xb8;
	[tilespmem:$0x6A80] =	vst v63  }
0x6f: {  	s20 =	sadd.s32 $0x2A00, s18  }
0x70: {  	[spmem:s2] =	stream.indirect.scatter.add.f32 [tilespmem:s14], [sflag:$0x2], $0x1, s20, s13, $0xb8;
	[tilespmem:$0x6A80] =	vst v63  }
0x71: {  	s21 =	sadd.s32 $0x2A80, s18  }
0x72: {  	[spmem:s2] =	stream.indirect.scatter.add.f32 [tilespmem:s14], [sflag:$0x2], $0x1, s21, s13, $0xb8;
	[tilespmem:$0x6A80] =	vst v63  }
0x73: {  	s22 =	sadd.s32 $0x2B00, s18  }
0x74: {  	[spmem:s2] =	stream.indirect.scatter.add.f32 [tilespmem:s14], [sflag:$0x2], $0x1, s22, s13, $0xb8;
	[tilespmem:$0x6A80] =	vst v63  }
0x75: {  	s23 =	sadd.s32 $0x2B80, s18  }
0x76: {  	[spmem:s2] =	stream.indirect.scatter.add.f32 [tilespmem:s14], [sflag:$0x2], $0x1, s23, s13, $0xb8;
	[tilespmem:$0x6A80] =	vst v63  }
0x77: {  	s24 =	sadd.s32 $0x2C00, s18  }
0x78: {  	[spmem:s2] =	stream.indirect.scatter.add.f32 [tilespmem:s14], [sflag:$0x2], $0x1, s24, s13, $0xb8;
	[tilespmem:$0x6A80] =	vst v63  }
0x79: {  	s25 =	sadd.s32 $0x2C80, s18  }
0x7a: {  	[spmem:s2] =	stream.indirect.scatter.add.f32 [tilespmem:s14], [sflag:$0x2], $0x1, s25, s13, $0xb8;
	[tilespmem:$0x6A80] =	vst v63  }
0x7b: {  	s26 =	sadd.s32 $0x2D00, s18  }
0x7c: {  	[spmem:s2] =	stream.indirect.scatter.add.f32 [tilespmem:s14], [sflag:$0x2], $0x1, s26, s13, $0xb8;
	[tilespmem:$0x6A80] =	vst v63  }
0x7d: {  	s28 =	sadd.s32 $0x2D80, s18  }
0x7e: {  	[spmem:s2] =	stream.indirect.scatter.add.f32 [tilespmem:s14], [sflag:$0x2], $0x1, s28, s13, $0xb8;
	[tilespmem:$0x6A80] =	vst v63  }
0x7f: {  	s29 =	sadd.s32 $0x2E00, s18  }
0x80: {  	[spmem:s2] =	stream.indirect.scatter.add.f32 [tilespmem:s14], [sflag:$0x2], $0x1, s29, s13, $0xb8;
	[tilespmem:$0x6A80] =	vst v63  }
0x81: {  	s30 =	sadd.s32 $0x2E80, s18  }
0x82: {  	[spmem:s2] =	stream.indirect.scatter.add.f32 [tilespmem:s14], [sflag:$0x2], $0x1, s30, s13, $0xb8;
	[tilespmem:$0x6A80] =	vst v63  }
0x83: {  	s31 =	sadd.s32 $0x2F00, s18  }
0x84: {  	[spmem:s2] =	stream.indirect.scatter.add.f32 [tilespmem:s14], [sflag:$0x2], $0x1, s31, s13, $0xb8;
	[tilespmem:$0x6A80] =	vst v63  }
0x85: {  	s20 =	sadd.s32 $0x2F80, s18  }
0x86: {  	[spmem:s2] =	stream.indirect.scatter.add.f32 [tilespmem:s14], [sflag:$0x2], $0x1, s20, s13, $0xb8;
	[tilespmem:$0x6A80] =	vst v63  }
0x87: {  	s21 =	sadd.s32 $0x3000, s18  }
0x88: {  	[spmem:s2] =	stream.indirect.scatter.add.f32 [tilespmem:s14], [sflag:$0x2], $0x1, s21, s13, $0xb8;
	[tilespmem:$0x6A80] =	vst v63  }
0x89: {  	s22 =	sadd.s32 $0x3080, s18  }
0x8a: {  	[spmem:s2] =	stream.indirect.scatter.add.f32 [tilespmem:s14], [sflag:$0x2], $0x1, s22, s13, $0xb8;
	[tilespmem:$0x6A80] =	vst v63  }
0x8b: {  	s23 =	sadd.s32 $0x3100, s18  }
0x8c: {  	[spmem:s2] =	stream.indirect.scatter.add.f32 [tilespmem:s14], [sflag:$0x2], $0x1, s23, s13, $0xb8;
	[tilespmem:$0x6A80] =	vst v63  }
0x8d: {  	s24 =	sadd.s32 $0x3180, s18  }
0x8e: {  	[spmem:s2] =	stream.indirect.scatter.add.f32 [tilespmem:s14], [sflag:$0x2], $0x1, s24, s13, $0xb8;
	[tilespmem:$0x6A80] =	vst v63  }
0x8f: {  	s25 =	sadd.s32 $0x3200, s18;
	s29 =	simm.s32 $0x1  }
0x90: {  	[spmem:s2] =	stream.indirect.scatter.add.f32 [tilespmem:s14], [sflag:$0x2], $0x1, s25, s13, $0xb8;
	[tilespmem:$0x6A80] =	vst v63  }
0x91: {  	p1 =	por $0x0, $0x0;
	s26 =	sadd.s32 $0x3280, s18;
	s20 =	sand.u32 $0x1, s29  }
0x92: {  	[spmem:s2] =	stream.indirect.scatter.add.f32 [tilespmem:s14], [sflag:$0x2], $0x1, s26, s13, $0xb8;
	[tilespmem:$0x6A80] =	vst v63  }
0x93: {  	s19 =	simm.s32 $0x2;
	s28 =	sadd.s32 $0x3300, s18;
	s21 =	sxor.u32 @!p1 $0x1, s20  }
0x94: {  	[spmem:s2] =	stream.indirect.scatter.add.f32 [tilespmem:s14], [sflag:$0x2], $0x1, s28, s13, $0xb8;
	[tilespmem:$0x6A80] =	vst v63  }
0x95: {  	s30 =	sadd.s32 $0x3380, s18;
	s31 =	sadd.s32 $0x3400, s18;
	s21 =	smul.u32 @!p1 $0x7000, s21  }
0x96: {  	[spmem:s2] =	stream.indirect.scatter.add.f32 [tilespmem:s14], [sflag:$0x2], $0x1, s30, s13, $0xb8;
	[tilespmem:$0x6A80] =	vst v63  }
0x97: {  	s22 =	smul.u32 $0x7000, s20;
	s20 =	sadd.s32 $0x3480, s18;
	s18 =	sadd.s32 $0x380, s8  }
0x98: {  	[spmem:s2] =	stream.indirect.scatter.add.f32 [tilespmem:s14], [sflag:$0x2], $0x1, s31, s13, $0xb8;
	[tilespmem:$0x6A80] =	vst v63  }
.LBB2_4:
0x99: {  	[spmem:s2] =	stream.indirect.scatter.add.f32 [tilespmem:s14], [sflag:$0x2], $0x1, s20, s13, $0xb8;
	[tilespmem:$0x6A80] =	vst v63  }
0x9a: {  	s20 =	smov.u32 s19  }
0x9b: {  	s19 =	sadd.s32 $0x1, s19;
	s21 =	sshrl.u32 @!p1 s21, $0x2;
	_ =	swait.ge [sflag:s15], $0xC00  }
0x9c: {  	p0 =	sne.s32 s19, $0x7;
	s21 =	sadd.s32 @!p1 $0x1900, s21;
	[sflag:s15] =	ssyncset.done $0x0  }
0x9d: {  	s23 =	simm.s32 @!p1 $0x0;
	[sflag:s15] =	ssyncadd.s32 $0xFFFFF400  }
0x9e: {  	[tilespmem:s21], [sflag:$0x1] =	stream.linear.gather @!p1 [hbm4b:s18+s23], $0x1C00, $0x38;
	[tilespmem:$0x6A80] =	vst v63  }
0x9f: {  	_ =	swait.ge [sflag:s12], $0x1C00  }
0xa0: {  	s21 =	sshrl.u32 s22, $0x2;
	[sflag:s12] =	ssyncset.done $0x0  }
0xa1: {  	s22 =	sadd.s32 $0x1900, s21;
	[sflag:s12] =	ssyncadd.s32 $0xFFFFE400  }
0xa2: {  	[spmem:s2] =	stream.indirect.scatter.add.f32 [tilespmem:s14], [sflag:$0x2], $0x1, s22, s13, $0xb8;
	[tilespmem:$0x6A80] =	vst v63  }
0xa3: {  	s22 =	sadd.s32 $0x1980, s21  }
0xa4: {  	[spmem:s2] =	stream.indirect.scatter.add.f32 [tilespmem:s14], [sflag:$0x2], $0x1, s22, s13, $0xb8;
	[tilespmem:$0x6A80] =	vst v63  }
0xa5: {  	s22 =	sadd.s32 $0x1A00, s21  }
0xa6: {  	[spmem:s2] =	stream.indirect.scatter.add.f32 [tilespmem:s14], [sflag:$0x2], $0x1, s22, s13, $0xb8;
	[tilespmem:$0x6A80] =	vst v63  }
0xa7: {  	s22 =	sadd.s32 $0x1A80, s21  }
0xa8: {  	[spmem:s2] =	stream.indirect.scatter.add.f32 [tilespmem:s14], [sflag:$0x2], $0x1, s22, s13, $0xb8;
	[tilespmem:$0x6A80] =	vst v63  }
0xa9: {  	s22 =	sadd.s32 $0x1B00, s21  }
0xaa: {  	[spmem:s2] =	stream.indirect.scatter.add.f32 [tilespmem:s14], [sflag:$0x2], $0x1, s22, s13, $0xb8;
	[tilespmem:$0x6A80] =	vst v63  }
0xab: {  	s22 =	sadd.s32 $0x1B80, s21  }
0xac: {  	[spmem:s2] =	stream.indirect.scatter.add.f32 [tilespmem:s14], [sflag:$0x2], $0x1, s22, s13, $0xb8;
	[tilespmem:$0x6A80] =	vst v63  }
0xad: {  	s22 =	sadd.s32 $0x1C00, s21  }
0xae: {  	[spmem:s2] =	stream.indirect.scatter.add.f32 [tilespmem:s14], [sflag:$0x2], $0x1, s22, s13, $0xb8;
	[tilespmem:$0x6A80] =	vst v63  }
0xaf: {  	s22 =	sadd.s32 $0x1C80, s21  }
0xb0: {  	[spmem:s2] =	stream.indirect.scatter.add.f32 [tilespmem:s14], [sflag:$0x2], $0x1, s22, s13, $0xb8;
	[tilespmem:$0x6A80] =	vst v63  }
0xb1: {  	s22 =	sadd.s32 $0x1D00, s21  }
0xb2: {  	[spmem:s2] =	stream.indirect.scatter.add.f32 [tilespmem:s14], [sflag:$0x2], $0x1, s22, s13, $0xb8;
	[tilespmem:$0x6A80] =	vst v63  }
0xb3: {  	s22 =	sadd.s32 $0x1D80, s21  }
0xb4: {  	[spmem:s2] =	stream.indirect.scatter.add.f32 [tilespmem:s14], [sflag:$0x2], $0x1, s22, s13, $0xb8;
	[tilespmem:$0x6A80] =	vst v63  }
0xb5: {  	s22 =	sadd.s32 $0x1E00, s21  }
0xb6: {  	[spmem:s2] =	stream.indirect.scatter.add.f32 [tilespmem:s14], [sflag:$0x2], $0x1, s22, s13, $0xb8;
	[tilespmem:$0x6A80] =	vst v63  }
0xb7: {  	s22 =	sadd.s32 $0x1E80, s21  }
0xb8: {  	[spmem:s2] =	stream.indirect.scatter.add.f32 [tilespmem:s14], [sflag:$0x2], $0x1, s22, s13, $0xb8;
	[tilespmem:$0x6A80] =	vst v63  }
0xb9: {  	s22 =	sadd.s32 $0x1F00, s21  }
0xba: {  	[spmem:s2] =	stream.indirect.scatter.add.f32 [tilespmem:s14], [sflag:$0x2], $0x1, s22, s13, $0xb8;
	[tilespmem:$0x6A80] =	vst v63  }
0xbb: {  	s22 =	sadd.s32 $0x1F80, s21  }
0xbc: {  	[spmem:s2] =	stream.indirect.scatter.add.f32 [tilespmem:s14], [sflag:$0x2], $0x1, s22, s13, $0xb8;
	[tilespmem:$0x6A80] =	vst v63  }
0xbd: {  	s22 =	sor.u32 $0x2000, s21  }
0xbe: {  	[spmem:s2] =	stream.indirect.scatter.add.f32 [tilespmem:s14], [sflag:$0x2], $0x1, s22, s13, $0xb8;
	[tilespmem:$0x6A80] =	vst v63  }
0xbf: {  	s22 =	sor.u32 $0x2080, s21  }
0xc0: {  	[spmem:s2] =	stream.indirect.scatter.add.f32 [tilespmem:s14], [sflag:$0x2], $0x1, s22, s13, $0xb8;
	[tilespmem:$0x6A80] =	vst v63  }
0xc1: {  	s22 =	sor.u32 $0x2100, s21  }
0xc2: {  	[spmem:s2] =	stream.indirect.scatter.add.f32 [tilespmem:s14], [sflag:$0x2], $0x1, s22, s13, $0xb8;
	[tilespmem:$0x6A80] =	vst v63  }
0xc3: {  	s22 =	sor.u32 $0x2180, s21  }
0xc4: {  	[spmem:s2] =	stream.indirect.scatter.add.f32 [tilespmem:s14], [sflag:$0x2], $0x1, s22, s13, $0xb8;
	[tilespmem:$0x6A80] =	vst v63  }
0xc5: {  	s22 =	sor.u32 $0x2200, s21  }
0xc6: {  	[spmem:s2] =	stream.indirect.scatter.add.f32 [tilespmem:s14], [sflag:$0x2], $0x1, s22, s13, $0xb8;
	[tilespmem:$0x6A80] =	vst v63  }
0xc7: {  	s22 =	sor.u32 $0x2280, s21  }
0xc8: {  	[spmem:s2] =	stream.indirect.scatter.add.f32 [tilespmem:s14], [sflag:$0x2], $0x1, s22, s13, $0xb8;
	[tilespmem:$0x6A80] =	vst v63  }
0xc9: {  	s22 =	sor.u32 $0x2300, s21  }
0xca: {  	[spmem:s2] =	stream.indirect.scatter.add.f32 [tilespmem:s14], [sflag:$0x2], $0x1, s22, s13, $0xb8;
	[tilespmem:$0x6A80] =	vst v63  }
0xcb: {  	s22 =	sor.u32 $0x2380, s21  }
0xcc: {  	[spmem:s2] =	stream.indirect.scatter.add.f32 [tilespmem:s14], [sflag:$0x2], $0x1, s22, s13, $0xb8;
	[tilespmem:$0x6A80] =	vst v63  }
0xcd: {  	s22 =	sadd.s32 $0x2400, s21  }
0xce: {  	[spmem:s2] =	stream.indirect.scatter.add.f32 [tilespmem:s14], [sflag:$0x2], $0x1, s22, s13, $0xb8;
	[tilespmem:$0x6A80] =	vst v63  }
0xcf: {  	s22 =	sadd.s32 $0x2480, s21  }
0xd0: {  	[spmem:s2] =	stream.indirect.scatter.add.f32 [tilespmem:s14], [sflag:$0x2], $0x1, s22, s13, $0xb8;
	[tilespmem:$0x6A80] =	vst v63  }
0xd1: {  	s22 =	sadd.s32 $0x2500, s21  }
0xd2: {  	[spmem:s2] =	stream.indirect.scatter.add.f32 [tilespmem:s14], [sflag:$0x2], $0x1, s22, s13, $0xb8;
	[tilespmem:$0x6A80] =	vst v63  }
0xd3: {  	s22 =	sadd.s32 $0x2580, s21  }
0xd4: {  	[spmem:s2] =	stream.indirect.scatter.add.f32 [tilespmem:s14], [sflag:$0x2], $0x1, s22, s13, $0xb8;
	[tilespmem:$0x6A80] =	vst v63  }
0xd5: {  	s22 =	sadd.s32 $0x2600, s21  }
0xd6: {  	[spmem:s2] =	stream.indirect.scatter.add.f32 [tilespmem:s14], [sflag:$0x2], $0x1, s22, s13, $0xb8;
	[tilespmem:$0x6A80] =	vst v63  }
0xd7: {  	s22 =	sadd.s32 $0x2680, s21  }
0xd8: {  	[spmem:s2] =	stream.indirect.scatter.add.f32 [tilespmem:s14], [sflag:$0x2], $0x1, s22, s13, $0xb8;
	[tilespmem:$0x6A80] =	vst v63  }
0xd9: {  	s22 =	sadd.s32 $0x2700, s21  }
0xda: {  	[spmem:s2] =	stream.indirect.scatter.add.f32 [tilespmem:s14], [sflag:$0x2], $0x1, s22, s13, $0xb8;
	[tilespmem:$0x6A80] =	vst v63  }
0xdb: {  	s22 =	sadd.s32 $0x2780, s21  }
0xdc: {  	[spmem:s2] =	stream.indirect.scatter.add.f32 [tilespmem:s14], [sflag:$0x2], $0x1, s22, s13, $0xb8;
	[tilespmem:$0x6A80] =	vst v63  }
0xdd: {  	s22 =	sadd.s32 $0x2800, s21  }
0xde: {  	[spmem:s2] =	stream.indirect.scatter.add.f32 [tilespmem:s14], [sflag:$0x2], $0x1, s22, s13, $0xb8;
	[tilespmem:$0x6A80] =	vst v63  }
0xdf: {  	s22 =	sadd.s32 $0x2880, s21  }
0xe0: {  	[spmem:s2] =	stream.indirect.scatter.add.f32 [tilespmem:s14], [sflag:$0x2], $0x1, s22, s13, $0xb8;
	[tilespmem:$0x6A80] =	vst v63  }
0xe1: {  	_ =	swait.ge [sflag:s15], $0x1000  }
0xe2: {  	[sflag:s15] =	ssyncset.done $0x0  }
0xe3: {  	s22 =	sadd.s32 $0x2900, s21;
	[sflag:s15] =	ssyncadd.s32 $0xFFFFF000  }
0xe4: {  	[spmem:s2] =	stream.indirect.scatter.add.f32 [tilespmem:s14], [sflag:$0x2], $0x1, s22, s13, $0xb8;
	[tilespmem:$0x6A80] =	vst v63  }
0xe5: {  	s22 =	sadd.s32 $0x2980, s21  }
0xe6: {  	[spmem:s2] =	stream.indirect.scatter.add.f32 [tilespmem:s14], [sflag:$0x2], $0x1, s22, s13, $0xb8;
	[tilespmem:$0x6A80] =	vst v63  }
0xe7: {  	s22 =	sadd.s32 $0x2A00, s21  }
0xe8: {  	[spmem:s2] =	stream.indirect.scatter.add.f32 [tilespmem:s14], [sflag:$0x2], $0x1, s22, s13, $0xb8;
	[tilespmem:$0x6A80] =	vst v63  }
0xe9: {  	s22 =	sadd.s32 $0x2A80, s21  }
0xea: {  	[spmem:s2] =	stream.indirect.scatter.add.f32 [tilespmem:s14], [sflag:$0x2], $0x1, s22, s13, $0xb8;
	[tilespmem:$0x6A80] =	vst v63  }
0xeb: {  	s22 =	sadd.s32 $0x2B00, s21  }
0xec: {  	[spmem:s2] =	stream.indirect.scatter.add.f32 [tilespmem:s14], [sflag:$0x2], $0x1, s22, s13, $0xb8;
	[tilespmem:$0x6A80] =	vst v63  }
0xed: {  	s22 =	sadd.s32 $0x2B80, s21  }
0xee: {  	[spmem:s2] =	stream.indirect.scatter.add.f32 [tilespmem:s14], [sflag:$0x2], $0x1, s22, s13, $0xb8;
	[tilespmem:$0x6A80] =	vst v63  }
0xef: {  	s22 =	sadd.s32 $0x2C00, s21  }
0xf0: {  	[spmem:s2] =	stream.indirect.scatter.add.f32 [tilespmem:s14], [sflag:$0x2], $0x1, s22, s13, $0xb8;
	[tilespmem:$0x6A80] =	vst v63  }
0xf1: {  	s22 =	sadd.s32 $0x2C80, s21  }
0xf2: {  	[spmem:s2] =	stream.indirect.scatter.add.f32 [tilespmem:s14], [sflag:$0x2], $0x1, s22, s13, $0xb8;
	[tilespmem:$0x6A80] =	vst v63  }
0xf3: {  	s22 =	sadd.s32 $0x2D00, s21  }
0xf4: {  	[spmem:s2] =	stream.indirect.scatter.add.f32 [tilespmem:s14], [sflag:$0x2], $0x1, s22, s13, $0xb8;
	[tilespmem:$0x6A80] =	vst v63  }
0xf5: {  	s22 =	sadd.s32 $0x2D80, s21  }
0xf6: {  	[spmem:s2] =	stream.indirect.scatter.add.f32 [tilespmem:s14], [sflag:$0x2], $0x1, s22, s13, $0xb8;
	[tilespmem:$0x6A80] =	vst v63  }
0xf7: {  	s22 =	sadd.s32 $0x2E00, s21  }
0xf8: {  	[spmem:s2] =	stream.indirect.scatter.add.f32 [tilespmem:s14], [sflag:$0x2], $0x1, s22, s13, $0xb8;
	[tilespmem:$0x6A80] =	vst v63  }
0xf9: {  	s22 =	sadd.s32 $0x2E80, s21  }
0xfa: {  	[spmem:s2] =	stream.indirect.scatter.add.f32 [tilespmem:s14], [sflag:$0x2], $0x1, s22, s13, $0xb8;
	[tilespmem:$0x6A80] =	vst v63  }
0xfb: {  	s22 =	sadd.s32 $0x2F00, s21  }
0xfc: {  	[spmem:s2] =	stream.indirect.scatter.add.f32 [tilespmem:s14], [sflag:$0x2], $0x1, s22, s13, $0xb8;
	[tilespmem:$0x6A80] =	vst v63  }
0xfd: {  	s22 =	sadd.s32 $0x2F80, s21  }
0xfe: {  	[spmem:s2] =	stream.indirect.scatter.add.f32 [tilespmem:s14], [sflag:$0x2], $0x1, s22, s13, $0xb8;
	[tilespmem:$0x6A80] =	vst v63  }
0xff: {  	s22 =	sadd.s32 $0x3000, s21  }
0x100: {  	[spmem:s2] =	stream.indirect.scatter.add.f32 [tilespmem:s14], [sflag:$0x2], $0x1, s22, s13, $0xb8;
	[tilespmem:$0x6A80] =	vst v63  }
0x101: {  	s22 =	sadd.s32 $0x3080, s21  }
0x102: {  	[spmem:s2] =	stream.indirect.scatter.add.f32 [tilespmem:s14], [sflag:$0x2], $0x1, s22, s13, $0xb8;
	[tilespmem:$0x6A80] =	vst v63  }
0x103: {  	s22 =	sadd.s32 $0x3100, s21  }
0x104: {  	[spmem:s2] =	stream.indirect.scatter.add.f32 [tilespmem:s14], [sflag:$0x2], $0x1, s22, s13, $0xb8;
	[tilespmem:$0x6A80] =	vst v63  }
0x105: {  	s22 =	sadd.s32 $0x3180, s21  }
0x106: {  	[spmem:s2] =	stream.indirect.scatter.add.f32 [tilespmem:s14], [sflag:$0x2], $0x1, s22, s13, $0xb8;
	[tilespmem:$0x6A80] =	vst v63  }
0x107: {  	s22 =	sadd.s32 $0x3200, s21  }
0x108: {  	[spmem:s2] =	stream.indirect.scatter.add.f32 [tilespmem:s14], [sflag:$0x2], $0x1, s22, s13, $0xb8;
	[tilespmem:$0x6A80] =	vst v63  }
0x109: {  	s22 =	sadd.s32 $0x3280, s21  }
0x10a: {  	[spmem:s2] =	stream.indirect.scatter.add.f32 [tilespmem:s14], [sflag:$0x2], $0x1, s22, s13, $0xb8;
	[tilespmem:$0x6A80] =	vst v63  }
0x10b: {  	s22 =	sadd.s32 $0x3300, s21  }
0x10c: {  	[spmem:s2] =	stream.indirect.scatter.add.f32 [tilespmem:s14], [sflag:$0x2], $0x1, s22, s13, $0xb8;
	[tilespmem:$0x6A80] =	vst v63  }
0x10d: {  	s22 =	sadd.s32 $0x3380, s21  }
0x10e: {  	[spmem:s2] =	stream.indirect.scatter.add.f32 [tilespmem:s14], [sflag:$0x2], $0x1, s22, s13, $0xb8;
	[tilespmem:$0x6A80] =	vst v63  }
.Ltmp1:
0x10f: {  	_ = 	snop;
	(pc) =	sbr.rel @p0 .LBB2_4-.Ltmp1, $4  }
0x110: {  	p1 =	seq.s32 s20, $0x6;
	s22 =	sand.u32 $0x1, s20;
	s20 =	sadd.s32 $0x3400, s21  }
0x111: {  	[spmem:s2] =	stream.indirect.scatter.add.f32 [tilespmem:s14], [sflag:$0x2], $0x1, s20, s13, $0xb8;
	[tilespmem:$0x6A80] =	vst v63  }
0x112: {  	s23 =	sxor.u32 @!p1 $0x1, s22;
	s22 =	smul.u32 $0x7000, s22;
	s20 =	sadd.s32 $0x3480, s21  }
0x113: {  	s18 =	sadd.s32 $0x380, s18;
	s21 =	smul.u32 @!p1 $0x7000, s23  }
0x114: {  	[spmem:s2] =	stream.indirect.scatter.add.f32 [tilespmem:s14], [sflag:$0x2], $0x1, s20, s13, $0xb8;
	[tilespmem:$0x6A80] =	vst v63  }
0x115: {  	_ =	swait.ge [sflag:s15], $0xC00  }
0x116: {  	s19 =	sshrl.u32 @!p1 s21, $0x2;
	[sflag:s15] =	ssyncset.done $0x0  }
0x117: {  	s20 =	simm.s32 @!p1 $0x0;
	s19 =	sadd.s32 @!p1 $0x1900, s19;
	[sflag:s15] =	ssyncadd.s32 $0xFFFFF400  }
0x118: {  	[tilespmem:s19], [sflag:$0x1] =	stream.linear.gather @!p1 [hbm4b:s18+s20], $0x1C00, $0x38;
	[tilespmem:$0x6A80] =	vst v63  }
0x119: {  	_ =	swait.ge [sflag:s12], $0x1C00  }
0x11a: {  	s18 =	sshrl.u32 s22, $0x2;
	[sflag:s12] =	ssyncset.done $0x0  }
0x11b: {  	s20 =	sadd.s32 $0x1900, s18;
	[sflag:s12] =	ssyncadd.s32 $0xFFFFE400  }
0x11c: {  	[spmem:s2] =	stream.indirect.scatter.add.f32 [tilespmem:s14], [sflag:$0x2], $0x1, s20, s13, $0xb8;
	[tilespmem:$0x6A80] =	vst v63  }
0x11d: {  	s21 =	sadd.s32 $0x1980, s18  }
0x11e: {  	[spmem:s2] =	stream.indirect.scatter.add.f32 [tilespmem:s14], [sflag:$0x2], $0x1, s21, s13, $0xb8;
	[tilespmem:$0x6A80] =	vst v63  }
0x11f: {  	s22 =	sadd.s32 $0x1A00, s18  }
0x120: {  	[spmem:s2] =	stream.indirect.scatter.add.f32 [tilespmem:s14], [sflag:$0x2], $0x1, s22, s13, $0xb8;
	[tilespmem:$0x6A80] =	vst v63  }
0x121: {  	s23 =	sadd.s32 $0x1A80, s18  }
0x122: {  	[spmem:s2] =	stream.indirect.scatter.add.f32 [tilespmem:s14], [sflag:$0x2], $0x1, s23, s13, $0xb8;
	[tilespmem:$0x6A80] =	vst v63  }
0x123: {  	s24 =	sadd.s32 $0x1B00, s18  }
0x124: {  	[spmem:s2] =	stream.indirect.scatter.add.f32 [tilespmem:s14], [sflag:$0x2], $0x1, s24, s13, $0xb8;
	[tilespmem:$0x6A80] =	vst v63  }
0x125: {  	s25 =	sadd.s32 $0x1B80, s18  }
0x126: {  	[spmem:s2] =	stream.indirect.scatter.add.f32 [tilespmem:s14], [sflag:$0x2], $0x1, s25, s13, $0xb8;
	[tilespmem:$0x6A80] =	vst v63  }
0x127: {  	s26 =	sadd.s32 $0x1C00, s18  }
0x128: {  	[spmem:s2] =	stream.indirect.scatter.add.f32 [tilespmem:s14], [sflag:$0x2], $0x1, s26, s13, $0xb8;
	[tilespmem:$0x6A80] =	vst v63  }
0x129: {  	s28 =	sadd.s32 $0x1C80, s18  }
0x12a: {  	[spmem:s2] =	stream.indirect.scatter.add.f32 [tilespmem:s14], [sflag:$0x2], $0x1, s28, s13, $0xb8;
	[tilespmem:$0x6A80] =	vst v63  }
0x12b: {  	s29 =	sadd.s32 $0x1D00, s18  }
0x12c: {  	[spmem:s2] =	stream.indirect.scatter.add.f32 [tilespmem:s14], [sflag:$0x2], $0x1, s29, s13, $0xb8;
	[tilespmem:$0x6A80] =	vst v63  }
0x12d: {  	s30 =	sadd.s32 $0x1D80, s18  }
0x12e: {  	[spmem:s2] =	stream.indirect.scatter.add.f32 [tilespmem:s14], [sflag:$0x2], $0x1, s30, s13, $0xb8;
	[tilespmem:$0x6A80] =	vst v63  }
0x12f: {  	s31 =	sadd.s32 $0x1E00, s18  }
0x130: {  	[spmem:s2] =	stream.indirect.scatter.add.f32 [tilespmem:s14], [sflag:$0x2], $0x1, s31, s13, $0xb8;
	[tilespmem:$0x6A80] =	vst v63  }
0x131: {  	s20 =	sadd.s32 $0x1E80, s18  }
0x132: {  	[spmem:s2] =	stream.indirect.scatter.add.f32 [tilespmem:s14], [sflag:$0x2], $0x1, s20, s13, $0xb8;
	[tilespmem:$0x6A80] =	vst v63  }
0x133: {  	s21 =	sadd.s32 $0x1F00, s18  }
0x134: {  	[spmem:s2] =	stream.indirect.scatter.add.f32 [tilespmem:s14], [sflag:$0x2], $0x1, s21, s13, $0xb8;
	[tilespmem:$0x6A80] =	vst v63  }
0x135: {  	s22 =	sadd.s32 $0x1F80, s18  }
0x136: {  	[spmem:s2] =	stream.indirect.scatter.add.f32 [tilespmem:s14], [sflag:$0x2], $0x1, s22, s13, $0xb8;
	[tilespmem:$0x6A80] =	vst v63  }
0x137: {  	s23 =	sor.u32 $0x2000, s18  }
0x138: {  	[spmem:s2] =	stream.indirect.scatter.add.f32 [tilespmem:s14], [sflag:$0x2], $0x1, s23, s13, $0xb8;
	[tilespmem:$0x6A80] =	vst v63  }
0x139: {  	s24 =	sor.u32 $0x2080, s18  }
0x13a: {  	[spmem:s2] =	stream.indirect.scatter.add.f32 [tilespmem:s14], [sflag:$0x2], $0x1, s24, s13, $0xb8;
	[tilespmem:$0x6A80] =	vst v63  }
0x13b: {  	s25 =	sor.u32 $0x2100, s18  }
0x13c: {  	[spmem:s2] =	stream.indirect.scatter.add.f32 [tilespmem:s14], [sflag:$0x2], $0x1, s25, s13, $0xb8;
	[tilespmem:$0x6A80] =	vst v63  }
0x13d: {  	s26 =	sor.u32 $0x2180, s18  }
0x13e: {  	[spmem:s2] =	stream.indirect.scatter.add.f32 [tilespmem:s14], [sflag:$0x2], $0x1, s26, s13, $0xb8;
	[tilespmem:$0x6A80] =	vst v63  }
0x13f: {  	s28 =	sor.u32 $0x2200, s18  }
0x140: {  	[spmem:s2] =	stream.indirect.scatter.add.f32 [tilespmem:s14], [sflag:$0x2], $0x1, s28, s13, $0xb8;
	[tilespmem:$0x6A80] =	vst v63  }
0x141: {  	s29 =	sor.u32 $0x2280, s18  }
0x142: {  	[spmem:s2] =	stream.indirect.scatter.add.f32 [tilespmem:s14], [sflag:$0x2], $0x1, s29, s13, $0xb8;
	[tilespmem:$0x6A80] =	vst v63  }
0x143: {  	s30 =	sor.u32 $0x2300, s18  }
0x144: {  	[spmem:s2] =	stream.indirect.scatter.add.f32 [tilespmem:s14], [sflag:$0x2], $0x1, s30, s13, $0xb8;
	[tilespmem:$0x6A80] =	vst v63  }
0x145: {  	s31 =	sor.u32 $0x2380, s18  }
0x146: {  	[spmem:s2] =	stream.indirect.scatter.add.f32 [tilespmem:s14], [sflag:$0x2], $0x1, s31, s13, $0xb8;
	[tilespmem:$0x6A80] =	vst v63  }
0x147: {  	s20 =	sadd.s32 $0x2400, s18  }
0x148: {  	[spmem:s2] =	stream.indirect.scatter.add.f32 [tilespmem:s14], [sflag:$0x2], $0x1, s20, s13, $0xb8;
	[tilespmem:$0x6A80] =	vst v63  }
0x149: {  	s21 =	sadd.s32 $0x2480, s18  }
0x14a: {  	[spmem:s2] =	stream.indirect.scatter.add.f32 [tilespmem:s14], [sflag:$0x2], $0x1, s21, s13, $0xb8;
	[tilespmem:$0x6A80] =	vst v63  }
0x14b: {  	s22 =	sadd.s32 $0x2500, s18  }
0x14c: {  	[spmem:s2] =	stream.indirect.scatter.add.f32 [tilespmem:s14], [sflag:$0x2], $0x1, s22, s13, $0xb8;
	[tilespmem:$0x6A80] =	vst v63  }
0x14d: {  	s23 =	sadd.s32 $0x2580, s18  }
0x14e: {  	[spmem:s2] =	stream.indirect.scatter.add.f32 [tilespmem:s14], [sflag:$0x2], $0x1, s23, s13, $0xb8;
	[tilespmem:$0x6A80] =	vst v63  }
0x14f: {  	s24 =	sadd.s32 $0x2600, s18  }
0x150: {  	[spmem:s2] =	stream.indirect.scatter.add.f32 [tilespmem:s14], [sflag:$0x2], $0x1, s24, s13, $0xb8;
	[tilespmem:$0x6A80] =	vst v63  }
0x151: {  	s25 =	sadd.s32 $0x2680, s18  }
0x152: {  	[spmem:s2] =	stream.indirect.scatter.add.f32 [tilespmem:s14], [sflag:$0x2], $0x1, s25, s13, $0xb8;
	[tilespmem:$0x6A80] =	vst v63  }
0x153: {  	s26 =	sadd.s32 $0x2700, s18  }
0x154: {  	[spmem:s2] =	stream.indirect.scatter.add.f32 [tilespmem:s14], [sflag:$0x2], $0x1, s26, s13, $0xb8;
	[tilespmem:$0x6A80] =	vst v63  }
0x155: {  	s28 =	sadd.s32 $0x2780, s18  }
0x156: {  	[spmem:s2] =	stream.indirect.scatter.add.f32 [tilespmem:s14], [sflag:$0x2], $0x1, s28, s13, $0xb8;
	[tilespmem:$0x6A80] =	vst v63  }
0x157: {  	s29 =	sadd.s32 $0x2800, s18  }
0x158: {  	[spmem:s2] =	stream.indirect.scatter.add.f32 [tilespmem:s14], [sflag:$0x2], $0x1, s29, s13, $0xb8;
	[tilespmem:$0x6A80] =	vst v63  }
0x159: {  	s30 =	sadd.s32 $0x2880, s18  }
0x15a: {  	[spmem:s2] =	stream.indirect.scatter.add.f32 [tilespmem:s14], [sflag:$0x2], $0x1, s30, s13, $0xb8;
	[tilespmem:$0x6A80] =	vst v63  }
0x15b: {  	_ =	swait.ge [sflag:s15], $0x1000  }
0x15c: {  	[sflag:s15] =	ssyncset.done $0x0  }
0x15d: {  	s31 =	sadd.s32 $0x2900, s18;
	[sflag:s15] =	ssyncadd.s32 $0xFFFFF000  }
0x15e: {  	[spmem:s2] =	stream.indirect.scatter.add.f32 [tilespmem:s14], [sflag:$0x2], $0x1, s31, s13, $0xb8;
	[tilespmem:$0x6A80] =	vst v63  }
0x15f: {  	s20 =	sadd.s32 $0x2980, s18  }
0x160: {  	[spmem:s2] =	stream.indirect.scatter.add.f32 [tilespmem:s14], [sflag:$0x2], $0x1, s20, s13, $0xb8;
	[tilespmem:$0x6A80] =	vst v63  }
0x161: {  	s21 =	sadd.s32 $0x2A00, s18  }
0x162: {  	[spmem:s2] =	stream.indirect.scatter.add.f32 [tilespmem:s14], [sflag:$0x2], $0x1, s21, s13, $0xb8;
	[tilespmem:$0x6A80] =	vst v63  }
0x163: {  	s22 =	sadd.s32 $0x2A80, s18  }
0x164: {  	[spmem:s2] =	stream.indirect.scatter.add.f32 [tilespmem:s14], [sflag:$0x2], $0x1, s22, s13, $0xb8;
	[tilespmem:$0x6A80] =	vst v63  }
0x165: {  	s23 =	sadd.s32 $0x2B00, s18  }
0x166: {  	[spmem:s2] =	stream.indirect.scatter.add.f32 [tilespmem:s14], [sflag:$0x2], $0x1, s23, s13, $0xb8;
	[tilespmem:$0x6A80] =	vst v63  }
0x167: {  	s24 =	sadd.s32 $0x2B80, s18  }
0x168: {  	[spmem:s2] =	stream.indirect.scatter.add.f32 [tilespmem:s14], [sflag:$0x2], $0x1, s24, s13, $0xb8;
	[tilespmem:$0x6A80] =	vst v63  }
0x169: {  	s25 =	sadd.s32 $0x2C00, s18  }
0x16a: {  	[spmem:s2] =	stream.indirect.scatter.add.f32 [tilespmem:s14], [sflag:$0x2], $0x1, s25, s13, $0xb8;
	[tilespmem:$0x6A80] =	vst v63  }
0x16b: {  	s26 =	sadd.s32 $0x2C80, s18  }
0x16c: {  	[spmem:s2] =	stream.indirect.scatter.add.f32 [tilespmem:s14], [sflag:$0x2], $0x1, s26, s13, $0xb8;
	[tilespmem:$0x6A80] =	vst v63  }
0x16d: {  	s28 =	sadd.s32 $0x2D00, s18  }
0x16e: {  	[spmem:s2] =	stream.indirect.scatter.add.f32 [tilespmem:s14], [sflag:$0x2], $0x1, s28, s13, $0xb8;
	[tilespmem:$0x6A80] =	vst v63  }
0x16f: {  	s29 =	sadd.s32 $0x2D80, s18  }
0x170: {  	[spmem:s2] =	stream.indirect.scatter.add.f32 [tilespmem:s14], [sflag:$0x2], $0x1, s29, s13, $0xb8;
	[tilespmem:$0x6A80] =	vst v63  }
0x171: {  	s30 =	sadd.s32 $0x2E00, s18  }
0x172: {  	[spmem:s2] =	stream.indirect.scatter.add.f32 [tilespmem:s14], [sflag:$0x2], $0x1, s30, s13, $0xb8;
	[tilespmem:$0x6A80] =	vst v63  }
0x173: {  	s31 =	sadd.s32 $0x2E80, s18  }
0x174: {  	[spmem:s2] =	stream.indirect.scatter.add.f32 [tilespmem:s14], [sflag:$0x2], $0x1, s31, s13, $0xb8;
	[tilespmem:$0x6A80] =	vst v63  }
0x175: {  	s20 =	sadd.s32 $0x2F00, s18  }
0x176: {  	[spmem:s2] =	stream.indirect.scatter.add.f32 [tilespmem:s14], [sflag:$0x2], $0x1, s20, s13, $0xb8;
	[tilespmem:$0x6A80] =	vst v63  }
0x177: {  	s21 =	sadd.s32 $0x2F80, s18  }
0x178: {  	[spmem:s2] =	stream.indirect.scatter.add.f32 [tilespmem:s14], [sflag:$0x2], $0x1, s21, s13, $0xb8;
	[tilespmem:$0x6A80] =	vst v63  }
0x179: {  	s22 =	sadd.s32 $0x3000, s18  }
0x17a: {  	[spmem:s2] =	stream.indirect.scatter.add.f32 [tilespmem:s14], [sflag:$0x2], $0x1, s22, s13, $0xb8;
	[tilespmem:$0x6A80] =	vst v63  }
0x17b: {  	s23 =	sadd.s32 $0x3080, s18  }
0x17c: {  	[spmem:s2] =	stream.indirect.scatter.add.f32 [tilespmem:s14], [sflag:$0x2], $0x1, s23, s13, $0xb8;
	[tilespmem:$0x6A80] =	vst v63  }
0x17d: {  	s24 =	sadd.s32 $0x3100, s18  }
0x17e: {  	[spmem:s2] =	stream.indirect.scatter.add.f32 [tilespmem:s14], [sflag:$0x2], $0x1, s24, s13, $0xb8;
	[tilespmem:$0x6A80] =	vst v63  }
0x17f: {  	s25 =	sadd.s32 $0x3180, s18  }
0x180: {  	[spmem:s2] =	stream.indirect.scatter.add.f32 [tilespmem:s14], [sflag:$0x2], $0x1, s25, s13, $0xb8;
	[tilespmem:$0x6A80] =	vst v63  }
0x181: {  	s26 =	sadd.s32 $0x3200, s18  }
0x182: {  	[spmem:s2] =	stream.indirect.scatter.add.f32 [tilespmem:s14], [sflag:$0x2], $0x1, s26, s13, $0xb8;
	[tilespmem:$0x6A80] =	vst v63  }
0x183: {  	s28 =	sadd.s32 $0x3280, s18  }
0x184: {  	[spmem:s2] =	stream.indirect.scatter.add.f32 [tilespmem:s14], [sflag:$0x2], $0x1, s28, s13, $0xb8;
	[tilespmem:$0x6A80] =	vst v63  }
0x185: {  	s29 =	sadd.s32 $0x3300, s18  }
0x186: {  	[spmem:s2] =	stream.indirect.scatter.add.f32 [tilespmem:s14], [sflag:$0x2], $0x1, s29, s13, $0xb8;
	[tilespmem:$0x6A80] =	vst v63  }
0x187: {  	s30 =	sadd.s32 $0x3380, s18  }
0x188: {  	[spmem:s2] =	stream.indirect.scatter.add.f32 [tilespmem:s14], [sflag:$0x2], $0x1, s30, s13, $0xb8;
	[tilespmem:$0x6A80] =	vst v63  }
0x189: {  	s31 =	sadd.s32 $0x3400, s18  }
0x18a: {  	[spmem:s2] =	stream.indirect.scatter.add.f32 [tilespmem:s14], [sflag:$0x2], $0x1, s31, s13, $0xb8;
	[tilespmem:$0x6A80] =	vst v63  }
0x18b: {  	s18 =	sadd.s32 $0x3480, s18  }
0x18c: {  	[spmem:s2] =	stream.indirect.scatter.add.f32 [tilespmem:s14], [sflag:$0x2], $0x1, s18, s13, $0xb8;
	[tilespmem:$0x6A80] =	vst v63  }
0x18d: {  	_ =	swait.ge [sflag:s15], $0xC00  }
0x18e: {  	s3 =	sadd.s32 $0x1, s3;
	[sflag:s15] =	ssyncset.done $0x0  }
0x18f: {  	p0 =	sne.s32 s3, s7;
	[sflag:s15] =	ssyncadd.s32 $0xFFFFF400  }
.Ltmp2:
0x190: {  	[bflag:$0x0] =	sbarrier.arrive $0xFFFF;
	(pc) =	sbr.rel @p0 .LBB2_1-.Ltmp2, $4  }
0x191: {  	[hbm:s6], [sflag:s16] =	dma.local [spmem:s17], $0x320  }
0x192: {  	_ =	swait.ge [sflag:s10], $0x320  }
0x193: {  	[sflag:s10] =	ssyncset.done $0x0  }
0x194: {  	[sflag:s10] =	ssyncadd.s32 $0xFFFFFCE0  }
0x195: {  	_ =	sfence.sel $0x180000  }
0x196: {  	[bflag:$0x0] =	sbarrier.arrive $0xFFFF  }
0x197: {  	p0 =	sne.s32 s1, $0x0;
	_ =	strace $0x90000047  }
0x198: {  	s0 =	sadd.s32 @!p0 $0x100000, s0;
	[bflag:$0x2] =	sbarrier.arrive $0xFFFF  }
0x199: {  	[sflag:s0] =	ssyncadd.tile.s32 @!p0 $0x1;
	_ =	shalt  }
.Lfunc_end2:
_tile_overlayer_lowered:
.L_overlay_start_2:
0x19a: {  	(tag) =	ssettag $0x2  }
0x19b: {  	s0 =	rddreg [dreg:$0x0];
	s2 =	stileid.u32  }
0x19c: {  	s1 =	rddreg [dreg:$0x1];
	p0 =	sne.s32 s2, $0x0  }
0x19d: {  	s3 =	rddreg [dreg:$0x2];
	[bflag:$0x3] =	sbarrier.arrive $0xFFFF;
	s2 =	simm.s32 @!p0 $0x1C03  }
0x19e: {  	[timem:s3], [sflag:s2] =	dma.local @!p0 [hbm:s0], s1  }
0x19f: {  	s0 =	simm.s32 @!p0 $0x3  }
0x1a0: {  	_ =	swait.ge @!p0 [sflag:s0], s1  }
0x1a1: {  	s1 =	ssub.s32 @!p0 $0x0, s1;
	[sflag:s0] =	ssyncset.done @!p0 $0x0  }
0x1a2: {  	[sflag:s0] =	ssyncadd.s32 @!p0 s1  }
0x1a3: {  	[bflag:$0x3] =	sbarrier.arrive $0xFFFF  }
0x1a4: {  	_ =	shalt  }

// kernel: kernel.9.cloned.1.call-start
scs
__scs_entry_jumppad:
0x0: {  	(pc) =	sbr.rel $0x88, $3  }
0x1: {  	(tag) =	ssettag $0x0;
	lr =	simm.s32 $0x1  }
0x2: {  	[smem:$0x3F9D] =	sst lr;
	_ =	strace $0xD0000000  }
0x3: {  	_ = 	snop  }
0x4: {  	_ = 	snop  }
0x5: {  	_ = 	snop  }
0x6: {  	_ = 	snop  }
0x7: {  	_ = 	snop  }
__scs_overlays_trampoline_lowered:
0x8: {  	[smem:$0x3FAC] =	sst s0  }
0x9: {  	[smem:$0x3FAD] =	sst s1  }
0xa: {  	[smem:$0x3FAE] =	sst s2  }
0xb: {  	[smem:$0x3FAF] =	sst s3  }
0xc: {  	[smem:$0x3FB0] =	sst s4  }
0xd: {  	[smem:$0x3FB1] =	sst s5  }
0xe: {  	[smem:$0x3FB2] =	sst s6  }
0xf: {  	[smem:$0x3FB3] =	sst s7  }
0x10: {  	[smem:$0x3FB4] =	sst s8  }
0x11: {  	[smem:$0x3FB5] =	sst s9;
	s0 =	simm.s32 @!p0 $0x0  }
0x12: {  	s1 =	sld [smem:$0x3F9B];
	s0 =	simm.s32 @p0 $0x1  }
0x13: {  	[smem:$0x3FB6] =	sst s0;
	s0 =	simm.s32 @!p1 $0x0  }
0x14: {  	s2 =	sld [smem:$0x3F9A];
	s0 =	simm.s32 @p1 $0x1  }
0x15: {  	[smem:$0x3FB7] =	sst s0;
	s0 =	simm.s32 @!p2 $0x0  }
0x16: {  	s3 =	sld [smem:$0x3FDB];
	s0 =	simm.s32 @p2 $0x1  }
0x17: {  	s4 =	simm.s32 $0x1BF5;
	[smem:$0x3FB9] =	sst s0  }
0x18: {  	s0 =	sld [smem:$0x3F9C];
	_ =	swait.ge [sflag:s4], $0x0  }
0x19: {  	s7 =	sld [smem:$0x3F9D]  }
0x1a: {  	s8 =	sadd.s32 $0xFFFFE003, lr  }
0x1b: {  	s9 =	sadd.s32 $0xFFFFFEF7, lr;
	s5 =	simm.s32 $0xFFFFFFFF;
	p2 =	slt.u32 s8, $0xFFFFF086  }
0x1c: {  	p1 =	slt.u32 s9, $0xF7A;
	s5 =	simm.s32 @!p2 $0x0  }
0x1d: {  	s5 =	simm.s32 @p1 $0x1;
	p0 =	seq.s32 s7, s2  }
0x1e: {  	s7 =	smul.u32 @!p0 $0xF7A, s2;
	p2 =	seq.s32 @!p0 s5, $0x0  }
0x1f: {  	s9 =	smul.u32 $0xF7A, s1;
	s8 =	simm.s32 @!p0 $0x1BF5;
	p2 =	por !p2, p0  }
0x20: {  	[sflag:s8] =	ssyncset.s32 @!p0 $0xFFFFF086;
	s6 =	sadd.s32 @!p0 s3, s7;
	s7 =	simm.s32 @!p0 $0x108  }
0x21: {  	s3 =	sadd.s32 s3, s9;
	s6 =	sadd.s32 @!p0 $0x88, s6;
	s7 =	simm.s32 @p2 $0x1082  }
0x22: {  	[simem:s7], [sflag:s8] =	dma.local @!p0 [hbm:s6], $0xF7A  }
0x23: {  	s9 =	sor.u32 $0xD0000000, s2;
	s6 =	simm.s32 $0x108;
	_ =	swait.ge @!p0 [sflag:s8], $0x0  }
0x24: {  	s3 =	sadd.s32 $0x88, s3;
	s6 =	simm.s32 @!p1 $0x1082;
	[sflag:s4] =	ssyncset.s32 $0xFFFFF086  }
0x25: {  	[simem:s6], [sflag:s4] =	dma.local [hbm:s3], $0xF7A  }
0x26: {  	[smem:$0x3F9D] =	sst s1;
	(tag) =	ssettag s2;
	_ =	strace s9  }
0x27: {  	s1 =	sld [smem:$0x3FAD]  }
0x28: {  	s2 =	sld [smem:$0x3FAE]  }
0x29: {  	s4 =	sld [smem:$0x3FB0]  }
0x2a: {  	p0 =	seq.s32 s5, $0x0;
	s5 =	sld [smem:$0x3FB1]  }
0x2b: {  	s6 =	sld [smem:$0x3FB2]  }
0x2c: {  	s7 =	sld [smem:$0x3FB3]  }
0x2d: {  	s3 =	simm.s32 $0x108;
	s8 =	sld [smem:$0x3FB4]  }
0x2e: {  	s3 =	simm.s32 @!p0 $0x1082;
	s9 =	sld [smem:$0x3FB5]  }
0x2f: {  	lr =	sadd.s32 s0, s3;
	s0 =	sld [smem:$0x3FAC]  }
0x30: {  	s3 =	sld [smem:$0x3FAF]  }
0x31: {  	[smem:$0x3FB8] =	sst s10  }
0x32: {  	s10 =	sld [smem:$0x3FB6];
	_ =	sdelay $0x3  }
0x33: {  	p0 =	seq.s32 s10, $0x1;
	s10 =	sld [smem:$0x3FB8];
	_ =	sdelay $0x3  }
0x34: {  	[smem:$0x3FB8] =	sst s10  }
0x35: {  	s10 =	sld [smem:$0x3FB7];
	_ =	sdelay $0x3  }
0x36: {  	p1 =	seq.s32 s10, $0x1;
	s10 =	sld [smem:$0x3FB8];
	_ =	sdelay $0x3  }
0x37: {  	[smem:$0x3FB8] =	sst s10  }
0x38: {  	s10 =	sld [smem:$0x3FB9]  }
0x39: {  	_ = 	snop;
	(pc) =	sbr.ind lr, $3  }
0x3a: {  	_ = 	snop  }
0x3b: {  	_ = 	snop  }
0x3c: {  	p2 =	seq.s32 s10, $0x1;
	s10 =	sld [smem:$0x3FB8]  }
0x3d: {  	_ =	shalt  }
0x3e: {  	_ =	shalt  }
0x3f: {  	_ =	shalt  }
0x40: {  	_ =	shalt  }
0x41: {  	_ =	shalt  }
0x42: {  	_ =	shalt  }
0x43: {  	_ =	shalt  }
0x44: {  	_ =	shalt  }
0x45: {  	_ =	shalt  }
0x46: {  	_ =	shalt  }
0x47: {  	_ =	shalt  }
0x48: {  	_ =	shalt  }
0x49: {  	_ =	shalt  }
0x4a: {  	_ =	shalt  }
0x4b: {  	_ =	shalt  }
0x4c: {  	_ =	shalt  }
0x4d: {  	_ =	shalt  }
0x4e: {  	_ =	shalt  }
0x4f: {  	_ =	shalt  }
0x50: {  	_ =	shalt  }
0x51: {  	_ =	shalt  }
0x52: {  	_ =	shalt  }
0x53: {  	_ =	shalt  }
0x54: {  	_ =	shalt  }
0x55: {  	_ =	shalt  }
0x56: {  	_ =	shalt  }
0x57: {  	_ =	shalt  }
0x58: {  	_ =	shalt  }
0x59: {  	_ =	shalt  }
0x5a: {  	_ =	shalt  }
0x5b: {  	_ =	shalt  }
0x5c: {  	_ =	shalt  }
0x5d: {  	_ =	shalt  }
0x5e: {  	_ =	shalt  }
0x5f: {  	_ =	shalt  }
0x60: {  	_ =	shalt  }
0x61: {  	_ =	shalt  }
0x62: {  	_ =	shalt  }
0x63: {  	_ =	shalt  }
0x64: {  	_ =	shalt  }
0x65: {  	_ =	shalt  }
0x66: {  	_ =	shalt  }
0x67: {  	_ =	shalt  }
0x68: {  	_ =	shalt  }
0x69: {  	_ =	shalt  }
0x6a: {  	_ =	shalt  }
0x6b: {  	_ =	shalt  }
0x6c: {  	_ =	shalt  }
0x6d: {  	_ =	shalt  }
0x6e: {  	_ =	shalt  }
0x6f: {  	_ =	shalt  }
0x70: {  	_ =	shalt  }
0x71: {  	_ =	shalt  }
0x72: {  	_ =	shalt  }
0x73: {  	_ =	shalt  }
0x74: {  	_ =	shalt  }
0x75: {  	_ =	shalt  }
0x76: {  	_ =	shalt  }
0x77: {  	_ =	shalt  }
0x78: {  	_ =	shalt  }
0x79: {  	_ =	shalt  }
0x7a: {  	_ =	shalt  }
0x7b: {  	_ =	shalt  }
0x7c: {  	_ =	shalt  }
0x7d: {  	_ =	shalt  }
0x7e: {  	_ =	shalt  }
0x7f: {  	_ =	shalt  }
0x80: {  	_ =	shalt  }
0x81: {  	_ =	shalt  }
0x82: {  	_ =	shalt  }
0x83: {  	_ =	shalt  }
0x84: {  	_ =	shalt  }
0x85: {  	_ =	shalt  }
0x86: {  	_ =	shalt  }
0x87: {  	_ =	shalt  }
.Lfunc_end0:
.L_simem_size_0:
called_computation.1_lowered:
.L_overlay_start_0:
0x88: {  	s2 =	sld [smem:$0x3FD9]  }
0x89: {  	s3 =	sld [smem:$0x3FFE];
	_ =	sdelay $0x1  }
0x8a: {  	s1 =	srdreg.scid  }
0x8b: {  	s0 =	sand.u32 $0x1, s1  }
0x8c: {  	s16 =	sshll.u32 s0, $0xA;
	s2 =	sadd.s32 s3, s2  }
0x8d: {  	s2 =	sadd.s32 s2, s16  }
0x8e: {  	[smem:$0x3FC4] =	sst s2  }
0x8f: {  	_ = 	snop  }
0x90: {  	(tm) =	ssettm $0x1  }
0x91: {  	s17 =	sld [smem:$0x3FFB];
	_ =	sdelay $0x3  }
0x92: {  	_ =	strace s17  }
0x93: {  	s2 =	sld [smem:$0x3FFC];
	_ =	sdelay $0x3  }
0x94: {  	_ =	strace s2  }
0x95: {  	s2 =	sld [smem:$0x3FFD];
	_ =	sdelay $0x3  }
0x96: {  	_ =	strace s2  }
0x97: {  	_ =	strace $0x8FFFFFFF  }
0x98: {  	s18 =	sld [smem:$0x3FDB];
	_ =	sdelay $0x1  }
0x99: {  	s19 =	simm.s32 $_scs_section_size  }
0x9a: {  	s4 =	simm.s32 $_size__tile_overlayer_lowered;
	s5 =	simm.s32 $_tile_overlayer_lowered  }
0x9b: {  	s22 =	simm.s32 $0x1BFF;
	s21 =	sshll.u32 s5, $0x1;
	s2 =	sadd.s32 s19, s18  }
0x9c: {  	s6 =	simm.s32 $0x0;
	s20 =	sshll.u32 s4, $0x1;
	s4 =	sadd.s32 s21, s2  }
0x9d: {  	[timem:s6], [sflag:s22] =	dma.local [hbm:s4], s20  }
0x9e: {  	_ =	swait.ge [sflag:s22], s20  }
0x9f: {  	s3 =	ssub.s32 $0x0, s20;
	[sflag:s22] =	ssyncset.done $0x0  }
0xa0: {  	[sflag:s22] =	ssyncadd.s32 s3;
	_ =	sdelay $0x1  }
0xa1: {  	s23 =	simm.s32 $0x1B8B  }
0xa2: {  	_ =	swait.ge [sflag:s23], $0x1  }
0xa3: {  	[sflag:s23] =	ssyncset.done $0x0  }
0xa4: {  	s25 =	simm.s32 $0x1B8E;
	s24 =	sld [smem:$0x3FFE];
	[sflag:s23] =	ssyncadd.s32 $0xFFFFFFFF  }
0xa5: {  	s26 =	simm.s32 $execute0_lowered;
	[smem:$0x3FD2] =	sst s25  }
0xa6: {  	s4 =	sshll.u32 s26, $0x1;
	_ =	strace $0x80000049;
	[dreg:$0x1] =	wrdreg $0xFFFFFFFF  }
0xa7: {  	s28 =	simm.s32 $_size_execute0_lowered;
	s2 =	sadd.s32 s2, s4;
	[dreg:$0x0] =	wrdreg $0x0  }
0xa8: {  	s4 =	sshll.u32 s28, $0x1;
	[dreg:$0x2] =	wrdreg s2  }
0xa9: {  	[dreg:$0x3] =	wrdreg s4  }
0xaa: {  	[dreg:$0x4] =	wrdreg $0xC0  }
0xab: {  	_ =	task [dreg:s6], $0x5FFFF  }
0xac: {  	[dreg:$0x1] =	wrdreg $0xFFFFFFFF  }
0xad: {  	[dreg:$0x0] =	wrdreg $0x60  }
0xae: {  	[dreg:$0x2] =	wrdreg s24  }
0xaf: {  	[dreg:$0x3] =	wrdreg $0x0  }
0xb0: {  	[dreg:$0x4] =	wrdreg $0x190000  }
0xb1: {  	[dreg:$0x5] =	wrdreg $0x9  }
0xb2: {  	_ =	task.clear_ibuf [dreg:s6], $0x6FFFF;
	_ =	strace $0x90000049  }
0xb3: {  	s29 =	simm.s32 $0x9;
	_ =	strace $0x8000004B  }
0xb4: {  	_ =	swait.ge [sflag:s29], $0x1  }
0xb5: {  	[sflag:s29] =	ssyncadd.s32 $0xFFFFFFFF  }
0xb6: {  	_ =	strace $0x9000004B  }
0xb7: {  	_ =	sfence  }
0xb8: {  	s30 =	sld [smem:$0x0];
	_ =	sdelay $0x2  }
0xb9: {  	s31 =	sshll.u32 s1, $0xD;
	s1 =	sshrl.u32 s1, $0x2  }
0xba: {  	s3 =	sand.u32 $0x4000, s31;
	s1 =	sadd.s32 s1, s30  }
0xbb: {  	s0 =	sor.u32 s3, s0;
	s1 =	sshll.u32 s1, $0x11  }
0xbc: {  	s0 =	sor.u32 s1, s0  }
0xbd: {  	s0 =	sadd.s32 $0x8F2B, s0  }
0xbe: {  	[sflag:s0] =	ssyncadd.remote.s32 $0x1  }
0xbf: {  	_ =	sfence.sel $0xFFFF  }
0xc0: {  	[dreg:$0x0] =	wrdreg $0xFFFFFFFF;
	(pc) =	sbr.abs _section_cstart, $3  }
0xc1: {  	[dreg:$0x1] =	wrdreg $0xFFFFFFFF  }
0xc2: {  	_ =	task.clear_ibuf [dreg:s6], $0x2FFFF;
	_ =	strace $0x9FFFFFFF  }
0xc3: {  	(tm) =	ssettm $0x7FFFFFFF  }
tec
execute0_lowered:
.L_overlay_start_1:
0x0: {  	(tag) =	ssettag $0x1  }
0x1: {  	s0 =	rddreg [dreg:$0x0]  }
0x2: {  	s1 =	rddreg [dreg:$0x1]  }
0x3: {  	s2 =	rddreg [dreg:$0x2];
	s3 =	srdreg.scid  }
0x4: {  	s4 =	simm.s32 $0x0;
	s14 =	stileid.u32;
	s16 =	simm.s32 $0x4  }
0x5: {  	s17 =	simm.s32 $0x1;
	s18 =	simm.s32 $0x1A900;
	s20 =	simm.s32 $0x80  }
0x6: {  	s19 =	simm.s32 $0x1BC00;
	s21 =	simm.s32 $0x1AC80;
	s22 =	simm.s32 $0x1BC80  }
0x7: {  	s23 =	simm.s32 $0x2;
	s24 =	simm.s32 $0x3;
	s6 =	smul.u32 $0x1900, s14  }
0x8: {  	s3 =	sand.u32 $0x1, s3;
	[smem:$0x7FF] =	sst s4;
	s9 =	smul.u32 $0x64000, s14  }
0x9: {  	s11 =	sadd.s32 $0x32800, s0;
	s12 =	sadd.s32 $0x1800, s0;
	s26 =	smul.u32 $0x31, s14  }
0xa: {  	s29 =	sshll.u32 s14, $0x6;
	s5 =	sshll.u32 s3, $0x4;
	_ =	strace $0x8000004A  }
0xb: {  	s25 =	ssub.s32 $0x2, s3;
	s3 =	smul.u32 $0x310, s3;
	s7 =	sor.u32 s14, s5  }
0xc: {  	s8 =	sshrl.u32 s6, $0x3;
	s10 =	sshrl.u32 s25, $0x1;
	s9 =	sshrl.u32 s9, $0x2  }
0xd: {  	s15 =	sadd.s32 s6, s2;
	s14 =	simm.s32 $0x1D100;
	s5 =	smul.u32 $0x3200, s7  }
0xe: {  	s8 =	sadd.s32 s8, s0;
	s13 =	ssub.s32 s25, s10;
	s30 =	smul.u32 $0x1880, s7  }
0xf: {  	s7 =	sor.u32 $0x1C04, s29;
	s3 =	sadd.s32 s26, s3;
	s15 =	sshrl.u32 s15, $0x3  }
0x10: {  	s6 =	sadd.s32 $0x63800, s8;
	s3 =	sshll.u32 s3, $0x7;
	s0 =	sadd.s32 s5, s0  }
0x11: {  	s5 =	sadd.s32 s9, s1;
	s8 =	sadd.s32 s11, s30;
	s9 =	sadd.s32 s12, s30  }
0x12: {  	s31 =	sadd.s32 s3, s11;
	s3 =	sadd.s32 s3, s12;
	s11 =	smax.u32 s13, $0x1  }
0x13: {  	v0 =	vimm.f32 $0.0e+00;
	s10 =	sadd.s32 $0x66A00, s0;
	s28 =	sadd.s32 $0x80, s31;
	s26 =	sadd.s32 $0x80, s3  }
.LBB2_1:
0x14: {  	s12 =	simm.s32 $0x0  }
.LBB2_2:
0x15: {  	p0 =	sne.s32 s12, $0x1FC0  }
.Ltmp0:
0x16: {  	_ = 	snop;
	(pc) =	sbr.rel @p0 .LBB2_2-.Ltmp0, $3  }
0x17: {  	_ =	sdelay $0x1  }
0x18: {  	s13 =	sshra.s32 s12, $0x2  }
0x19: {  	s12 =	sadd.s32 $0x40, s12;
	[tilespmem:s13+$0x1D100] =	vst v0  }
0x1a: {  	s12 =	simm.s32 $0x2000;
	s13 =	sadd.s32 $0x0, s5  }
.LBB2_4:
0x1b: {  	[spmem:s13] =	stream.linear.scatter [tilespmem:s14], [sflag:$0x1], $0x800, $0x38;
	[tilespmem:$0x1D900] =	vst v63  }
0x1c: {  	s13 =	smov.u32 s12;
	p0 =	sne.s32 s12, $0x62000  }
.Ltmp1:
0x1d: {  	s12 =	sadd.s32 $0x2000, s12;
	(pc) =	sbr.rel @p0 .LBB2_4-.Ltmp1, $3  }
0x1e: {  	_ =	sdelay $0x1  }
0x1f: {  	s13 =	sshra.s32 s13, $0x2  }
0x20: {  	s13 =	sadd.s32 s13, s5  }
0x21: {  	[spmem:s13] =	stream.linear.scatter [tilespmem:s14], [sflag:$0x1], $0x800, $0x38;
	[tilespmem:$0x1D900] =	vst v63  }
0x22: {  	[spmem:s15], [sflag:s7] =	dma.local [hbm:s6], $0x320  }
0x23: {  	_ =	swait.ge [sflag:s16], $0x320  }
0x24: {  	[sflag:s16] =	ssyncset.done $0x0  }
0x25: {  	[sflag:s16] =	ssyncadd.s32 $0xFFFFFCE0  }
0x26: {  	_ =	swait.ge [sflag:s17], $0x800  }
0x27: {  	s12 =	simm.s32 $0x31;
	[sflag:s17] =	ssyncset.done $0x0  }
.LBB2_6:
0x28: {  	p0 =	sne.s32 s12, $0x1;
	s12 =	sadd.s32 $0xFFFFFFFF, s12;
	[sflag:s17] =	ssyncadd.s32 $0xFFFFF800  }
.Ltmp2:
0x29: {  	(pc) =	sbr.rel @p0 .LBB2_6-.Ltmp2, $3  }
0x2a: {  	_ =	sdelay $0x1  }
0x2b: {  	_ =	swait.ge [sflag:s17], $0x800  }
0x2c: {  	[sflag:s17] =	ssyncset.done $0x0  }
0x2d: {  	[sflag:s17] =	ssyncadd.s32 $0xFFFFF800  }
0x2e: {  	s25 =	simm.s32 $0x0;
	[bflag:$0x0] =	sbarrier.arrive $0xFFFF  }
0x2f: {  	[tilespmem:s18], [sflag:$0x1] =	stream.linear.gather [hbm4b:s8+s25], $0x400, $0x38;
	[tilespmem:$0x1D900] =	vst v63  }
0x30: {  	s0 =	simm.s32 $0x1B100  }
0x31: {  	[tilespmem:s0], [sflag:$0x1] =	stream.linear.gather [hbm4b:s9+s25], $0x400, $0x38;
	[tilespmem:$0x1D900] =	vst v63  }
0x32: {  	_ =	swait.ge [sflag:s17], $0x400  }
0x33: {  	[sflag:s17] =	ssyncset.done $0x0  }
0x34: {  	[sflag:s17] =	ssyncadd.s32 $0xFFFFFC00  }
0x35: {  	_ =	swait.ge [sflag:s17], $0x400  }
0x36: {  	[sflag:s17] =	ssyncset.done $0x0  }
0x37: {  	s3 =	simm.s32 $0x1B900;
	[sflag:s17] =	ssyncadd.s32 $0xFFFFFC00  }
0x38: {  	[tilespmem:s3], [sflag:$0x2] =	stream.indirect.gather [spmem:s2], $0x1, s18, s20, $0xb8;
	[tilespmem:$0x1D900] =	vst v63  }
0x39: {  	s12 =	simm.s32 $0x1A980;
	s3 =	simm.s32 $0x1B980  }
0x3a: {  	[tilespmem:s3], [sflag:$0x2] =	stream.indirect.gather [spmem:s2], $0x1, s12, s20, $0xb8;
	[tilespmem:$0x1D900] =	vst v63  }
0x3b: {  	s13 =	simm.s32 $0x1AA00;
	s29 =	simm.s32 $0x1BA00  }
0x3c: {  	[tilespmem:s29], [sflag:$0x2] =	stream.indirect.gather [spmem:s2], $0x1, s13, s20, $0xb8;
	[tilespmem:$0x1D900] =	vst v63  }
0x3d: {  	s30 =	simm.s32 $0x1AA80;
	s31 =	simm.s32 $0x1BA80  }
0x3e: {  	[tilespmem:s31], [sflag:$0x2] =	stream.indirect.gather [spmem:s2], $0x1, s30, s20, $0xb8;
	[tilespmem:$0x1D900] =	vst v63  }
0x3f: {  	s12 =	simm.s32 $0x1AB00;
	s13 =	simm.s32 $0x1BB00  }
0x40: {  	[tilespmem:s13], [sflag:$0x2] =	stream.indirect.gather [spmem:s2], $0x1, s12, s20, $0xb8;
	[tilespmem:$0x1D900] =	vst v63  }
0x41: {  	s29 =	simm.s32 $0x1AB80;
	s30 =	simm.s32 $0x1BB80  }
0x42: {  	[tilespmem:s30], [sflag:$0x2] =	stream.indirect.gather [spmem:s2], $0x1, s29, s20, $0xb8;
	[tilespmem:$0x1D900] =	vst v63  }
0x43: {  	s31 =	simm.s32 $0x1AC00  }
0x44: {  	[tilespmem:s19], [sflag:$0x2] =	stream.indirect.gather [spmem:s2], $0x1, s31, s20, $0xb8;
	[tilespmem:$0x1D900] =	vst v63  }
0x45: {  	s13 =	smov.u32 s26;
	s12 =	smov.u32 s28  }
0x46: {  	[tilespmem:s22], [sflag:$0x2] =	stream.indirect.gather [spmem:s2], $0x1, s21, s20, $0xb8;
	[tilespmem:$0x1D900] =	vst v63  }
.LBB2_8:
0x47: {  	s31 =	sand.u32 $0x1, s25  }
0x48: {  	p0 =	seq.s32 s25, $0x30;
	s29 =	sxor.u32 $0x1, s31  }
0x49: {  	s29 =	sshll.u32 @!p0 s29, $0xA  }
0x4a: {  	s0 =	simm.s32 @!p0 $0x0;
	s30 =	sor.u32 @!p0 $0x1A900, s29  }
0x4b: {  	[tilespmem:s30], [sflag:$0x1] =	stream.linear.gather @!p0 [hbm4b:s12+s0], $0x400, $0x38;
	[tilespmem:$0x1D900] =	vst v63  }
0x4c: {  	s3 =	sor.u32 @!p0 $0x1B100, s29  }
0x4d: {  	[tilespmem:s3], [sflag:$0x1] =	stream.linear.gather @!p0 [hbm4b:s13+s0], $0x400, $0x38;
	[tilespmem:$0x1D900] =	vst v63  }
0x4e: {  	_ =	swait.ge [sflag:s23], $0x400  }
0x4f: {  	p1 =	slt.u32 s25, $0x2;
	[sflag:s23] =	ssyncset.done $0x0  }
0x50: {  	s0 =	simm.s32 @!p1 $0x3;
	[sflag:s23] =	ssyncadd.s32 $0xFFFFFC00  }
0x51: {  	_ =	swait.ge @!p1 [sflag:s0], $0x400  }
0x52: {  	[sflag:s0] =	ssyncset.done @!p1 $0x0  }
0x53: {  	s31 =	sshll.u32 s31, $0xA;
	[sflag:s0] =	ssyncadd.s32 @!p1 $0xFFFFFC00  }
0x54: {  	v1 =	vld [tilespmem:s31+$0x1B900];
	_ =	sdelay $0x1  }
0x55: {  	v2 =	vld [tilespmem:s31+$0x1B910]  }
0x56: {  	v3 =	vld [tilespmem:s31+$0x1B100]  }
0x57: {  	v4 =	vld [tilespmem:s31+$0x1B920]  }
0x58: {  	v6 =	vld [tilespmem:s31+$0x1B110];
	v5 =	vand.u32 $0xF, v1  }
0x59: {  	v7 =	vld [tilespmem:s31+$0x1B930];
	v5 =	vmul.u32 $0x19000, v5  }
0x5a: {  	v9 =	vld [tilespmem:s31+$0x1B120];
	v8 =	vand.u32 $0xF, v2  }
0x5b: {  	v24 =	vld [tilespmem:s31+$0x1B940];
	v23 =	vmul.u32 $0x19000, v8;
	v3 =	vadd.s32 v3, v5  }
0x5c: {  	v10 =	vld [tilespmem:s31+$0x1B130];
	v1 =	vand.u32 $0xFFFFFFF0, v1;
	[tilespmem:s31+$0x1C100] =	vst v3;
	v3 =	vand.u32 $0xF, v4  }
0x5d: {  	v25 =	vld [tilespmem:s31+$0x1B950];
	[tilespmem:s31+$0x1C900] =	vst v1;
	v1 =	vadd.s32 v6, v23;
	v3 =	vmul.u32 $0x19000, v3  }
0x5e: {  	v26 =	vld [tilespmem:s31+$0x1B140];
	[tilespmem:s31+$0x1C110] =	vst v1;
	v1 =	vand.u32 $0xFFFFFFF0, v2;
	v2 =	vand.u32 $0xF, v7  }
0x5f: {  	[tilespmem:s31+$0x1C910] =	vst v1;
	v2 =	vmul.u32 $0x19000, v2;
	v1 =	vadd.s32 v9, v3;
	v3 =	vld [tilespmem:s31+$0x1B960]  }
0x60: {  	v28 =	vld [tilespmem:s31+$0x1B150];
	v27 =	vand.u32 $0xF, v24;
	[tilespmem:s31+$0x1C120] =	vst v1;
	v1 =	vand.u32 $0xFFFFFFF0, v4  }
0x61: {  	v29 =	vld [tilespmem:s31+$0x1B970];
	[tilespmem:s31+$0x1C920] =	vst v1;
	v1 =	vadd.s32 v10, v2;
	v2 =	vmul.u32 $0x19000, v27  }
0x62: {  	v31 =	vld [tilespmem:s31+$0x1B160];
	v30 =	vand.u32 $0xF, v25;
	[tilespmem:s31+$0x1C130] =	vst v1;
	v1 =	vand.u32 $0xFFFFFFF0, v7  }
0x63: {  	[tilespmem:s31+$0x1C930] =	vst v1;
	v1 =	vadd.s32 v26, v2;
	v2 =	vmul.u32 $0x19000, v30  }
0x64: {  	v33 =	vld [tilespmem:s31+$0x1B170];
	[tilespmem:s31+$0x1C140] =	vst v1;
	v1 =	vand.u32 $0xFFFFFFF0, v24;
	v32 =	vand.u32 $0xF, v3  }
0x65: {  	[tilespmem:s31+$0x1C940] =	vst v1;
	v1 =	vadd.s32 v28, v2;
	v2 =	vmul.u32 $0x19000, v32  }
0x66: {  	v34 =	vand.u32 $0xF, v29;
	[tilespmem:s31+$0x1C150] =	vst v1;
	v1 =	vand.u32 $0xFFFFFFF0, v25  }
0x67: {  	[tilespmem:s31+$0x1C950] =	vst v1;
	v1 =	vadd.s32 v31, v2;
	v2 =	vmul.u32 $0x19000, v34  }
0x68: {  	[tilespmem:s31+$0x1C160] =	vst v1;
	v1 =	vand.u32 $0xFFFFFFF0, v3  }
0x69: {  	[tilespmem:s31+$0x1C960] =	vst v1;
	v1 =	vadd.s32 v33, v2  }
0x6a: {  	[tilespmem:s31+$0x1C170] =	vst v1;
	v1 =	vand.u32 $0xFFFFFFF0, v29  }
0x6b: {  	s3 =	sor.u32 $0x1C900, s31;
	s0 =	sor.u32 $0x1C100, s31;
	[tilespmem:s31+$0x1C970] =	vst v1  }
0x6c: {  	[spmem:s1] =	stream.indirect.scatter.add.f32 [tilespmem:s3], [sflag:$0x3], $0x1, s0, s20, $0xb8;
	[tilespmem:$0x1D900] =	vst v63  }
0x6d: {  	v1 =	vld [tilespmem:s31+$0x1B980];
	_ =	sdelay $0x1  }
0x6e: {  	v2 =	vld [tilespmem:s31+$0x1B990]  }
0x6f: {  	v3 =	vld [tilespmem:s31+$0x1B180]  }
0x70: {  	v35 =	vld [tilespmem:s31+$0x1B9A0]  }
0x71: {  	v37 =	vld [tilespmem:s31+$0x1B190];
	v36 =	vand.u32 $0xF, v1  }
0x72: {  	v38 =	vld [tilespmem:s31+$0x1B9B0];
	v5 =	vmul.u32 $0x19000, v36  }
0x73: {  	v40 =	vld [tilespmem:s31+$0x1B1A0];
	v39 =	vand.u32 $0xF, v2  }
0x74: {  	v42 =	vld [tilespmem:s31+$0x1B9C0];
	v41 =	vmul.u32 $0x19000, v39;
	v3 =	vadd.s32 v3, v5  }
0x75: {  	v43 =	vld [tilespmem:s31+$0x1B1B0];
	v1 =	vand.u32 $0xFFFFFFF0, v1;
	[tilespmem:s31+$0x1C180] =	vst v3;
	v3 =	vand.u32 $0xF, v35  }
0x76: {  	v44 =	vld [tilespmem:s31+$0x1B9D0];
	[tilespmem:s31+$0x1C980] =	vst v1;
	v1 =	vadd.s32 v37, v41;
	v3 =	vmul.u32 $0x19000, v3  }
0x77: {  	v45 =	vld [tilespmem:s31+$0x1B1C0];
	[tilespmem:s31+$0x1C190] =	vst v1;
	v1 =	vand.u32 $0xFFFFFFF0, v2;
	v2 =	vand.u32 $0xF, v38  }
0x78: {  	[tilespmem:s31+$0x1C990] =	vst v1;
	v2 =	vmul.u32 $0x19000, v2;
	v1 =	vadd.s32 v40, v3;
	v3 =	vld [tilespmem:s31+$0x1B9E0]  }
0x79: {  	v47 =	vld [tilespmem:s31+$0x1B1D0];
	v46 =	vand.u32 $0xF, v42;
	[tilespmem:s31+$0x1C1A0] =	vst v1;
	v1 =	vand.u32 $0xFFFFFFF0, v35  }
0x7a: {  	v48 =	vld [tilespmem:s31+$0x1B9F0];
	[tilespmem:s31+$0x1C9A0] =	vst v1;
	v1 =	vadd.s32 v43, v2;
	v2 =	vmul.u32 $0x19000, v46  }
0x7b: {  	v50 =	vld [tilespmem:s31+$0x1B1E0];
	v49 =	vand.u32 $0xF, v44;
	[tilespmem:s31+$0x1C1B0] =	vst v1;
	v1 =	vand.u32 $0xFFFFFFF0, v38  }
0x7c: {  	[tilespmem:s31+$0x1C9B0] =	vst v1;
	v1 =	vadd.s32 v45, v2;
	v2 =	vmul.u32 $0x19000, v49  }
0x7d: {  	v52 =	vld [tilespmem:s31+$0x1B1F0];
	[tilespmem:s31+$0x1C1C0] =	vst v1;
	v1 =	vand.u32 $0xFFFFFFF0, v42;
	v51 =	vand.u32 $0xF, v3  }
0x7e: {  	[tilespmem:s31+$0x1C9C0] =	vst v1;
	v1 =	vadd.s32 v47, v2;
	v2 =	vmul.u32 $0x19000, v51  }
0x7f: {  	v53 =	vand.u32 $0xF, v48;
	[tilespmem:s31+$0x1C1D0] =	vst v1;
	v1 =	vand.u32 $0xFFFFFFF0, v44  }
0x80: {  	[tilespmem:s31+$0x1C9D0] =	vst v1;
	v1 =	vadd.s32 v50, v2;
	v2 =	vmul.u32 $0x19000, v53  }
0x81: {  	[tilespmem:s31+$0x1C1E0] =	vst v1;
	v1 =	vand.u32 $0xFFFFFFF0, v3  }
0x82: {  	[tilespmem:s31+$0x1C9E0] =	vst v1;
	v1 =	vadd.s32 v52, v2  }
0x83: {  	[tilespmem:s31+$0x1C1F0] =	vst v1;
	v1 =	vand.u32 $0xFFFFFFF0, v48  }
0x84: {  	s0 =	sor.u32 $0x1C180, s31;
	s3 =	sor.u32 $0x1C980, s31;
	[tilespmem:s31+$0x1C9F0] =	vst v1  }
0x85: {  	[spmem:s1] =	stream.indirect.scatter.add.f32 [tilespmem:s3], [sflag:$0x3], $0x1, s0, s20, $0xb8;
	[tilespmem:$0x1D900] =	vst v63  }
0x86: {  	v1 =	vld [tilespmem:s31+$0x1BA00];
	_ =	sdelay $0x1  }
0x87: {  	v2 =	vld [tilespmem:s31+$0x1BA10]  }
0x88: {  	v3 =	vld [tilespmem:s31+$0x1B200]  }
0x89: {  	v54 =	vld [tilespmem:s31+$0x1BA20]  }
0x8a: {  	v56 =	vld [tilespmem:s31+$0x1B210];
	v55 =	vand.u32 $0xF, v1  }
0x8b: {  	v57 =	vld [tilespmem:s31+$0x1BA30];
	v5 =	vmul.u32 $0x19000, v55  }
0x8c: {  	v59 =	vld [tilespmem:s31+$0x1B220];
	v58 =	vand.u32 $0xF, v2  }
0x8d: {  	v61 =	vld [tilespmem:s31+$0x1BA40];
	v60 =	vmul.u32 $0x19000, v58;
	v3 =	vadd.s32 v3, v5  }
0x8e: {  	v62 =	vld [tilespmem:s31+$0x1B230];
	v1 =	vand.u32 $0xFFFFFFF0, v1;
	[tilespmem:s31+$0x1C200] =	vst v3;
	v3 =	vand.u32 $0xF, v54  }
0x8f: {  	v63 =	vld [tilespmem:s31+$0x1BA50];
	[tilespmem:s31+$0x1CA00] =	vst v1;
	v1 =	vadd.s32 v56, v60;
	v3 =	vmul.u32 $0x19000, v3  }
0x90: {  	v12 =	vld [tilespmem:s31+$0x1B240];
	[tilespmem:s31+$0x1C210] =	vst v1;
	v1 =	vand.u32 $0xFFFFFFF0, v2;
	v2 =	vand.u32 $0xF, v57  }
0x91: {  	[tilespmem:s31+$0x1CA10] =	vst v1;
	v2 =	vmul.u32 $0x19000, v2;
	v1 =	vadd.s32 v59, v3;
	v3 =	vld [tilespmem:s31+$0x1BA60]  }
0x92: {  	v14 =	vld [tilespmem:s31+$0x1B250];
	v13 =	vand.u32 $0xF, v61;
	[tilespmem:s31+$0x1C220] =	vst v1;
	v1 =	vand.u32 $0xFFFFFFF0, v54  }
0x93: {  	v15 =	vld [tilespmem:s31+$0x1BA70];
	[tilespmem:s31+$0x1CA20] =	vst v1;
	v1 =	vadd.s32 v62, v2;
	v2 =	vmul.u32 $0x19000, v13  }
0x94: {  	v17 =	vld [tilespmem:s31+$0x1B260];
	v16 =	vand.u32 $0xF, v63;
	[tilespmem:s31+$0x1C230] =	vst v1;
	v1 =	vand.u32 $0xFFFFFFF0, v57  }
0x95: {  	[tilespmem:s31+$0x1CA30] =	vst v1;
	v1 =	vadd.s32 v12, v2;
	v2 =	vmul.u32 $0x19000, v16  }
0x96: {  	v19 =	vld [tilespmem:s31+$0x1B270];
	[tilespmem:s31+$0x1C240] =	vst v1;
	v1 =	vand.u32 $0xFFFFFFF0, v61;
	v18 =	vand.u32 $0xF, v3  }
0x97: {  	[tilespmem:s31+$0x1CA40] =	vst v1;
	v1 =	vadd.s32 v14, v2;
	v2 =	vmul.u32 $0x19000, v18  }
0x98: {  	v20 =	vand.u32 $0xF, v15;
	[tilespmem:s31+$0x1C250] =	vst v1;
	v1 =	vand.u32 $0xFFFFFFF0, v63  }
0x99: {  	[tilespmem:s31+$0x1CA50] =	vst v1;
	v1 =	vadd.s32 v17, v2;
	v2 =	vmul.u32 $0x19000, v20  }
0x9a: {  	[tilespmem:s31+$0x1C260] =	vst v1;
	v1 =	vand.u32 $0xFFFFFFF0, v3  }
0x9b: {  	[tilespmem:s31+$0x1CA60] =	vst v1;
	v1 =	vadd.s32 v19, v2  }
0x9c: {  	[tilespmem:s31+$0x1C270] =	vst v1;
	v1 =	vand.u32 $0xFFFFFFF0, v15  }
0x9d: {  	s0 =	sor.u32 $0x1C200, s31;
	s3 =	sor.u32 $0x1CA00, s31;
	[tilespmem:s31+$0x1CA70] =	vst v1  }
0x9e: {  	[spmem:s1] =	stream.indirect.scatter.add.f32 [tilespmem:s3], [sflag:$0x3], $0x1, s0, s20, $0xb8;
	[tilespmem:$0x1D900] =	vst v63  }
0x9f: {  	v1 =	vld [tilespmem:s31+$0x1BA80];
	_ =	sdelay $0x1  }
0xa0: {  	v2 =	vld [tilespmem:s31+$0x1BA90]  }
0xa1: {  	v3 =	vld [tilespmem:s31+$0x1B280]  }
0xa2: {  	v21 =	vld [tilespmem:s31+$0x1BAA0]  }
0xa3: {  	v23 =	vld [tilespmem:s31+$0x1B290];
	v22 =	vand.u32 $0xF, v1  }
0xa4: {  	v24 =	vld [tilespmem:s31+$0x1BAB0];
	v5 =	vmul.u32 $0x19000, v22  }
0xa5: {  	v26 =	vld [tilespmem:s31+$0x1B2A0];
	v25 =	vand.u32 $0xF, v2  }
0xa6: {  	v28 =	vld [tilespmem:s31+$0x1BAC0];
	v27 =	vmul.u32 $0x19000, v25;
	v3 =	vadd.s32 v3, v5  }
0xa7: {  	v29 =	vld [tilespmem:s31+$0x1B2B0];
	v1 =	vand.u32 $0xFFFFFFF0, v1;
	[tilespmem:s31+$0x1C280] =	vst v3;
	v3 =	vand.u32 $0xF, v21  }
0xa8: {  	v30 =	vld [tilespmem:s31+$0x1BAD0];
	[tilespmem:s31+$0x1CA80] =	vst v1;
	v1 =	vadd.s32 v23, v27;
	v3 =	vmul.u32 $0x19000, v3  }
0xa9: {  	v31 =	vld [tilespmem:s31+$0x1B2C0];
	[tilespmem:s31+$0x1C290] =	vst v1;
	v1 =	vand.u32 $0xFFFFFFF0, v2;
	v2 =	vand.u32 $0xF, v24  }
0xaa: {  	[tilespmem:s31+$0x1CA90] =	vst v1;
	v2 =	vmul.u32 $0x19000, v2;
	v1 =	vadd.s32 v26, v3;
	v3 =	vld [tilespmem:s31+$0x1BAE0]  }
0xab: {  	v33 =	vld [tilespmem:s31+$0x1B2D0];
	v32 =	vand.u32 $0xF, v28;
	[tilespmem:s31+$0x1C2A0] =	vst v1;
	v1 =	vand.u32 $0xFFFFFFF0, v21  }
0xac: {  	v34 =	vld [tilespmem:s31+$0x1BAF0];
	[tilespmem:s31+$0x1CAA0] =	vst v1;
	v1 =	vadd.s32 v29, v2;
	v2 =	vmul.u32 $0x19000, v32  }
0xad: {  	v36 =	vld [tilespmem:s31+$0x1B2E0];
	v35 =	vand.u32 $0xF, v30;
	[tilespmem:s31+$0x1C2B0] =	vst v1;
	v1 =	vand.u32 $0xFFFFFFF0, v24  }
0xae: {  	[tilespmem:s31+$0x1CAB0] =	vst v1;
	v1 =	vadd.s32 v31, v2;
	v2 =	vmul.u32 $0x19000, v35  }
0xaf: {  	v38 =	vld [tilespmem:s31+$0x1B2F0];
	[tilespmem:s31+$0x1C2C0] =	vst v1;
	v1 =	vand.u32 $0xFFFFFFF0, v28;
	v37 =	vand.u32 $0xF, v3  }
0xb0: {  	[tilespmem:s31+$0x1CAC0] =	vst v1;
	v1 =	vadd.s32 v33, v2;
	v2 =	vmul.u32 $0x19000, v37  }
0xb1: {  	v39 =	vand.u32 $0xF, v34;
	[tilespmem:s31+$0x1C2D0] =	vst v1;
	v1 =	vand.u32 $0xFFFFFFF0, v30  }
0xb2: {  	[tilespmem:s31+$0x1CAD0] =	vst v1;
	v1 =	vadd.s32 v36, v2;
	v2 =	vmul.u32 $0x19000, v39  }
0xb3: {  	[tilespmem:s31+$0x1C2E0] =	vst v1;
	v1 =	vand.u32 $0xFFFFFFF0, v3  }
0xb4: {  	[tilespmem:s31+$0x1CAE0] =	vst v1;
	v1 =	vadd.s32 v38, v2  }
0xb5: {  	[tilespmem:s31+$0x1C2F0] =	vst v1;
	v1 =	vand.u32 $0xFFFFFFF0, v34  }
0xb6: {  	s0 =	sor.u32 $0x1C280, s31;
	s3 =	sor.u32 $0x1CA80, s31;
	[tilespmem:s31+$0x1CAF0] =	vst v1  }
0xb7: {  	[spmem:s1] =	stream.indirect.scatter.add.f32 [tilespmem:s3], [sflag:$0x3], $0x1, s0, s20, $0xb8;
	[tilespmem:$0x1D900] =	vst v63  }
0xb8: {  	v1 =	vld [tilespmem:s31+$0x1BB00];
	_ =	sdelay $0x1  }
0xb9: {  	v2 =	vld [tilespmem:s31+$0x1BB10]  }
0xba: {  	v3 =	vld [tilespmem:s31+$0x1B300]  }
0xbb: {  	v40 =	vld [tilespmem:s31+$0x1BB20]  }
0xbc: {  	v42 =	vld [tilespmem:s31+$0x1B310];
	v41 =	vand.u32 $0xF, v1  }
0xbd: {  	v43 =	vld [tilespmem:s31+$0x1BB30];
	v5 =	vmul.u32 $0x19000, v41  }
0xbe: {  	v45 =	vld [tilespmem:s31+$0x1B320];
	v44 =	vand.u32 $0xF, v2  }
0xbf: {  	v47 =	vld [tilespmem:s31+$0x1BB40];
	v46 =	vmul.u32 $0x19000, v44;
	v3 =	vadd.s32 v3, v5  }
0xc0: {  	v48 =	vld [tilespmem:s31+$0x1B330];
	v1 =	vand.u32 $0xFFFFFFF0, v1;
	[tilespmem:s31+$0x1C300] =	vst v3;
	v3 =	vand.u32 $0xF, v40  }
0xc1: {  	v49 =	vld [tilespmem:s31+$0x1BB50];
	[tilespmem:s31+$0x1CB00] =	vst v1;
	v1 =	vadd.s32 v42, v46;
	v3 =	vmul.u32 $0x19000, v3  }
0xc2: {  	v50 =	vld [tilespmem:s31+$0x1B340];
	[tilespmem:s31+$0x1C310] =	vst v1;
	v1 =	vand.u32 $0xFFFFFFF0, v2;
	v2 =	vand.u32 $0xF, v43  }
0xc3: {  	[tilespmem:s31+$0x1CB10] =	vst v1;
	v2 =	vmul.u32 $0x19000, v2;
	v1 =	vadd.s32 v45, v3;
	v3 =	vld [tilespmem:s31+$0x1BB60]  }
0xc4: {  	v52 =	vld [tilespmem:s31+$0x1B350];
	v51 =	vand.u32 $0xF, v47;
	[tilespmem:s31+$0x1C320] =	vst v1;
	v1 =	vand.u32 $0xFFFFFFF0, v40  }
0xc5: {  	v53 =	vld [tilespmem:s31+$0x1BB70];
	[tilespmem:s31+$0x1CB20] =	vst v1;
	v1 =	vadd.s32 v48, v2;
	v2 =	vmul.u32 $0x19000, v51  }
0xc6: {  	v55 =	vld [tilespmem:s31+$0x1B360];
	v54 =	vand.u32 $0xF, v49;
	[tilespmem:s31+$0x1C330] =	vst v1;
	v1 =	vand.u32 $0xFFFFFFF0, v43  }
0xc7: {  	[tilespmem:s31+$0x1CB30] =	vst v1;
	v1 =	vadd.s32 v50, v2;
	v2 =	vmul.u32 $0x19000, v54  }
0xc8: {  	v57 =	vld [tilespmem:s31+$0x1B370];
	[tilespmem:s31+$0x1C340] =	vst v1;
	v1 =	vand.u32 $0xFFFFFFF0, v47;
	v56 =	vand.u32 $0xF, v3  }
0xc9: {  	[tilespmem:s31+$0x1CB40] =	vst v1;
	v1 =	vadd.s32 v52, v2;
	v2 =	vmul.u32 $0x19000, v56  }
0xca: {  	v58 =	vand.u32 $0xF, v53;
	[tilespmem:s31+$0x1C350] =	vst v1;
	v1 =	vand.u32 $0xFFFFFFF0, v49  }
0xcb: {  	[tilespmem:s31+$0x1CB50] =	vst v1;
	v1 =	vadd.s32 v55, v2;
	v2 =	vmul.u32 $0x19000, v58  }
0xcc: {  	[tilespmem:s31+$0x1C360] =	vst v1;
	v1 =	vand.u32 $0xFFFFFFF0, v3  }
0xcd: {  	[tilespmem:s31+$0x1CB60] =	vst v1;
	v1 =	vadd.s32 v57, v2  }
0xce: {  	[tilespmem:s31+$0x1C370] =	vst v1;
	v1 =	vand.u32 $0xFFFFFFF0, v53  }
0xcf: {  	s0 =	sor.u32 $0x1C300, s31;
	s3 =	sor.u32 $0x1CB00, s31;
	[tilespmem:s31+$0x1CB70] =	vst v1  }
0xd0: {  	[spmem:s1] =	stream.indirect.scatter.add.f32 [tilespmem:s3], [sflag:$0x3], $0x1, s0, s20, $0xb8;
	[tilespmem:$0x1D900] =	vst v63  }
0xd1: {  	v1 =	vld [tilespmem:s31+$0x1BB80];
	_ =	sdelay $0x1  }
0xd2: {  	v2 =	vld [tilespmem:s31+$0x1BB90]  }
0xd3: {  	v3 =	vld [tilespmem:s31+$0x1B380]  }
0xd4: {  	v59 =	vld [tilespmem:s31+$0x1BBA0]  }
0xd5: {  	v61 =	vld [tilespmem:s31+$0x1B390];
	v60 =	vand.u32 $0xF, v1  }
0xd6: {  	v62 =	vld [tilespmem:s31+$0x1BBB0];
	v5 =	vmul.u32 $0x19000, v60  }
0xd7: {  	v12 =	vld [tilespmem:s31+$0x1B3A0];
	v63 =	vand.u32 $0xF, v2  }
0xd8: {  	v14 =	vld [tilespmem:s31+$0x1BBC0];
	v13 =	vmul.u32 $0x19000, v63;
	v3 =	vadd.s32 v3, v5  }
0xd9: {  	v15 =	vld [tilespmem:s31+$0x1B3B0];
	v1 =	vand.u32 $0xFFFFFFF0, v1;
	[tilespmem:s31+$0x1C380] =	vst v3;
	v3 =	vand.u32 $0xF, v59  }
0xda: {  	v16 =	vld [tilespmem:s31+$0x1BBD0];
	[tilespmem:s31+$0x1CB80] =	vst v1;
	v1 =	vadd.s32 v61, v13;
	v3 =	vmul.u32 $0x19000, v3  }
0xdb: {  	v17 =	vld [tilespmem:s31+$0x1B3C0];
	[tilespmem:s31+$0x1C390] =	vst v1;
	v1 =	vand.u32 $0xFFFFFFF0, v2;
	v2 =	vand.u32 $0xF, v62  }
0xdc: {  	[tilespmem:s31+$0x1CB90] =	vst v1;
	v2 =	vmul.u32 $0x19000, v2;
	v1 =	vadd.s32 v12, v3;
	v3 =	vld [tilespmem:s31+$0x1BBE0]  }
0xdd: {  	v19 =	vld [tilespmem:s31+$0x1B3D0];
	v18 =	vand.u32 $0xF, v14;
	[tilespmem:s31+$0x1C3A0] =	vst v1;
	v1 =	vand.u32 $0xFFFFFFF0, v59  }
0xde: {  	v20 =	vld [tilespmem:s31+$0x1BBF0];
	[tilespmem:s31+$0x1CBA0] =	vst v1;
	v1 =	vadd.s32 v15, v2;
	v2 =	vmul.u32 $0x19000, v18  }
0xdf: {  	v22 =	vld [tilespmem:s31+$0x1B3E0];
	v21 =	vand.u32 $0xF, v16;
	[tilespmem:s31+$0x1C3B0] =	vst v1;
	v1 =	vand.u32 $0xFFFFFFF0, v62  }
0xe0: {  	[tilespmem:s31+$0x1CBB0] =	vst v1;
	v1 =	vadd.s32 v17, v2;
	v2 =	vmul.u32 $0x19000, v21  }
0xe1: {  	v24 =	vld [tilespmem:s31+$0x1B3F0];
	[tilespmem:s31+$0x1C3C0] =	vst v1;
	v1 =	vand.u32 $0xFFFFFFF0, v14;
	v23 =	vand.u32 $0xF, v3  }
0xe2: {  	[tilespmem:s31+$0x1CBC0] =	vst v1;
	v1 =	vadd.s32 v19, v2;
	v2 =	vmul.u32 $0x19000, v23  }
0xe3: {  	v25 =	vand.u32 $0xF, v20;
	[tilespmem:s31+$0x1C3D0] =	vst v1;
	v1 =	vand.u32 $0xFFFFFFF0, v16  }
0xe4: {  	[tilespmem:s31+$0x1CBD0] =	vst v1;
	v1 =	vadd.s32 v22, v2;
	v2 =	vmul.u32 $0x19000, v25  }
0xe5: {  	[tilespmem:s31+$0x1C3E0] =	vst v1;
	v1 =	vand.u32 $0xFFFFFFF0, v3  }
0xe6: {  	[tilespmem:s31+$0x1CBE0] =	vst v1;
	v1 =	vadd.s32 v24, v2  }
0xe7: {  	[tilespmem:s31+$0x1C3F0] =	vst v1;
	v1 =	vand.u32 $0xFFFFFFF0, v20  }
0xe8: {  	s0 =	sor.u32 $0x1C380, s31;
	s3 =	sor.u32 $0x1CB80, s31;
	[tilespmem:s31+$0x1CBF0] =	vst v1  }
0xe9: {  	[spmem:s1] =	stream.indirect.scatter.add.f32 [tilespmem:s3], [sflag:$0x3], $0x1, s0, s20, $0xb8;
	[tilespmem:$0x1D900] =	vst v63  }
0xea: {  	v1 =	vld [tilespmem:s31+$0x1BC00];
	_ =	sdelay $0x1  }
0xeb: {  	v2 =	vld [tilespmem:s31+$0x1BC10]  }
0xec: {  	v3 =	vld [tilespmem:s31+$0x1B400]  }
0xed: {  	v26 =	vld [tilespmem:s31+$0x1BC20]  }
0xee: {  	v28 =	vld [tilespmem:s31+$0x1B410];
	v27 =	vand.u32 $0xF, v1  }
0xef: {  	v29 =	vld [tilespmem:s31+$0x1BC30];
	v5 =	vmul.u32 $0x19000, v27  }
0xf0: {  	v31 =	vld [tilespmem:s31+$0x1B420];
	v30 =	vand.u32 $0xF, v2  }
0xf1: {  	v33 =	vld [tilespmem:s31+$0x1BC40];
	v32 =	vmul.u32 $0x19000, v30;
	v3 =	vadd.s32 v3, v5  }
0xf2: {  	v34 =	vld [tilespmem:s31+$0x1B430];
	v1 =	vand.u32 $0xFFFFFFF0, v1;
	[tilespmem:s31+$0x1C400] =	vst v3;
	v3 =	vand.u32 $0xF, v26  }
0xf3: {  	v35 =	vld [tilespmem:s31+$0x1BC50];
	[tilespmem:s31+$0x1CC00] =	vst v1;
	v1 =	vadd.s32 v28, v32;
	v3 =	vmul.u32 $0x19000, v3  }
0xf4: {  	v36 =	vld [tilespmem:s31+$0x1B440];
	[tilespmem:s31+$0x1C410] =	vst v1;
	v1 =	vand.u32 $0xFFFFFFF0, v2;
	v2 =	vand.u32 $0xF, v29  }
0xf5: {  	[tilespmem:s31+$0x1CC10] =	vst v1;
	v2 =	vmul.u32 $0x19000, v2;
	v1 =	vadd.s32 v31, v3;
	v3 =	vld [tilespmem:s31+$0x1BC60]  }
0xf6: {  	v38 =	vld [tilespmem:s31+$0x1B450];
	v37 =	vand.u32 $0xF, v33;
	[tilespmem:s31+$0x1C420] =	vst v1;
	v1 =	vand.u32 $0xFFFFFFF0, v26  }
0xf7: {  	v39 =	vld [tilespmem:s31+$0x1BC70];
	[tilespmem:s31+$0x1CC20] =	vst v1;
	v1 =	vadd.s32 v34, v2;
	v2 =	vmul.u32 $0x19000, v37  }
0xf8: {  	v41 =	vld [tilespmem:s31+$0x1B460];
	v40 =	vand.u32 $0xF, v35;
	[tilespmem:s31+$0x1C430] =	vst v1;
	v1 =	vand.u32 $0xFFFFFFF0, v29  }
0xf9: {  	[tilespmem:s31+$0x1CC30] =	vst v1;
	v1 =	vadd.s32 v36, v2;
	v2 =	vmul.u32 $0x19000, v40  }
0xfa: {  	v43 =	vld [tilespmem:s31+$0x1B470];
	[tilespmem:s31+$0x1C440] =	vst v1;
	v1 =	vand.u32 $0xFFFFFFF0, v33;
	v42 =	vand.u32 $0xF, v3  }
0xfb: {  	[tilespmem:s31+$0x1CC40] =	vst v1;
	v1 =	vadd.s32 v38, v2;
	v2 =	vmul.u32 $0x19000, v42  }
0xfc: {  	v44 =	vand.u32 $0xF, v39;
	[tilespmem:s31+$0x1C450] =	vst v1;
	v1 =	vand.u32 $0xFFFFFFF0, v35  }
0xfd: {  	[tilespmem:s31+$0x1CC50] =	vst v1;
	v1 =	vadd.s32 v41, v2;
	v2 =	vmul.u32 $0x19000, v44  }
0xfe: {  	[tilespmem:s31+$0x1C460] =	vst v1;
	v1 =	vand.u32 $0xFFFFFFF0, v3  }
0xff: {  	[tilespmem:s31+$0x1CC60] =	vst v1;
	v1 =	vadd.s32 v43, v2  }
0x100: {  	[tilespmem:s31+$0x1C470] =	vst v1;
	v1 =	vand.u32 $0xFFFFFFF0, v39  }
0x101: {  	s0 =	sadd.s32 $0x1C400, s31;
	s3 =	sadd.s32 $0x1CC00, s31;
	[tilespmem:s31+$0x1CC70] =	vst v1  }
0x102: {  	[spmem:s1] =	stream.indirect.scatter.add.f32 [tilespmem:s3], [sflag:$0x3], $0x1, s0, s20, $0xb8;
	[tilespmem:$0x1D900] =	vst v63  }
0x103: {  	v1 =	vld [tilespmem:s31+$0x1BC80];
	_ =	sdelay $0x1  }
0x104: {  	v2 =	vld [tilespmem:s31+$0x1BC90]  }
0x105: {  	v3 =	vld [tilespmem:s31+$0x1B480]  }
0x106: {  	v45 =	vld [tilespmem:s31+$0x1BCA0]  }
0x107: {  	v47 =	vld [tilespmem:s31+$0x1B490];
	v46 =	vand.u32 $0xF, v1  }
0x108: {  	v48 =	vld [tilespmem:s31+$0x1BCB0];
	v5 =	vmul.u32 $0x19000, v46  }
0x109: {  	v50 =	vld [tilespmem:s31+$0x1B4A0];
	v49 =	vand.u32 $0xF, v2  }
0x10a: {  	v52 =	vld [tilespmem:s31+$0x1BCC0];
	v51 =	vmul.u32 $0x19000, v49;
	v3 =	vadd.s32 v3, v5  }
0x10b: {  	v53 =	vld [tilespmem:s31+$0x1B4B0];
	v1 =	vand.u32 $0xFFFFFFF0, v1;
	[tilespmem:s31+$0x1C480] =	vst v3;
	v3 =	vand.u32 $0xF, v45  }
0x10c: {  	v54 =	vld [tilespmem:s31+$0x1BCD0];
	[tilespmem:s31+$0x1CC80] =	vst v1;
	v1 =	vadd.s32 v47, v51;
	v3 =	vmul.u32 $0x19000, v3  }
0x10d: {  	v55 =	vld [tilespmem:s31+$0x1B4C0];
	[tilespmem:s31+$0x1C490] =	vst v1;
	v1 =	vand.u32 $0xFFFFFFF0, v2;
	v2 =	vand.u32 $0xF, v48  }
0x10e: {  	[tilespmem:s31+$0x1CC90] =	vst v1;
	v2 =	vmul.u32 $0x19000, v2;
	v1 =	vadd.s32 v50, v3;
	v3 =	vld [tilespmem:s31+$0x1BCE0]  }
0x10f: {  	v57 =	vld [tilespmem:s31+$0x1B4D0];
	v56 =	vand.u32 $0xF, v52;
	[tilespmem:s31+$0x1C4A0] =	vst v1;
	v1 =	vand.u32 $0xFFFFFFF0, v45  }
0x110: {  	v58 =	vld [tilespmem:s31+$0x1BCF0];
	[tilespmem:s31+$0x1CCA0] =	vst v1;
	v1 =	vadd.s32 v53, v2;
	v2 =	vmul.u32 $0x19000, v56  }
0x111: {  	v60 =	vld [tilespmem:s31+$0x1B4E0];
	v59 =	vand.u32 $0xF, v54;
	[tilespmem:s31+$0x1C4B0] =	vst v1;
	v1 =	vand.u32 $0xFFFFFFF0, v48  }
0x112: {  	[tilespmem:s31+$0x1CCB0] =	vst v1;
	v1 =	vadd.s32 v55, v2;
	v2 =	vmul.u32 $0x19000, v59  }
0x113: {  	v62 =	vld [tilespmem:s31+$0x1B4F0];
	[tilespmem:s31+$0x1C4C0] =	vst v1;
	v1 =	vand.u32 $0xFFFFFFF0, v52;
	v61 =	vand.u32 $0xF, v3  }
0x114: {  	[tilespmem:s31+$0x1CCC0] =	vst v1;
	v1 =	vadd.s32 v57, v2;
	v2 =	vmul.u32 $0x19000, v61  }
0x115: {  	v63 =	vand.u32 $0xF, v58;
	[tilespmem:s31+$0x1C4D0] =	vst v1;
	v1 =	vand.u32 $0xFFFFFFF0, v54  }
0x116: {  	[tilespmem:s31+$0x1CCD0] =	vst v1;
	v1 =	vadd.s32 v60, v2;
	v2 =	vmul.u32 $0x19000, v63  }
0x117: {  	[tilespmem:s31+$0x1C4E0] =	vst v1;
	v1 =	vand.u32 $0xFFFFFFF0, v3  }
0x118: {  	[tilespmem:s31+$0x1CCE0] =	vst v1;
	v1 =	vadd.s32 v62, v2  }
0x119: {  	[tilespmem:s31+$0x1C4F0] =	vst v1;
	v1 =	vand.u32 $0xFFFFFFF0, v58  }
0x11a: {  	s0 =	sadd.s32 $0x1C480, s31;
	s3 =	sadd.s32 $0x1CC80, s31;
	[tilespmem:s31+$0x1CCF0] =	vst v1  }
0x11b: {  	[spmem:s1] =	stream.indirect.scatter.add.f32 [tilespmem:s3], [sflag:$0x3], $0x1, s0, s20, $0xb8;
	[tilespmem:$0x1D900] =	vst v63  }
0x11c: {  	s0 =	simm.s32 @!p0 $0x1  }
0x11d: {  	_ =	swait.ge @!p0 [sflag:s0], $0x400  }
0x11e: {  	[sflag:s0] =	ssyncset.done @!p0 $0x0  }
0x11f: {  	[sflag:s0] =	ssyncadd.s32 @!p0 $0xFFFFFC00  }
0x120: {  	_ =	swait.ge @!p0 [sflag:s0], $0x400  }
0x121: {  	[sflag:s0] =	ssyncset.done @!p0 $0x0  }
0x122: {  	s3 =	simm.s32 @!p0 $0x80;
	[sflag:s0] =	ssyncadd.s32 @!p0 $0xFFFFFC00;
	s0 =	sor.u32 @!p0 $0x1B900, s29  }
0x123: {  	[tilespmem:s0], [sflag:$0x2] =	stream.indirect.gather @!p0 [spmem:s2], $0x1, s30, s3, $0xb8;
	[tilespmem:$0x1D900] =	vst v63  }
0x124: {  	s0 =	sor.u32 @!p0 $0x1B980, s29;
	s30 =	sor.u32 @!p0 $0x1A980, s29  }
0x125: {  	[tilespmem:s0], [sflag:$0x2] =	stream.indirect.gather @!p0 [spmem:s2], $0x1, s30, s3, $0xb8;
	[tilespmem:$0x1D900] =	vst v63  }
0x126: {  	s0 =	sor.u32 @!p0 $0x1BA00, s29;
	s30 =	sor.u32 @!p0 $0x1AA00, s29  }
0x127: {  	[tilespmem:s0], [sflag:$0x2] =	stream.indirect.gather @!p0 [spmem:s2], $0x1, s30, s3, $0xb8;
	[tilespmem:$0x1D900] =	vst v63  }
0x128: {  	s25 =	sadd.s32 $0x1, s25;
	s0 =	sor.u32 @!p0 $0x1BA80, s29;
	s30 =	sor.u32 @!p0 $0x1AA80, s29  }
0x129: {  	[tilespmem:s0], [sflag:$0x2] =	stream.indirect.gather @!p0 [spmem:s2], $0x1, s30, s3, $0xb8;
	[tilespmem:$0x1D900] =	vst v63  }
0x12a: {  	p1 =	sne.s32 @!p0 s25, $0x31;
	s0 =	sor.u32 @!p0 $0x1BB00, s29;
	s30 =	sor.u32 @!p0 $0x1AB00, s29  }
0x12b: {  	[tilespmem:s0], [sflag:$0x2] =	stream.indirect.gather @!p0 [spmem:s2], $0x1, s30, s3, $0xb8;
	[tilespmem:$0x1D900] =	vst v63  }
0x12c: {  	p1 =	por p0, !p1;
	s0 =	sor.u32 @!p0 $0x1BB80, s29;
	s30 =	sor.u32 @!p0 $0x1AB80, s29  }
0x12d: {  	[tilespmem:s0], [sflag:$0x2] =	stream.indirect.gather @!p0 [spmem:s2], $0x1, s30, s3, $0xb8;
	[tilespmem:$0x1D900] =	vst v63  }
.Ltmp3:
0x12e: {  	_ = 	snop;
	(pc) =	sbr.rel @!p1 .LBB2_8-.Ltmp3, $4  }
0x12f: {  	s12 =	sadd.s32 @!p0 $0x80, s12;
	s0 =	sadd.s32 @!p0 $0x1BC00, s29;
	s30 =	sadd.s32 @!p0 $0x1AC00, s29  }
0x130: {  	[tilespmem:s0], [sflag:$0x2] =	stream.indirect.gather @!p0 [spmem:s2], $0x1, s30, s3, $0xb8;
	[tilespmem:$0x1D900] =	vst v63  }
0x131: {  	s13 =	sadd.s32 @!p0 $0x80, s13;
	s0 =	sadd.s32 @!p0 $0x1BC80, s29;
	s29 =	sadd.s32 @!p0 $0x1AC80, s29  }
0x132: {  	[tilespmem:s0], [sflag:$0x2] =	stream.indirect.gather @!p0 [spmem:s2], $0x1, s29, s3, $0xb8;
	[tilespmem:$0x1D900] =	vst v63  }
0x133: {  	_ =	swait.ge [sflag:s24], $0x400  }
0x134: {  	[sflag:s24] =	ssyncset.done $0x0  }
0x135: {  	[sflag:s24] =	ssyncadd.s32 $0xFFFFFC00  }
0x136: {  	_ =	swait.ge [sflag:s24], $0x400  }
0x137: {  	s4 =	sadd.s32 $0x1, s4;
	[sflag:s24] =	ssyncset.done $0x0  }
0x138: {  	p0 =	sne.s32 s4, s11;
	[sflag:s24] =	ssyncadd.s32 $0xFFFFFC00  }
.Ltmp4:
0x139: {  	s0 =	sshrl.u32 s5, $0x3;
	[bflag:$0x0] =	sbarrier.arrive $0xFFFF;
	(pc) =	sbr.rel @p0 .LBB2_1-.Ltmp4, $4  }
0x13a: {  	[hbm:s10], [sflag:s7] =	dma.local [spmem:s0], $0x3200  }
0x13b: {  	_ =	swait.ge [sflag:s16], $0x3200  }
0x13c: {  	[sflag:s16] =	ssyncset.done $0x0  }
0x13d: {  	[sflag:s16] =	ssyncadd.s32 $0xFFFFCE00  }
0x13e: {  	_ =	sfence.sel $0x180000  }
0x13f: {  	[bflag:$0x0] =	sbarrier.arrive $0xFFFF  }
0x140: {  	_ =	strace $0x9000004A  }
0x141: {  	s0 =	stileid.u32;
	[bflag:$0x2] =	sbarrier.arrive $0xFFFF  }
0x142: {  	p0 =	sne.s32 s0, $0x0;
	s0 =	rddreg [dreg:$0x3]  }
0x143: {  	s0 =	sadd.s32 @!p0 $0x100000, s0  }
0x144: {  	[sflag:s0] =	ssyncadd.tile.s32 @!p0 $0x1;
	_ =	shalt  }
.Lfunc_end2:
_tile_overlayer_lowered:
.L_overlay_start_2:
0x145: {  	(tag) =	ssettag $0x2  }
0x146: {  	s0 =	rddreg [dreg:$0x0];
	s2 =	stileid.u32  }
0x147: {  	s1 =	rddreg [dreg:$0x1];
	p0 =	sne.s32 s2, $0x0  }
0x148: {  	s3 =	rddreg [dreg:$0x2];
	[bflag:$0x3] =	sbarrier.arrive $0xFFFF;
	s2 =	simm.s32 @!p0 $0x1C04  }
0x149: {  	[timem:s3], [sflag:s2] =	dma.local @!p0 [hbm:s0], s1  }
0x14a: {  	s0 =	simm.s32 @!p0 $0x4  }
0x14b: {  	_ =	swait.ge @!p0 [sflag:s0], s1  }
0x14c: {  	s1 =	ssub.s32 @!p0 $0x0, s1;
	[sflag:s0] =	ssyncset.done @!p0 $0x0  }
0x14d: {  	[sflag:s0] =	ssyncadd.s32 @!p0 s1  }
0x14e: {  	[bflag:$0x3] =	sbarrier.arrive $0xFFFF  }
0x14f: {  	_ =	shalt  }

</sc_bundles>
